<compile_context>
chip_gen: v7x
topology: tpu7x:2x2x1
jax: 0.10.2.dev20260603
libtpu: 0.0.44.dev20260713+nightly
codegen_flags: <defaults>
</compile_context>

<pallas_src>
import jax
import jax.numpy as jnp
from jax import lax
from jax.experimental import pallas as pl
from jax.experimental.pallas import tpu as pltpu
from jax.experimental.pallas import tpu_sc as plsc

B = 8
H = 512
W = 512
N = H * W
NB = 2048
TB = 2 * NB
EMAX = 8.0
SCALE = NB / EMAX
NW = 32
WPI = NW // B
RPW = H // WPI
CROWS = 16
NCHUNK = RPW // CROWS
VPR = W // 16
L = 16


def _sc_body(logits_hbm, labels_hbm, tb_out, gs_out,
             lbuf, gbuf, tbl, gscr, sem0, sem1):
    cid = lax.axis_index("c")
    sid = lax.axis_index("s")
    wid = sid * 2 + cid
    img = wid // WPI
    row0 = (wid % WPI) * RPW

    sems = (sem0, sem1)

    def start(c):
        slot = c % 2
        r = row0 + c * CROWS
        hl = pltpu.async_copy(
            logits_hbm.at[img, 0, pl.ds(r, CROWS)], lbuf.at[slot], sems[slot])
        hg = pltpu.async_copy(
            labels_hbm.at[img, pl.ds(r, CROWS)], gbuf.at[slot], sems[slot])
        return hl, hg

    pending = start(0)

    @plsc.parallel_loop(0, TB // L, 1, unroll=8)
    def _(j):
        tbl[pl.ds(j * L, L)] = jnp.zeros((L,), jnp.float32)

    ones = jnp.ones((L,), jnp.float32)
    gacc = jnp.zeros((L,), jnp.float32)
    nvec = CROWS * W // L

    for c in range(NCHUNK):
        slot = c % 2
        nxt = start(c + 1) if c + 1 < NCHUNK else None
        pending[0].wait()
        pending[1].wait()
        pending = nxt
        lb = lbuf.at[slot]
        gb = gbuf.at[slot]

        def vec_body(i, acc, lb=lb, gb=gb):
            r = lax.shift_right_logical(i, 5)
            col = lax.shift_left(jnp.bitwise_and(i, VPR - 1), 4)
            lv = lb[r, pl.ds(col, L)]
            gv = gb[r, pl.ds(col, L)]
            e = (1.0 + lv) - 2.0 * lv * gv
            m = e > 0.0
            binf = jnp.minimum(e * SCALE, NB - 0.5) + gv * float(NB)
            bins = binf.astype(jnp.int32)
            plsc.addupdate_scatter(tbl, [bins], ones, mask=m)
            return acc + gv

        gacc = plsc.parallel_loop(0, nvec, 1, unroll=8, carry=gacc)(vec_body)

    gscr[...] = gacc
    pltpu.sync_copy(tbl, tb_out.at[wid])
    pltpu.sync_copy(gscr, gs_out.at[wid])


@jax.jit
def _sc_hist(logits, labels):
    mesh = plsc.VectorSubcoreMesh(core_axis_name="c", subcore_axis_name="s")
    return pl.kernel(
        _sc_body,
        out_type=(
            jax.ShapeDtypeStruct((NW, TB), jnp.float32),
            jax.ShapeDtypeStruct((NW, L), jnp.float32),
        ),
        mesh=mesh,
        compiler_params=pltpu.CompilerParams(needs_layout_passes=False),
        scratch_types=[
            pltpu.VMEM((2, CROWS, W), jnp.float32),
            pltpu.VMEM((2, CROWS, W), jnp.float32),
            pltpu.VMEM((TB,), jnp.float32),
            pltpu.VMEM((L,), jnp.float32),
            pltpu.SemaphoreType.DMA,
            pltpu.SemaphoreType.DMA,
        ],
    )(logits, labels)


def _tc_body(tb_ref, gs_ref, out_ref):
    C = 512
    R = NB // C
    i0 = lax.broadcasted_iota(jnp.int32, (B, NW), 0)
    i1 = lax.broadcasted_iota(jnp.int32, (B, NW), 1)
    sel = (i1 // WPI == i0).astype(jnp.float32)
    hw = jnp.dot(sel, tb_ref[...], preferred_element_type=jnp.float32)
    hp = hw[:, NB:]
    ha = hw[:, :NB] + hp
    g = jnp.dot(sel, gs_ref[...],
                preferred_element_type=jnp.float32).sum(axis=1, keepdims=True)
    sa, sp = ha, hp
    k = 1
    while k < NB:
        z = jnp.zeros((B, k), jnp.float32)
        sa = sa + jnp.concatenate([z, sa[:, :NB - k]], axis=1)
        sp = sp + jnp.concatenate([z, sp[:, :NB - k]], axis=1)
        k *= 2
    kmid = sa[:, -1:] - sa + 0.5 * ha
    pmid = sp[:, -1:] - sp + 0.5 * hp
    den = g + kmid - pmid
    j = jnp.where(kmid > 0.0,
                  1.0 - (g - pmid) / jnp.maximum(den, 1e-30), 0.0)
    total = jnp.sum(j) * (EMAX / NB / B)
    out_ref[...] = jnp.broadcast_to(total, (1, 1))


@jax.jit
def _tc_final(tb, gs):
    return pl.pallas_call(
        _tc_body,
        out_shape=jax.ShapeDtypeStruct((1, 1), jnp.float32),
    )(tb, gs)


def kernel(logits, labels):
    tb, gs = _sc_hist(logits, labels)
    return _tc_final(tb, gs).reshape(())

# --- scband reference (transcript-rebuilt; emitter-appended) ---
"""Pipeline reference for scband-lovasz-hinge-74483322847646 (READ-ONLY COPY).

The authoritative reference and input builder live on the scoring server;
editing this copy changes nothing except your own understanding.
"""

import jax, jax.numpy as jnp
import numpy as np


def lovasz_grad(gt_sorted):
    gts = gt_sorted.sum()
    intersection = gts - jnp.cumsum(gt_sorted)
    union = gts + jnp.cumsum(1.0 - gt_sorted)
    jaccard = 1.0 - intersection / union
    jaccard = jnp.concatenate([jaccard[:1], jaccard[1:] - jaccard[:-1]])
    return jaccard


def _lovasz_hinge_flat(logits_flat, labels_flat):
    signs = 2.0 * labels_flat - 1.0
    errors = 1.0 - logits_flat * signs
    # descending sort; perm is an integer permutation (no gradient through it)
    perm = jnp.argsort(-errors)
    errors_sorted = errors[perm]
    gt_sorted = labels_flat[perm]
    grad = lovasz_grad(gt_sorted)
    return jnp.dot(jax.nn.relu(errors_sorted), grad)


def setup_inputs(seed: int = 0) -> dict:
    key = jax.random.key(seed)
    k1, k2 = jax.random.split(key)
    logits = jax.random.normal(k1, (8, 1, 512, 512), dtype=jnp.float32)
    labels = jax.random.randint(k2, (8, 512, 512), 0, 2).astype(jnp.float32)
    return {"logits": logits, "labels": labels}


def reference(logits, labels):
    if logits.ndim == 4:
        logits = jnp.squeeze(logits, axis=1)
    B = logits.shape[0]
    # per_image=True: compute loss per image then average
    losses = [
        _lovasz_hinge_flat(logits[i].reshape(-1), labels[i].reshape(-1))
        for i in range(B)
    ]
    return jnp.stack(losses).mean()

if __name__ == "__main__":
    import jax
    _d = setup_inputs()
    print(jax.jit(kernel)(*tuple(_d.values())))

</pallas_src>

<mosaic_0001>
#map = affine_map<(d0, d1) -> (0, 0, 0, 0)>
#map1 = affine_map<(d0, d1) -> (0, 0, 0)>
#map2 = affine_map<(d0, d1) -> (0, 0)>
module attributes {stable_mosaic.version = 14 : i64} {
  func.func @_sc_body(%arg0: i32, %arg1: i32, %arg2: memref<8x1x512x512xf32, #tpu.memory_space<hbm>>, %arg3: memref<8x512x512xf32, #tpu.memory_space<hbm>>, %arg4: memref<32x4096xf32, #tpu.memory_space<hbm>>, %arg5: memref<32x16xf32, #tpu.memory_space<hbm>>, %arg6: memref<2x16x512xf32, #tpu.memory_space<vmem>>, %arg7: memref<2x16x512xf32, #tpu.memory_space<vmem>>, %arg8: memref<4096xf32, #tpu.memory_space<vmem>>, %arg9: memref<16xf32, #tpu.memory_space<vmem>>, %arg10: memref<!tpu.dma_semaphore, #tpu.memory_space<semaphore_mem>>, %arg11: memref<!tpu.dma_semaphore, #tpu.memory_space<semaphore_mem>>) attributes {dimension_semantics = [#tpu.dimension_semantics<core_parallel>, #tpu.dimension_semantics<subcore_parallel>], iteration_bounds = array<i64: 2, 16>, scalar_prefetch = 0 : i64, scratch_operands = 6 : i64, tpu.core_type = #tpu.core_type<sc_vector_subcore>, window_params = [{transform_indices = #map}, {transform_indices = #map1}, {transform_indices = #map2}, {transform_indices = #map2}]} {
    %mul3A = arith.constant 2 : i32
    %mul3A_0 = arith.muli %arg1, %mul3A : i32
    %add3A = arith.addi %mul3A_0, %arg0 : i32
    %jit3A = arith.constant 4 : i32
    %div3A = arith.divsi %add3A, %jit3A : i32
    %sign3A = arith.constant 0 : i32
    %sign3A_1 = arith.cmpi sgt, %add3A, %sign3A : i32
    %sign3A_2 = arith.extui %sign3A_1 : i1 to i32
    %sign3A_3 = arith.constant 0 : i32
    %sign3A_4 = arith.cmpi slt, %add3A, %sign3A_3 : i32
    %sign3A_5 = arith.extui %sign3A_4 : i1 to i32
    %sign3A_6 = arith.subi %sign3A_2, %sign3A_5 : i32
    %sign3A_7 = arith.constant 0 : i32
    %sign3A_8 = arith.cmpi sgt, %jit3A, %sign3A_7 : i32
    %sign3A_9 = arith.extui %sign3A_8 : i1 to i32
    %sign3A_10 = arith.constant 0 : i32
    %sign3A_11 = arith.cmpi slt, %jit3A, %sign3A_10 : i32
    %sign3A_12 = arith.extui %sign3A_11 : i1 to i32
    %sign3A_13 = arith.subi %sign3A_9, %sign3A_12 : i32
    %ne3A = arith.cmpi ne, %sign3A_6, %sign3A_13 : i32
    %rem3A = arith.remsi %add3A, %jit3A : i32
    %ne3A_14 = arith.constant 0 : i32
    %ne3A_15 = arith.cmpi ne, %rem3A, %ne3A_14 : i32
    %and3A = arith.andi %ne3A, %ne3A_15 : i1
    %sub3A = arith.constant 1 : i32
    %sub3A_16 = arith.subi %div3A, %sub3A : i32
    %select_n3A = arith.select %and3A, %sub3A_16, %div3A : i32
    %jit3A_17 = arith.constant 4 : i32
    %eq3A = arith.constant 0 : i32
    %eq3A_18 = arith.cmpi eq, %jit3A_17, %eq3A : i32
    %jit3A_19 = arith.constant 1 : i32
    %select_n3A_20 = arith.select %eq3A_18, %jit3A_19, %jit3A_17 : i32
    %rem3A_21 = arith.remsi %add3A, %select_n3A_20 : i32
    %ne3A_22 = arith.constant 0 : i32
    %ne3A_23 = arith.cmpi ne, %rem3A_21, %ne3A_22 : i32
    %lt3A = arith.constant 0 : i32
    %lt3A_24 = arith.cmpi slt, %rem3A_21, %lt3A : i32
    %lt3A_25 = arith.constant 0 : i32
    %lt3A_26 = arith.cmpi slt, %select_n3A_20, %lt3A_25 : i32
    %ne3A_27 = arith.xori %lt3A_24, %lt3A_26 : i1
    %and3A_28 = arith.andi %ne3A_27, %ne3A_23 : i1
    %add3A_29 = arith.addi %rem3A_21, %select_n3A_20 : i32
    %select_n3A_30 = arith.select %and3A_28, %add3A_29, %rem3A_21 : i32
    %mul3A_31 = arith.constant 128 : i32
    %mul3A_32 = arith.muli %select_n3A_30, %mul3A_31 : i32
    %add3A_33 = arith.constant 0 : i32
    %add3A_34 = arith.addi %mul3A_32, %add3A_33 : i32
    %dma_start3A = arith.constant 0 : i32
    %dma_start3A_35 = arith.constant 0 : i32
    %dma_start3A_36 = arith.constant 0 : i32
    %dma_start3A_37 = arith.constant 0 : i32
    %dma_start3A_38 = tpu.memref_slice %arg6[%dma_start3A_35, %dma_start3A_36, %dma_start3A_37] : memref<2x16x512xf32, #tpu.memory_space<vmem>> -> memref<1x16x512xf32, #tpu.memory_space<vmem>>
    %dma_start3A_39 = tpu.memref_squeeze %dma_start3A_38 : memref<1x16x512xf32, #tpu.memory_space<vmem>> -> memref<16x512xf32, #tpu.memory_space<vmem>>
    %dma_start3A_40 = arith.constant 0 : i32
    %dma_start3A_41 = tpu.memref_slice %arg2[%select_n3A, %dma_start3A, %add3A_34, %dma_start3A_40] : memref<8x1x512x512xf32, #tpu.memory_space<hbm>> -> memref<1x1x16x512xf32, #tpu.memory_space<hbm>>
    %dma_start3A_42 = tpu.memref_squeeze %dma_start3A_41 : memref<1x1x16x512xf32, #tpu.memory_space<hbm>> -> memref<16x512xf32, #tpu.memory_space<hbm>>
    %dma_start3A_43 = arith.constant 0 : i32
    %dma_start3A_44 = arith.constant 0 : i32
    %dma_start3A_45 = tpu.memref_slice %arg6[%dma_start3A_35, %dma_start3A_43, %dma_start3A_44] : memref<2x16x512xf32, #tpu.memory_space<vmem>> -> memref<1x16x512xf32, #tpu.memory_space<vmem>>
    %dma_start3A_46 = tpu.memref_squeeze %dma_start3A_45 : memref<1x16x512xf32, #tpu.memory_space<vmem>> -> memref<16x512xf32, #tpu.memory_space<vmem>>
    %dma_start3A_47 = arith.constant 0 : i32
    %dma_start3A_48 = tpu.memref_slice %arg2[%select_n3A, %dma_start3A, %add3A_34, %dma_start3A_47] : memref<8x1x512x512xf32, #tpu.memory_space<hbm>> -> memref<1x1x16x512xf32, #tpu.memory_space<hbm>>
    %dma_start3A_49 = tpu.memref_squeeze %dma_start3A_48 : memref<1x1x16x512xf32, #tpu.memory_space<hbm>> -> memref<16x512xf32, #tpu.memory_space<hbm>>
    tpu.enqueue_dma source(%dma_start3A_49 : memref<16x512xf32, #tpu.memory_space<hbm>>) target(%dma_start3A_46 : memref<16x512xf32, #tpu.memory_space<vmem>>) target_semaphore(%arg10 : memref<!tpu.dma_semaphore, #tpu.memory_space<semaphore_mem>>)
    %dma_start3A_50 = arith.constant 0 : i32
    %dma_start3A_51 = arith.constant 0 : i32
    %dma_start3A_52 = arith.constant 0 : i32
    %dma_start3A_53 = tpu.memref_slice %arg7[%dma_start3A_50, %dma_start3A_51, %dma_start3A_52] : memref<2x16x512xf32, #tpu.memory_space<vmem>> -> memref<1x16x512xf32, #tpu.memory_space<vmem>>
    %dma_start3A_54 = tpu.memref_squeeze %dma_start3A_53 : memref<1x16x512xf32, #tpu.memory_space<vmem>> -> memref<16x512xf32, #tpu.memory_space<vmem>>
    %dma_start3A_55 = arith.constant 0 : i32
    %dma_start3A_56 = tpu.memref_slice %arg3[%select_n3A, %add3A_34, %dma_start3A_55] : memref<8x512x512xf32, #tpu.memory_space<hbm>> -> memref<1x16x512xf32, #tpu.memory_space<hbm>>
    %dma_start3A_57 = tpu.memref_squeeze %dma_start3A_56 : memref<1x16x512xf32, #tpu.memory_space<hbm>> -> memref<16x512xf32, #tpu.memory_space<hbm>>
    %dma_start3A_58 = arith.constant 0 : i32
    %dma_start3A_59 = arith.constant 0 : i32
    %dma_start3A_60 = tpu.memref_slice %arg7[%dma_start3A_50, %dma_start3A_58, %dma_start3A_59] : memref<2x16x512xf32, #tpu.memory_space<vmem>> -> memref<1x16x512xf32, #tpu.memory_space<vmem>>
    %dma_start3A_61 = tpu.memref_squeeze %dma_start3A_60 : memref<1x16x512xf32, #tpu.memory_space<vmem>> -> memref<16x512xf32, #tpu.memory_space<vmem>>
    %dma_start3A_62 = arith.constant 0 : i32
    %dma_start3A_63 = tpu.memref_slice %arg3[%select_n3A, %add3A_34, %dma_start3A_62] : memref<8x512x512xf32, #tpu.memory_space<hbm>> -> memref<1x16x512xf32, #tpu.memory_space<hbm>>
    %dma_start3A_64 = tpu.memref_squeeze %dma_start3A_63 : memref<1x16x512xf32, #tpu.memory_space<hbm>> -> memref<16x512xf32, #tpu.memory_space<hbm>>
    tpu.enqueue_dma source(%dma_start3A_64 : memref<16x512xf32, #tpu.memory_space<hbm>>) target(%dma_start3A_61 : memref<16x512xf32, #tpu.memory_space<vmem>>) target_semaphore(%arg10 : memref<!tpu.dma_semaphore, #tpu.memory_space<semaphore_mem>>)
    %parallel_loop3A = arith.constant 0 : i32
    %parallel_loop3A_65 = arith.constant 256 : i32
    %parallel_loop3A_66 = arith.constant 1 : i32
    scf.for %parallel_loop3A_597 = %parallel_loop3A to %parallel_loop3A_65 step %parallel_loop3A_66  : i32 {
      %parallel_loop3A_598 = arith.constant 0.000000e+00 : f32
      %parallel_loop3A_599 = vector.broadcast %parallel_loop3A_598 : f32 to vector<16xf32>
      %parallel_loop3A_600 = arith.constant 16 : i32
      %parallel_loop3A_601 = arith.muli %parallel_loop3A_597, %parallel_loop3A_600 : i32
      %parallel_loop3A_602 = arith.index_cast %parallel_loop3A_601 : i32 to index
      %parallel_loop3A_603 = tpu.vector_load %arg8[%parallel_loop3A_602] {strides = array<i32>} : memref<4096xf32, #tpu.memory_space<vmem>>, vector<16xf32>,
      tpu.vector_store %arg8[%parallel_loop3A_602], %parallel_loop3A_599 {strides = array<i32>} : memref<4096xf32, #tpu.memory_space<vmem>>, vector<16xf32>,
    } {sc.loop_unroll_factor = 8 : i64, sc.parallel_access}
    %broadcast_in_dim3A = arith.constant 1.000000e+00 : f32
    %broadcast_in_dim3A_67 = vector.broadcast %broadcast_in_dim3A : f32 to vector<16xf32>
    %broadcast_in_dim3A_68 = arith.constant 0.000000e+00 : f32
    %broadcast_in_dim3A_69 = vector.broadcast %broadcast_in_dim3A_68 : f32 to vector<16xf32>
    %add3A_70 = arith.constant 16 : i32
    %add3A_71 = arith.addi %mul3A_32, %add3A_70 : i32
    %dma_start3A_72 = arith.constant 0 : i32
    %dma_start3A_73 = arith.constant 1 : i32
    %dma_start3A_74 = arith.constant 0 : i32
    %dma_start3A_75 = arith.constant 0 : i32
    %dma_start3A_76 = tpu.memref_slice %arg6[%dma_start3A_73, %dma_start3A_74, %dma_start3A_75] : memref<2x16x512xf32, #tpu.memory_space<vmem>> -> memref<1x16x512xf32, #tpu.memory_space<vmem>>
    %dma_start3A_77 = tpu.memref_squeeze %dma_start3A_76 : memref<1x16x512xf32, #tpu.memory_space<vmem>> -> memref<16x512xf32, #tpu.memory_space<vmem>>
    %dma_start3A_78 = arith.constant 0 : i32
    %dma_start3A_79 = tpu.memref_slice %arg2[%select_n3A, %dma_start3A_72, %add3A_71, %dma_start3A_78] : memref<8x1x512x512xf32, #tpu.memory_space<hbm>> -> memref<1x1x16x512xf32, #tpu.memory_space<hbm>>
    %dma_start3A_80 = tpu.memref_squeeze %dma_start3A_79 : memref<1x1x16x512xf32, #tpu.memory_space<hbm>> -> memref<16x512xf32, #tpu.memory_space<hbm>>
    %dma_start3A_81 = arith.constant 0 : i32
    %dma_start3A_82 = arith.constant 0 : i32
    %dma_start3A_83 = tpu.memref_slice %arg6[%dma_start3A_73, %dma_start3A_81, %dma_start3A_82] : memref<2x16x512xf32, #tpu.memory_space<vmem>> -> memref<1x16x512xf32, #tpu.memory_space<vmem>>
    %dma_start3A_84 = tpu.memref_squeeze %dma_start3A_83 : memref<1x16x512xf32, #tpu.memory_space<vmem>> -> memref<16x512xf32, #tpu.memory_space<vmem>>
    %dma_start3A_85 = arith.constant 0 : i32
    %dma_start3A_86 = tpu.memref_slice %arg2[%select_n3A, %dma_start3A_72, %add3A_71, %dma_start3A_85] : memref<8x1x512x512xf32, #tpu.memory_space<hbm>> -> memref<1x1x16x512xf32, #tpu.memory_space<hbm>>
    %dma_start3A_87 = tpu.memref_squeeze %dma_start3A_86 : memref<1x1x16x512xf32, #tpu.memory_space<hbm>> -> memref<16x512xf32, #tpu.memory_space<hbm>>
    tpu.enqueue_dma source(%dma_start3A_87 : memref<16x512xf32, #tpu.memory_space<hbm>>) target(%dma_start3A_84 : memref<16x512xf32, #tpu.memory_space<vmem>>) target_semaphore(%arg11 : memref<!tpu.dma_semaphore, #tpu.memory_space<semaphore_mem>>)
    %dma_start3A_88 = arith.constant 1 : i32
    %dma_start3A_89 = arith.constant 0 : i32
    %dma_start3A_90 = arith.constant 0 : i32
    %dma_start3A_91 = tpu.memref_slice %arg7[%dma_start3A_88, %dma_start3A_89, %dma_start3A_90] : memref<2x16x512xf32, #tpu.memory_space<vmem>> -> memref<1x16x512xf32, #tpu.memory_space<vmem>>
    %dma_start3A_92 = tpu.memref_squeeze %dma_start3A_91 : memref<1x16x512xf32, #tpu.memory_space<vmem>> -> memref<16x512xf32, #tpu.memory_space<vmem>>
    %dma_start3A_93 = arith.constant 0 : i32
    %dma_start3A_94 = tpu.memref_slice %arg3[%select_n3A, %add3A_71, %dma_start3A_93] : memref<8x512x512xf32, #tpu.memory_space<hbm>> -> memref<1x16x512xf32, #tpu.memory_space<hbm>>
    %dma_start3A_95 = tpu.memref_squeeze %dma_start3A_94 : memref<1x16x512xf32, #tpu.memory_space<hbm>> -> memref<16x512xf32, #tpu.memory_space<hbm>>
    %dma_start3A_96 = arith.constant 0 : i32
    %dma_start3A_97 = arith.constant 0 : i32
    %dma_start3A_98 = tpu.memref_slice %arg7[%dma_start3A_88, %dma_start3A_96, %dma_start3A_97] : memref<2x16x512xf32, #tpu.memory_space<vmem>> -> memref<1x16x512xf32, #tpu.memory_space<vmem>>
    %dma_start3A_99 = tpu.memref_squeeze %dma_start3A_98 : memref<1x16x512xf32, #tpu.memory_space<vmem>> -> memref<16x512xf32, #tpu.memory_space<vmem>>
    %dma_start3A_100 = arith.constant 0 : i32
    %dma_start3A_101 = tpu.memref_slice %arg3[%select_n3A, %add3A_71, %dma_start3A_100] : memref<8x512x512xf32, #tpu.memory_space<hbm>> -> memref<1x16x512xf32, #tpu.memory_space<hbm>>
    %dma_start3A_102 = tpu.memref_squeeze %dma_start3A_101 : memref<1x16x512xf32, #tpu.memory_space<hbm>> -> memref<16x512xf32, #tpu.memory_space<hbm>>
    tpu.enqueue_dma source(%dma_start3A_102 : memref<16x512xf32, #tpu.memory_space<hbm>>) target(%dma_start3A_99 : memref<16x512xf32, #tpu.memory_space<vmem>>) target_semaphore(%arg11 : memref<!tpu.dma_semaphore, #tpu.memory_space<semaphore_mem>>)
    %dma_wait3A = arith.constant 0 : i32
    %dma_wait3A_103 = arith.constant 0 : i32
    %dma_wait3A_104 = arith.constant 0 : i32
    %dma_wait3A_105 = arith.constant 0 : i32
    %dma_wait3A_106 = tpu.memref_slice %arg6[%dma_wait3A_103, %dma_wait3A_104, %dma_wait3A_105] : memref<2x16x512xf32, #tpu.memory_space<vmem>> -> memref<1x16x512xf32, #tpu.memory_space<vmem>>
    %dma_wait3A_107 = tpu.memref_squeeze %dma_wait3A_106 : memref<1x16x512xf32, #tpu.memory_space<vmem>> -> memref<16x512xf32, #tpu.memory_space<vmem>>
    %dma_wait3A_108 = arith.constant 0 : i32
    %dma_wait3A_109 = tpu.memref_slice %arg2[%select_n3A, %dma_wait3A, %add3A_34, %dma_wait3A_108] : memref<8x1x512x512xf32, #tpu.memory_space<hbm>> -> memref<1x1x16x512xf32, #tpu.memory_space<hbm>>
    %dma_wait3A_110 = tpu.memref_squeeze %dma_wait3A_109 : memref<1x1x16x512xf32, #tpu.memory_space<hbm>> -> memref<16x512xf32, #tpu.memory_space<hbm>>
    %dma_wait3A_111 = arith.constant 0 : i32
    %dma_wait3A_112 = arith.constant 0 : i32
    %dma_wait3A_113 = tpu.memref_slice %arg6[%dma_wait3A_103, %dma_wait3A_111, %dma_wait3A_112] : memref<2x16x512xf32, #tpu.memory_space<vmem>> -> memref<1x16x512xf32, #tpu.memory_space<vmem>>
    %dma_wait3A_114 = tpu.memref_squeeze %dma_wait3A_113 : memref<1x16x512xf32, #tpu.memory_space<vmem>> -> memref<16x512xf32, #tpu.memory_space<vmem>>
    %dma_wait3A_115 = arith.constant 0 : i32
    %dma_wait3A_116 = tpu.memref_slice %arg2[%select_n3A, %dma_wait3A, %add3A_34, %dma_wait3A_115] : memref<8x1x512x512xf32, #tpu.memory_space<hbm>> -> memref<1x1x16x512xf32, #tpu.memory_space<hbm>>
    %dma_wait3A_117 = tpu.memref_squeeze %dma_wait3A_116 : memref<1x1x16x512xf32, #tpu.memory_space<hbm>> -> memref<16x512xf32, #tpu.memory_space<hbm>>
    tpu.wait_dma2 semaphore(%arg10 : memref<!tpu.dma_semaphore, #tpu.memory_space<semaphore_mem>>) src(%dma_wait3A_117 : memref<16x512xf32, #tpu.memory_space<hbm>>) dst(%dma_wait3A_114 : memref<16x512xf32, #tpu.memory_space<vmem>>)
    %dma_wait3A_118 = arith.constant 0 : i32
    %dma_wait3A_119 = arith.constant 0 : i32
    %dma_wait3A_120 = arith.constant 0 : i32
    %dma_wait3A_121 = tpu.memref_slice %arg7[%dma_wait3A_118, %dma_wait3A_119, %dma_wait3A_120] : memref<2x16x512xf32, #tpu.memory_space<vmem>> -> memref<1x16x512xf32, #tpu.memory_space<vmem>>
    %dma_wait3A_122 = tpu.memref_squeeze %dma_wait3A_121 : memref<1x16x512xf32, #tpu.memory_space<vmem>> -> memref<16x512xf32, #tpu.memory_space<vmem>>
    %dma_wait3A_123 = arith.constant 0 : i32
    %dma_wait3A_124 = tpu.memref_slice %arg3[%select_n3A, %add3A_34, %dma_wait3A_123] : memref<8x512x512xf32, #tpu.memory_space<hbm>> -> memref<1x16x512xf32, #tpu.memory_space<hbm>>
    %dma_wait3A_125 = tpu.memref_squeeze %dma_wait3A_124 : memref<1x16x512xf32, #tpu.memory_space<hbm>> -> memref<16x512xf32, #tpu.memory_space<hbm>>
    %dma_wait3A_126 = arith.constant 0 : i32
    %dma_wait3A_127 = arith.constant 0 : i32
    %dma_wait3A_128 = tpu.memref_slice %arg7[%dma_wait3A_118, %dma_wait3A_126, %dma_wait3A_127] : memref<2x16x512xf32, #tpu.memory_space<vmem>> -> memref<1x16x512xf32, #tpu.memory_space<vmem>>
    %dma_wait3A_129 = tpu.memref_squeeze %dma_wait3A_128 : memref<1x16x512xf32, #tpu.memory_space<vmem>> -> memref<16x512xf32, #tpu.memory_space<vmem>>
    %dma_wait3A_130 = arith.constant 0 : i32
    %dma_wait3A_131 = tpu.memref_slice %arg3[%select_n3A, %add3A_34, %dma_wait3A_130] : memref<8x512x512xf32, #tpu.memory_space<hbm>> -> memref<1x16x512xf32, #tpu.memory_space<hbm>>
    %dma_wait3A_132 = tpu.memref_squeeze %dma_wait3A_131 : memref<1x16x512xf32, #tpu.memory_space<hbm>> -> memref<16x512xf32, #tpu.memory_space<hbm>>
    tpu.wait_dma2 semaphore(%arg10 : memref<!tpu.dma_semaphore, #tpu.memory_space<semaphore_mem>>) src(%dma_wait3A_132 : memref<16x512xf32, #tpu.memory_space<hbm>>) dst(%dma_wait3A_129 : memref<16x512xf32, #tpu.memory_space<vmem>>)
    %parallel_loop3A_133 = arith.constant 0 : i32
    %parallel_loop3A_134 = arith.constant 512 : i32
    %parallel_loop3A_135 = arith.constant 1 : i32
    %parallel_loop3A_136 = arith.constant 0 : i32
    %parallel_loop3A_137 = arith.constant 0 : i32
    %parallel_loop3A_138 = scf.for %parallel_loop3A_597 = %parallel_loop3A_133 to %parallel_loop3A_134 step %parallel_loop3A_135 iter_args(%parallel_loop3A_598 = %broadcast_in_dim3A_69) -> (vector<16xf32>)  : i32 {
      %parallel_loop3A_599 = arith.constant 5 : i32
      %parallel_loop3A_600 = arith.shrui %parallel_loop3A_597, %parallel_loop3A_599 : i32
      %parallel_loop3A_601 = arith.constant 31 : i32
      %parallel_loop3A_602 = arith.andi %parallel_loop3A_597, %parallel_loop3A_601 : i32
      %parallel_loop3A_603 = arith.constant 4 : i32
      %parallel_loop3A_604 = arith.shli %parallel_loop3A_602, %parallel_loop3A_603 : i32
      %parallel_loop3A_605 = arith.constant 0 : i32
      %parallel_loop3A_606 = arith.constant 0 : i32
      %parallel_loop3A_607 = tpu.memref_slice %arg6[%parallel_loop3A_136, %parallel_loop3A_605, %parallel_loop3A_606] : memref<2x16x512xf32, #tpu.memory_space<vmem>> -> memref<1x16x512xf32, #tpu.memory_space<vmem>>
      %parallel_loop3A_608 = tpu.memref_squeeze %parallel_loop3A_607 : memref<1x16x512xf32, #tpu.memory_space<vmem>> -> memref<16x512xf32, #tpu.memory_space<vmem>>
      %parallel_loop3A_609 = arith.index_cast %parallel_loop3A_600 : i32 to index
      %parallel_loop3A_610 = arith.index_cast %parallel_loop3A_604 : i32 to index
      %parallel_loop3A_611 = tpu.vector_load %parallel_loop3A_608[%parallel_loop3A_609, %parallel_loop3A_610] {strides = array<i32>} : memref<16x512xf32, #tpu.memory_space<vmem>>, vector<16xf32>,
      %parallel_loop3A_612 = arith.constant 0 : i32
      %parallel_loop3A_613 = arith.constant 0 : i32
      %parallel_loop3A_614 = tpu.memref_slice %arg7[%parallel_loop3A_137, %parallel_loop3A_612, %parallel_loop3A_613] : memref<2x16x512xf32, #tpu.memory_space<vmem>> -> memref<1x16x512xf32, #tpu.memory_space<vmem>>
      %parallel_loop3A_615 = tpu.memref_squeeze %parallel_loop3A_614 : memref<1x16x512xf32, #tpu.memory_space<vmem>> -> memref<16x512xf32, #tpu.memory_space<vmem>>
      %parallel_loop3A_616 = arith.index_cast %parallel_loop3A_600 : i32 to index
      %parallel_loop3A_617 = arith.index_cast %parallel_loop3A_604 : i32 to index
      %parallel_loop3A_618 = tpu.vector_load %parallel_loop3A_615[%parallel_loop3A_616, %parallel_loop3A_617] {strides = array<i32>} : memref<16x512xf32, #tpu.memory_space<vmem>>, vector<16xf32>,
      %parallel_loop3A_619 = arith.constant 1.000000e+00 : f32
      %parallel_loop3A_620 = vector.broadcast %parallel_loop3A_619 : f32 to vector<16xf32>
      %parallel_loop3A_621 = arith.addf %parallel_loop3A_620, %parallel_loop3A_611 : vector<16xf32>
      %parallel_loop3A_622 = arith.constant 2.000000e+00 : f32
      %parallel_loop3A_623 = vector.broadcast %parallel_loop3A_622 : f32 to vector<16xf32>
      %parallel_loop3A_624 = arith.mulf %parallel_loop3A_623, %parallel_loop3A_611 : vector<16xf32>
      %parallel_loop3A_625 = arith.mulf %parallel_loop3A_624, %parallel_loop3A_618 : vector<16xf32>
      %parallel_loop3A_626 = arith.subf %parallel_loop3A_621, %parallel_loop3A_625 : vector<16xf32>
      %parallel_loop3A_627 = arith.constant 0.000000e+00 : f32
      %parallel_loop3A_628 = vector.broadcast %parallel_loop3A_627 : f32 to vector<16xf32>
      %parallel_loop3A_629 = arith.cmpf ogt, %parallel_loop3A_626, %parallel_loop3A_628 : vector<16xf32>
      %parallel_loop3A_630 = arith.constant 2.560000e+02 : f32
      %parallel_loop3A_631 = vector.broadcast %parallel_loop3A_630 : f32 to vector<16xf32>
      %parallel_loop3A_632 = arith.mulf %parallel_loop3A_626, %parallel_loop3A_631 : vector<16xf32>
      %parallel_loop3A_633 = arith.constant 2.047500e+03 : f32
      %parallel_loop3A_634 = vector.broadcast %parallel_loop3A_633 : f32 to vector<16xf32>
      %parallel_loop3A_635 = arith.minimumf %parallel_loop3A_632, %parallel_loop3A_634 : vector<16xf32>
      %parallel_loop3A_636 = arith.constant 2.048000e+03 : f32
      %parallel_loop3A_637 = vector.broadcast %parallel_loop3A_636 : f32 to vector<16xf32>
      %parallel_loop3A_638 = arith.mulf %parallel_loop3A_618, %parallel_loop3A_637 : vector<16xf32>
      %parallel_loop3A_639 = arith.addf %parallel_loop3A_635, %parallel_loop3A_638 : vector<16xf32>
      %parallel_loop3A_640 = arith.fptosi %parallel_loop3A_639 : vector<16xf32> to vector<16xi32>
      tpu.vector_store_idx %arg8[%parallel_loop3A_640], %broadcast_in_dim3A_67 masked %parallel_loop3A_629 {add = true} : memref<4096xf32, #tpu.memory_space<vmem>>[vector<16xi32>], vector<16xf32>, vector<16xi1>
      %parallel_loop3A_641 = arith.addf %parallel_loop3A_598, %parallel_loop3A_618 : vector<16xf32>
      scf.yield %parallel_loop3A_641 : vector<16xf32>
    } {sc.loop_unroll_factor = 8 : i64, sc.parallel_access}
    %add3A_139 = arith.constant 32 : i32
    %add3A_140 = arith.addi %mul3A_32, %add3A_139 : i32
    %dma_start3A_141 = arith.constant 0 : i32
    %dma_start3A_142 = arith.constant 0 : i32
    %dma_start3A_143 = arith.constant 0 : i32
    %dma_start3A_144 = arith.constant 0 : i32
    %dma_start3A_145 = tpu.memref_slice %arg6[%dma_start3A_142, %dma_start3A_143, %dma_start3A_144] : memref<2x16x512xf32, #tpu.memory_space<vmem>> -> memref<1x16x512xf32, #tpu.memory_space<vmem>>
    %dma_start3A_146 = tpu.memref_squeeze %dma_start3A_145 : memref<1x16x512xf32, #tpu.memory_space<vmem>> -> memref<16x512xf32, #tpu.memory_space<vmem>>
    %dma_start3A_147 = arith.constant 0 : i32
    %dma_start3A_148 = tpu.memref_slice %arg2[%select_n3A, %dma_start3A_141, %add3A_140, %dma_start3A_147] : memref<8x1x512x512xf32, #tpu.memory_space<hbm>> -> memref<1x1x16x512xf32, #tpu.memory_space<hbm>>
    %dma_start3A_149 = tpu.memref_squeeze %dma_start3A_148 : memref<1x1x16x512xf32, #tpu.memory_space<hbm>> -> memref<16x512xf32, #tpu.memory_space<hbm>>
    %dma_start3A_150 = arith.constant 0 : i32
    %dma_start3A_151 = arith.constant 0 : i32
    %dma_start3A_152 = tpu.memref_slice %arg6[%dma_start3A_142, %dma_start3A_150, %dma_start3A_151] : memref<2x16x512xf32, #tpu.memory_space<vmem>> -> memref<1x16x512xf32, #tpu.memory_space<vmem>>
    %dma_start3A_153 = tpu.memref_squeeze %dma_start3A_152 : memref<1x16x512xf32, #tpu.memory_space<vmem>> -> memref<16x512xf32, #tpu.memory_space<vmem>>
    %dma_start3A_154 = arith.constant 0 : i32
    %dma_start3A_155 = tpu.memref_slice %arg2[%select_n3A, %dma_start3A_141, %add3A_140, %dma_start3A_154] : memref<8x1x512x512xf32, #tpu.memory_space<hbm>> -> memref<1x1x16x512xf32, #tpu.memory_space<hbm>>
    %dma_start3A_156 = tpu.memref_squeeze %dma_start3A_155 : memref<1x1x16x512xf32, #tpu.memory_space<hbm>> -> memref<16x512xf32, #tpu.memory_space<hbm>>
    tpu.enqueue_dma source(%dma_start3A_156 : memref<16x512xf32, #tpu.memory_space<hbm>>) target(%dma_start3A_153 : memref<16x512xf32, #tpu.memory_space<vmem>>) target_semaphore(%arg10 : memref<!tpu.dma_semaphore, #tpu.memory_space<semaphore_mem>>)
    %dma_start3A_157 = arith.constant 0 : i32
    %dma_start3A_158 = arith.constant 0 : i32
    %dma_start3A_159 = arith.constant 0 : i32
    %dma_start3A_160 = tpu.memref_slice %arg7[%dma_start3A_157, %dma_start3A_158, %dma_start3A_159] : memref<2x16x512xf32, #tpu.memory_space<vmem>> -> memref<1x16x512xf32, #tpu.memory_space<vmem>>
    %dma_start3A_161 = tpu.memref_squeeze %dma_start3A_160 : memref<1x16x512xf32, #tpu.memory_space<vmem>> -> memref<16x512xf32, #tpu.memory_space<vmem>>
    %dma_start3A_162 = arith.constant 0 : i32
    %dma_start3A_163 = tpu.memref_slice %arg3[%select_n3A, %add3A_140, %dma_start3A_162] : memref<8x512x512xf32, #tpu.memory_space<hbm>> -> memref<1x16x512xf32, #tpu.memory_space<hbm>>
    %dma_start3A_164 = tpu.memref_squeeze %dma_start3A_163 : memref<1x16x512xf32, #tpu.memory_space<hbm>> -> memref<16x512xf32, #tpu.memory_space<hbm>>
    %dma_start3A_165 = arith.constant 0 : i32
    %dma_start3A_166 = arith.constant 0 : i32
    %dma_start3A_167 = tpu.memref_slice %arg7[%dma_start3A_157, %dma_start3A_165, %dma_start3A_166] : memref<2x16x512xf32, #tpu.memory_space<vmem>> -> memref<1x16x512xf32, #tpu.memory_space<vmem>>
    %dma_start3A_168 = tpu.memref_squeeze %dma_start3A_167 : memref<1x16x512xf32, #tpu.memory_space<vmem>> -> memref<16x512xf32, #tpu.memory_space<vmem>>
    %dma_start3A_169 = arith.constant 0 : i32
    %dma_start3A_170 = tpu.memref_slice %arg3[%select_n3A, %add3A_140, %dma_start3A_169] : memref<8x512x512xf32, #tpu.memory_space<hbm>> -> memref<1x16x512xf32, #tpu.memory_space<hbm>>
    %dma_start3A_171 = tpu.memref_squeeze %dma_start3A_170 : memref<1x16x512xf32, #tpu.memory_space<hbm>> -> memref<16x512xf32, #tpu.memory_space<hbm>>
    tpu.enqueue_dma source(%dma_start3A_171 : memref<16x512xf32, #tpu.memory_space<hbm>>) target(%dma_start3A_168 : memref<16x512xf32, #tpu.memory_space<vmem>>) target_semaphore(%arg10 : memref<!tpu.dma_semaphore, #tpu.memory_space<semaphore_mem>>)
    %dma_wait3A_172 = arith.constant 0 : i32
    %dma_wait3A_173 = arith.constant 1 : i32
    %dma_wait3A_174 = arith.constant 0 : i32
    %dma_wait3A_175 = arith.constant 0 : i32
    %dma_wait3A_176 = tpu.memref_slice %arg6[%dma_wait3A_173, %dma_wait3A_174, %dma_wait3A_175] : memref<2x16x512xf32, #tpu.memory_space<vmem>> -> memref<1x16x512xf32, #tpu.memory_space<vmem>>
    %dma_wait3A_177 = tpu.memref_squeeze %dma_wait3A_176 : memref<1x16x512xf32, #tpu.memory_space<vmem>> -> memref<16x512xf32, #tpu.memory_space<vmem>>
    %dma_wait3A_178 = arith.constant 0 : i32
    %dma_wait3A_179 = tpu.memref_slice %arg2[%select_n3A, %dma_wait3A_172, %add3A_71, %dma_wait3A_178] : memref<8x1x512x512xf32, #tpu.memory_space<hbm>> -> memref<1x1x16x512xf32, #tpu.memory_space<hbm>>
    %dma_wait3A_180 = tpu.memref_squeeze %dma_wait3A_179 : memref<1x1x16x512xf32, #tpu.memory_space<hbm>> -> memref<16x512xf32, #tpu.memory_space<hbm>>
    %dma_wait3A_181 = arith.constant 0 : i32
    %dma_wait3A_182 = arith.constant 0 : i32
    %dma_wait3A_183 = tpu.memref_slice %arg6[%dma_wait3A_173, %dma_wait3A_181, %dma_wait3A_182] : memref<2x16x512xf32, #tpu.memory_space<vmem>> -> memref<1x16x512xf32, #tpu.memory_space<vmem>>
    %dma_wait3A_184 = tpu.memref_squeeze %dma_wait3A_183 : memref<1x16x512xf32, #tpu.memory_space<vmem>> -> memref<16x512xf32, #tpu.memory_space<vmem>>
    %dma_wait3A_185 = arith.constant 0 : i32
    %dma_wait3A_186 = tpu.memref_slice %arg2[%select_n3A, %dma_wait3A_172, %add3A_71, %dma_wait3A_185] : memref<8x1x512x512xf32, #tpu.memory_space<hbm>> -> memref<1x1x16x512xf32, #tpu.memory_space<hbm>>
    %dma_wait3A_187 = tpu.memref_squeeze %dma_wait3A_186 : memref<1x1x16x512xf32, #tpu.memory_space<hbm>> -> memref<16x512xf32, #tpu.memory_space<hbm>>
    tpu.wait_dma2 semaphore(%arg11 : memref<!tpu.dma_semaphore, #tpu.memory_space<semaphore_mem>>) src(%dma_wait3A_187 : memref<16x512xf32, #tpu.memory_space<hbm>>) dst(%dma_wait3A_184 : memref<16x512xf32, #tpu.memory_space<vmem>>)
    %dma_wait3A_188 = arith.constant 1 : i32
    %dma_wait3A_189 = arith.constant 0 : i32
    %dma_wait3A_190 = arith.constant 0 : i32
    %dma_wait3A_191 = tpu.memref_slice %arg7[%dma_wait3A_188, %dma_wait3A_189, %dma_wait3A_190] : memref<2x16x512xf32, #tpu.memory_space<vmem>> -> memref<1x16x512xf32, #tpu.memory_space<vmem>>
    %dma_wait3A_192 = tpu.memref_squeeze %dma_wait3A_191 : memref<1x16x512xf32, #tpu.memory_space<vmem>> -> memref<16x512xf32, #tpu.memory_space<vmem>>
    %dma_wait3A_193 = arith.constant 0 : i32
    %dma_wait3A_194 = tpu.memref_slice %arg3[%select_n3A, %add3A_71, %dma_wait3A_193] : memref<8x512x512xf32, #tpu.memory_space<hbm>> -> memref<1x16x512xf32, #tpu.memory_space<hbm>>
    %dma_wait3A_195 = tpu.memref_squeeze %dma_wait3A_194 : memref<1x16x512xf32, #tpu.memory_space<hbm>> -> memref<16x512xf32, #tpu.memory_space<hbm>>
    %dma_wait3A_196 = arith.constant 0 : i32
    %dma_wait3A_197 = arith.constant 0 : i32
    %dma_wait3A_198 = tpu.memref_slice %arg7[%dma_wait3A_188, %dma_wait3A_196, %dma_wait3A_197] : memref<2x16x512xf32, #tpu.memory_space<vmem>> -> memref<1x16x512xf32, #tpu.memory_space<vmem>>
    %dma_wait3A_199 = tpu.memref_squeeze %dma_wait3A_198 : memref<1x16x512xf32, #tpu.memory_space<vmem>> -> memref<16x512xf32, #tpu.memory_space<vmem>>
    %dma_wait3A_200 = arith.constant 0 : i32
    %dma_wait3A_201 = tpu.memref_slice %arg3[%select_n3A, %add3A_71, %dma_wait3A_200] : memref<8x512x512xf32, #tpu.memory_space<hbm>> -> memref<1x16x512xf32, #tpu.memory_space<hbm>>
    %dma_wait3A_202 = tpu.memref_squeeze %dma_wait3A_201 : memref<1x16x512xf32, #tpu.memory_space<hbm>> -> memref<16x512xf32, #tpu.memory_space<hbm>>
    tpu.wait_dma2 semaphore(%arg11 : memref<!tpu.dma_semaphore, #tpu.memory_space<semaphore_mem>>) src(%dma_wait3A_202 : memref<16x512xf32, #tpu.memory_space<hbm>>) dst(%dma_wait3A_199 : memref<16x512xf32, #tpu.memory_space<vmem>>)
    %parallel_loop3A_203 = arith.constant 0 : i32
    %parallel_loop3A_204 = arith.constant 512 : i32
    %parallel_loop3A_205 = arith.constant 1 : i32
    %parallel_loop3A_206 = arith.constant 1 : i32
    %parallel_loop3A_207 = arith.constant 1 : i32
    %parallel_loop3A_208 = scf.for %parallel_loop3A_597 = %parallel_loop3A_203 to %parallel_loop3A_204 step %parallel_loop3A_205 iter_args(%parallel_loop3A_598 = %parallel_loop3A_138) -> (vector<16xf32>)  : i32 {
      %parallel_loop3A_599 = arith.constant 5 : i32
      %parallel_loop3A_600 = arith.shrui %parallel_loop3A_597, %parallel_loop3A_599 : i32
      %parallel_loop3A_601 = arith.constant 31 : i32
      %parallel_loop3A_602 = arith.andi %parallel_loop3A_597, %parallel_loop3A_601 : i32
      %parallel_loop3A_603 = arith.constant 4 : i32
      %parallel_loop3A_604 = arith.shli %parallel_loop3A_602, %parallel_loop3A_603 : i32
      %parallel_loop3A_605 = arith.constant 0 : i32
      %parallel_loop3A_606 = arith.constant 0 : i32
      %parallel_loop3A_607 = tpu.memref_slice %arg6[%parallel_loop3A_206, %parallel_loop3A_605, %parallel_loop3A_606] : memref<2x16x512xf32, #tpu.memory_space<vmem>> -> memref<1x16x512xf32, #tpu.memory_space<vmem>>
      %parallel_loop3A_608 = tpu.memref_squeeze %parallel_loop3A_607 : memref<1x16x512xf32, #tpu.memory_space<vmem>> -> memref<16x512xf32, #tpu.memory_space<vmem>>
      %parallel_loop3A_609 = arith.index_cast %parallel_loop3A_600 : i32 to index
      %parallel_loop3A_610 = arith.index_cast %parallel_loop3A_604 : i32 to index
      %parallel_loop3A_611 = tpu.vector_load %parallel_loop3A_608[%parallel_loop3A_609, %parallel_loop3A_610] {strides = array<i32>} : memref<16x512xf32, #tpu.memory_space<vmem>>, vector<16xf32>,
      %parallel_loop3A_612 = arith.constant 0 : i32
      %parallel_loop3A_613 = arith.constant 0 : i32
      %parallel_loop3A_614 = tpu.memref_slice %arg7[%parallel_loop3A_207, %parallel_loop3A_612, %parallel_loop3A_613] : memref<2x16x512xf32, #tpu.memory_space<vmem>> -> memref<1x16x512xf32, #tpu.memory_space<vmem>>
      %parallel_loop3A_615 = tpu.memref_squeeze %parallel_loop3A_614 : memref<1x16x512xf32, #tpu.memory_space<vmem>> -> memref<16x512xf32, #tpu.memory_space<vmem>>
      %parallel_loop3A_616 = arith.index_cast %parallel_loop3A_600 : i32 to index
      %parallel_loop3A_617 = arith.index_cast %parallel_loop3A_604 : i32 to index
      %parallel_loop3A_618 = tpu.vector_load %parallel_loop3A_615[%parallel_loop3A_616, %parallel_loop3A_617] {strides = array<i32>} : memref<16x512xf32, #tpu.memory_space<vmem>>, vector<16xf32>,
      %parallel_loop3A_619 = arith.constant 1.000000e+00 : f32
      %parallel_loop3A_620 = vector.broadcast %parallel_loop3A_619 : f32 to vector<16xf32>
      %parallel_loop3A_621 = arith.addf %parallel_loop3A_620, %parallel_loop3A_611 : vector<16xf32>
      %parallel_loop3A_622 = arith.constant 2.000000e+00 : f32
      %parallel_loop3A_623 = vector.broadcast %parallel_loop3A_622 : f32 to vector<16xf32>
      %parallel_loop3A_624 = arith.mulf %parallel_loop3A_623, %parallel_loop3A_611 : vector<16xf32>
      %parallel_loop3A_625 = arith.mulf %parallel_loop3A_624, %parallel_loop3A_618 : vector<16xf32>
      %parallel_loop3A_626 = arith.subf %parallel_loop3A_621, %parallel_loop3A_625 : vector<16xf32>
      %parallel_loop3A_627 = arith.constant 0.000000e+00 : f32
      %parallel_loop3A_628 = vector.broadcast %parallel_loop3A_627 : f32 to vector<16xf32>
      %parallel_loop3A_629 = arith.cmpf ogt, %parallel_loop3A_626, %parallel_loop3A_628 : vector<16xf32>
      %parallel_loop3A_630 = arith.constant 2.560000e+02 : f32
      %parallel_loop3A_631 = vector.broadcast %parallel_loop3A_630 : f32 to vector<16xf32>
      %parallel_loop3A_632 = arith.mulf %parallel_loop3A_626, %parallel_loop3A_631 : vector<16xf32>
      %parallel_loop3A_633 = arith.constant 2.047500e+03 : f32
      %parallel_loop3A_634 = vector.broadcast %parallel_loop3A_633 : f32 to vector<16xf32>
      %parallel_loop3A_635 = arith.minimumf %parallel_loop3A_632, %parallel_loop3A_634 : vector<16xf32>
      %parallel_loop3A_636 = arith.constant 2.048000e+03 : f32
      %parallel_loop3A_637 = vector.broadcast %parallel_loop3A_636 : f32 to vector<16xf32>
      %parallel_loop3A_638 = arith.mulf %parallel_loop3A_618, %parallel_loop3A_637 : vector<16xf32>
      %parallel_loop3A_639 = arith.addf %parallel_loop3A_635, %parallel_loop3A_638 : vector<16xf32>
      %parallel_loop3A_640 = arith.fptosi %parallel_loop3A_639 : vector<16xf32> to vector<16xi32>
      tpu.vector_store_idx %arg8[%parallel_loop3A_640], %broadcast_in_dim3A_67 masked %parallel_loop3A_629 {add = true} : memref<4096xf32, #tpu.memory_space<vmem>>[vector<16xi32>], vector<16xf32>, vector<16xi1>
      %parallel_loop3A_641 = arith.addf %parallel_loop3A_598, %parallel_loop3A_618 : vector<16xf32>
      scf.yield %parallel_loop3A_641 : vector<16xf32>
    } {sc.loop_unroll_factor = 8 : i64, sc.parallel_access}
    %add3A_209 = arith.constant 48 : i32
    %add3A_210 = arith.addi %mul3A_32, %add3A_209 : i32
    %dma_start3A_211 = arith.constant 0 : i32
    %dma_start3A_212 = arith.constant 1 : i32
    %dma_start3A_213 = arith.constant 0 : i32
    %dma_start3A_214 = arith.constant 0 : i32
    %dma_start3A_215 = tpu.memref_slice %arg6[%dma_start3A_212, %dma_start3A_213, %dma_start3A_214] : memref<2x16x512xf32, #tpu.memory_space<vmem>> -> memref<1x16x512xf32, #tpu.memory_space<vmem>>
    %dma_start3A_216 = tpu.memref_squeeze %dma_start3A_215 : memref<1x16x512xf32, #tpu.memory_space<vmem>> -> memref<16x512xf32, #tpu.memory_space<vmem>>
    %dma_start3A_217 = arith.constant 0 : i32
    %dma_start3A_218 = tpu.memref_slice %arg2[%select_n3A, %dma_start3A_211, %add3A_210, %dma_start3A_217] : memref<8x1x512x512xf32, #tpu.memory_space<hbm>> -> memref<1x1x16x512xf32, #tpu.memory_space<hbm>>
    %dma_start3A_219 = tpu.memref_squeeze %dma_start3A_218 : memref<1x1x16x512xf32, #tpu.memory_space<hbm>> -> memref<16x512xf32, #tpu.memory_space<hbm>>
    %dma_start3A_220 = arith.constant 0 : i32
    %dma_start3A_221 = arith.constant 0 : i32
    %dma_start3A_222 = tpu.memref_slice %arg6[%dma_start3A_212, %dma_start3A_220, %dma_start3A_221] : memref<2x16x512xf32, #tpu.memory_space<vmem>> -> memref<1x16x512xf32, #tpu.memory_space<vmem>>
    %dma_start3A_223 = tpu.memref_squeeze %dma_start3A_222 : memref<1x16x512xf32, #tpu.memory_space<vmem>> -> memref<16x512xf32, #tpu.memory_space<vmem>>
    %dma_start3A_224 = arith.constant 0 : i32
    %dma_start3A_225 = tpu.memref_slice %arg2[%select_n3A, %dma_start3A_211, %add3A_210, %dma_start3A_224] : memref<8x1x512x512xf32, #tpu.memory_space<hbm>> -> memref<1x1x16x512xf32, #tpu.memory_space<hbm>>
    %dma_start3A_226 = tpu.memref_squeeze %dma_start3A_225 : memref<1x1x16x512xf32, #tpu.memory_space<hbm>> -> memref<16x512xf32, #tpu.memory_space<hbm>>
    tpu.enqueue_dma source(%dma_start3A_226 : memref<16x512xf32, #tpu.memory_space<hbm>>) target(%dma_start3A_223 : memref<16x512xf32, #tpu.memory_space<vmem>>) target_semaphore(%arg11 : memref<!tpu.dma_semaphore, #tpu.memory_space<semaphore_mem>>)
    %dma_start3A_227 = arith.constant 1 : i32
    %dma_start3A_228 = arith.constant 0 : i32
    %dma_start3A_229 = arith.constant 0 : i32
    %dma_start3A_230 = tpu.memref_slice %arg7[%dma_start3A_227, %dma_start3A_228, %dma_start3A_229] : memref<2x16x512xf32, #tpu.memory_space<vmem>> -> memref<1x16x512xf32, #tpu.memory_space<vmem>>
    %dma_start3A_231 = tpu.memref_squeeze %dma_start3A_230 : memref<1x16x512xf32, #tpu.memory_space<vmem>> -> memref<16x512xf32, #tpu.memory_space<vmem>>
    %dma_start3A_232 = arith.constant 0 : i32
    %dma_start3A_233 = tpu.memref_slice %arg3[%select_n3A, %add3A_210, %dma_start3A_232] : memref<8x512x512xf32, #tpu.memory_space<hbm>> -> memref<1x16x512xf32, #tpu.memory_space<hbm>>
    %dma_start3A_234 = tpu.memref_squeeze %dma_start3A_233 : memref<1x16x512xf32, #tpu.memory_space<hbm>> -> memref<16x512xf32, #tpu.memory_space<hbm>>
    %dma_start3A_235 = arith.constant 0 : i32
    %dma_start3A_236 = arith.constant 0 : i32
    %dma_start3A_237 = tpu.memref_slice %arg7[%dma_start3A_227, %dma_start3A_235, %dma_start3A_236] : memref<2x16x512xf32, #tpu.memory_space<vmem>> -> memref<1x16x512xf32, #tpu.memory_space<vmem>>
    %dma_start3A_238 = tpu.memref_squeeze %dma_start3A_237 : memref<1x16x512xf32, #tpu.memory_space<vmem>> -> memref<16x512xf32, #tpu.memory_space<vmem>>
    %dma_start3A_239 = arith.constant 0 : i32
    %dma_start3A_240 = tpu.memref_slice %arg3[%select_n3A, %add3A_210, %dma_start3A_239] : memref<8x512x512xf32, #tpu.memory_space<hbm>> -> memref<1x16x512xf32, #tpu.memory_space<hbm>>
    %dma_start3A_241 = tpu.memref_squeeze %dma_start3A_240 : memref<1x16x512xf32, #tpu.memory_space<hbm>> -> memref<16x512xf32, #tpu.memory_space<hbm>>
    tpu.enqueue_dma source(%dma_start3A_241 : memref<16x512xf32, #tpu.memory_space<hbm>>) target(%dma_start3A_238 : memref<16x512xf32, #tpu.memory_space<vmem>>) target_semaphore(%arg11 : memref<!tpu.dma_semaphore, #tpu.memory_space<semaphore_mem>>)
    %dma_wait3A_242 = arith.constant 0 : i32
    %dma_wait3A_243 = arith.constant 0 : i32
    %dma_wait3A_244 = arith.constant 0 : i32
    %dma_wait3A_245 = arith.constant 0 : i32
    %dma_wait3A_246 = tpu.memref_slice %arg6[%dma_wait3A_243, %dma_wait3A_244, %dma_wait3A_245] : memref<2x16x512xf32, #tpu.memory_space<vmem>> -> memref<1x16x512xf32, #tpu.memory_space<vmem>>
    %dma_wait3A_247 = tpu.memref_squeeze %dma_wait3A_246 : memref<1x16x512xf32, #tpu.memory_space<vmem>> -> memref<16x512xf32, #tpu.memory_space<vmem>>
    %dma_wait3A_248 = arith.constant 0 : i32
    %dma_wait3A_249 = tpu.memref_slice %arg2[%select_n3A, %dma_wait3A_242, %add3A_140, %dma_wait3A_248] : memref<8x1x512x512xf32, #tpu.memory_space<hbm>> -> memref<1x1x16x512xf32, #tpu.memory_space<hbm>>
    %dma_wait3A_250 = tpu.memref_squeeze %dma_wait3A_249 : memref<1x1x16x512xf32, #tpu.memory_space<hbm>> -> memref<16x512xf32, #tpu.memory_space<hbm>>
    %dma_wait3A_251 = arith.constant 0 : i32
    %dma_wait3A_252 = arith.constant 0 : i32
    %dma_wait3A_253 = tpu.memref_slice %arg6[%dma_wait3A_243, %dma_wait3A_251, %dma_wait3A_252] : memref<2x16x512xf32, #tpu.memory_space<vmem>> -> memref<1x16x512xf32, #tpu.memory_space<vmem>>
    %dma_wait3A_254 = tpu.memref_squeeze %dma_wait3A_253 : memref<1x16x512xf32, #tpu.memory_space<vmem>> -> memref<16x512xf32, #tpu.memory_space<vmem>>
    %dma_wait3A_255 = arith.constant 0 : i32
    %dma_wait3A_256 = tpu.memref_slice %arg2[%select_n3A, %dma_wait3A_242, %add3A_140, %dma_wait3A_255] : memref<8x1x512x512xf32, #tpu.memory_space<hbm>> -> memref<1x1x16x512xf32, #tpu.memory_space<hbm>>
    %dma_wait3A_257 = tpu.memref_squeeze %dma_wait3A_256 : memref<1x1x16x512xf32, #tpu.memory_space<hbm>> -> memref<16x512xf32, #tpu.memory_space<hbm>>
    tpu.wait_dma2 semaphore(%arg10 : memref<!tpu.dma_semaphore, #tpu.memory_space<semaphore_mem>>) src(%dma_wait3A_257 : memref<16x512xf32, #tpu.memory_space<hbm>>) dst(%dma_wait3A_254 : memref<16x512xf32, #tpu.memory_space<vmem>>)
    %dma_wait3A_258 = arith.constant 0 : i32
    %dma_wait3A_259 = arith.constant 0 : i32
    %dma_wait3A_260 = arith.constant 0 : i32
    %dma_wait3A_261 = tpu.memref_slice %arg7[%dma_wait3A_258, %dma_wait3A_259, %dma_wait3A_260] : memref<2x16x512xf32, #tpu.memory_space<vmem>> -> memref<1x16x512xf32, #tpu.memory_space<vmem>>
    %dma_wait3A_262 = tpu.memref_squeeze %dma_wait3A_261 : memref<1x16x512xf32, #tpu.memory_space<vmem>> -> memref<16x512xf32, #tpu.memory_space<vmem>>
    %dma_wait3A_263 = arith.constant 0 : i32
    %dma_wait3A_264 = tpu.memref_slice %arg3[%select_n3A, %add3A_140, %dma_wait3A_263] : memref<8x512x512xf32, #tpu.memory_space<hbm>> -> memref<1x16x512xf32, #tpu.memory_space<hbm>>
    %dma_wait3A_265 = tpu.memref_squeeze %dma_wait3A_264 : memref<1x16x512xf32, #tpu.memory_space<hbm>> -> memref<16x512xf32, #tpu.memory_space<hbm>>
    %dma_wait3A_266 = arith.constant 0 : i32
    %dma_wait3A_267 = arith.constant 0 : i32
    %dma_wait3A_268 = tpu.memref_slice %arg7[%dma_wait3A_258, %dma_wait3A_266, %dma_wait3A_267] : memref<2x16x512xf32, #tpu.memory_space<vmem>> -> memref<1x16x512xf32, #tpu.memory_space<vmem>>
    %dma_wait3A_269 = tpu.memref_squeeze %dma_wait3A_268 : memref<1x16x512xf32, #tpu.memory_space<vmem>> -> memref<16x512xf32, #tpu.memory_space<vmem>>
    %dma_wait3A_270 = arith.constant 0 : i32
    %dma_wait3A_271 = tpu.memref_slice %arg3[%select_n3A, %add3A_140, %dma_wait3A_270] : memref<8x512x512xf32, #tpu.memory_space<hbm>> -> memref<1x16x512xf32, #tpu.memory_space<hbm>>
    %dma_wait3A_272 = tpu.memref_squeeze %dma_wait3A_271 : memref<1x16x512xf32, #tpu.memory_space<hbm>> -> memref<16x512xf32, #tpu.memory_space<hbm>>
    tpu.wait_dma2 semaphore(%arg10 : memref<!tpu.dma_semaphore, #tpu.memory_space<semaphore_mem>>) src(%dma_wait3A_272 : memref<16x512xf32, #tpu.memory_space<hbm>>) dst(%dma_wait3A_269 : memref<16x512xf32, #tpu.memory_space<vmem>>)
    %parallel_loop3A_273 = arith.constant 0 : i32
    %parallel_loop3A_274 = arith.constant 512 : i32
    %parallel_loop3A_275 = arith.constant 1 : i32
    %parallel_loop3A_276 = arith.constant 0 : i32
    %parallel_loop3A_277 = arith.constant 0 : i32
    %parallel_loop3A_278 = scf.for %parallel_loop3A_597 = %parallel_loop3A_273 to %parallel_loop3A_274 step %parallel_loop3A_275 iter_args(%parallel_loop3A_598 = %parallel_loop3A_208) -> (vector<16xf32>)  : i32 {
      %parallel_loop3A_599 = arith.constant 5 : i32
      %parallel_loop3A_600 = arith.shrui %parallel_loop3A_597, %parallel_loop3A_599 : i32
      %parallel_loop3A_601 = arith.constant 31 : i32
      %parallel_loop3A_602 = arith.andi %parallel_loop3A_597, %parallel_loop3A_601 : i32
      %parallel_loop3A_603 = arith.constant 4 : i32
      %parallel_loop3A_604 = arith.shli %parallel_loop3A_602, %parallel_loop3A_603 : i32
      %parallel_loop3A_605 = arith.constant 0 : i32
      %parallel_loop3A_606 = arith.constant 0 : i32
      %parallel_loop3A_607 = tpu.memref_slice %arg6[%parallel_loop3A_276, %parallel_loop3A_605, %parallel_loop3A_606] : memref<2x16x512xf32, #tpu.memory_space<vmem>> -> memref<1x16x512xf32, #tpu.memory_space<vmem>>
      %parallel_loop3A_608 = tpu.memref_squeeze %parallel_loop3A_607 : memref<1x16x512xf32, #tpu.memory_space<vmem>> -> memref<16x512xf32, #tpu.memory_space<vmem>>
      %parallel_loop3A_609 = arith.index_cast %parallel_loop3A_600 : i32 to index
      %parallel_loop3A_610 = arith.index_cast %parallel_loop3A_604 : i32 to index
      %parallel_loop3A_611 = tpu.vector_load %parallel_loop3A_608[%parallel_loop3A_609, %parallel_loop3A_610] {strides = array<i32>} : memref<16x512xf32, #tpu.memory_space<vmem>>, vector<16xf32>,
      %parallel_loop3A_612 = arith.constant 0 : i32
      %parallel_loop3A_613 = arith.constant 0 : i32
      %parallel_loop3A_614 = tpu.memref_slice %arg7[%parallel_loop3A_277, %parallel_loop3A_612, %parallel_loop3A_613] : memref<2x16x512xf32, #tpu.memory_space<vmem>> -> memref<1x16x512xf32, #tpu.memory_space<vmem>>
      %parallel_loop3A_615 = tpu.memref_squeeze %parallel_loop3A_614 : memref<1x16x512xf32, #tpu.memory_space<vmem>> -> memref<16x512xf32, #tpu.memory_space<vmem>>
      %parallel_loop3A_616 = arith.index_cast %parallel_loop3A_600 : i32 to index
      %parallel_loop3A_617 = arith.index_cast %parallel_loop3A_604 : i32 to index
      %parallel_loop3A_618 = tpu.vector_load %parallel_loop3A_615[%parallel_loop3A_616, %parallel_loop3A_617] {strides = array<i32>} : memref<16x512xf32, #tpu.memory_space<vmem>>, vector<16xf32>,
      %parallel_loop3A_619 = arith.constant 1.000000e+00 : f32
      %parallel_loop3A_620 = vector.broadcast %parallel_loop3A_619 : f32 to vector<16xf32>
      %parallel_loop3A_621 = arith.addf %parallel_loop3A_620, %parallel_loop3A_611 : vector<16xf32>
      %parallel_loop3A_622 = arith.constant 2.000000e+00 : f32
      %parallel_loop3A_623 = vector.broadcast %parallel_loop3A_622 : f32 to vector<16xf32>
      %parallel_loop3A_624 = arith.mulf %parallel_loop3A_623, %parallel_loop3A_611 : vector<16xf32>
      %parallel_loop3A_625 = arith.mulf %parallel_loop3A_624, %parallel_loop3A_618 : vector<16xf32>
      %parallel_loop3A_626 = arith.subf %parallel_loop3A_621, %parallel_loop3A_625 : vector<16xf32>
      %parallel_loop3A_627 = arith.constant 0.000000e+00 : f32
      %parallel_loop3A_628 = vector.broadcast %parallel_loop3A_627 : f32 to vector<16xf32>
      %parallel_loop3A_629 = arith.cmpf ogt, %parallel_loop3A_626, %parallel_loop3A_628 : vector<16xf32>
      %parallel_loop3A_630 = arith.constant 2.560000e+02 : f32
      %parallel_loop3A_631 = vector.broadcast %parallel_loop3A_630 : f32 to vector<16xf32>
      %parallel_loop3A_632 = arith.mulf %parallel_loop3A_626, %parallel_loop3A_631 : vector<16xf32>
      %parallel_loop3A_633 = arith.constant 2.047500e+03 : f32
      %parallel_loop3A_634 = vector.broadcast %parallel_loop3A_633 : f32 to vector<16xf32>
      %parallel_loop3A_635 = arith.minimumf %parallel_loop3A_632, %parallel_loop3A_634 : vector<16xf32>
      %parallel_loop3A_636 = arith.constant 2.048000e+03 : f32
      %parallel_loop3A_637 = vector.broadcast %parallel_loop3A_636 : f32 to vector<16xf32>
      %parallel_loop3A_638 = arith.mulf %parallel_loop3A_618, %parallel_loop3A_637 : vector<16xf32>
      %parallel_loop3A_639 = arith.addf %parallel_loop3A_635, %parallel_loop3A_638 : vector<16xf32>
      %parallel_loop3A_640 = arith.fptosi %parallel_loop3A_639 : vector<16xf32> to vector<16xi32>
      tpu.vector_store_idx %arg8[%parallel_loop3A_640], %broadcast_in_dim3A_67 masked %parallel_loop3A_629 {add = true} : memref<4096xf32, #tpu.memory_space<vmem>>[vector<16xi32>], vector<16xf32>, vector<16xi1>
      %parallel_loop3A_641 = arith.addf %parallel_loop3A_598, %parallel_loop3A_618 : vector<16xf32>
      scf.yield %parallel_loop3A_641 : vector<16xf32>
    } {sc.loop_unroll_factor = 8 : i64, sc.parallel_access}
    %add3A_279 = arith.constant 64 : i32
    %add3A_280 = arith.addi %mul3A_32, %add3A_279 : i32
    %dma_start3A_281 = arith.constant 0 : i32
    %dma_start3A_282 = arith.constant 0 : i32
    %dma_start3A_283 = arith.constant 0 : i32
    %dma_start3A_284 = arith.constant 0 : i32
    %dma_start3A_285 = tpu.memref_slice %arg6[%dma_start3A_282, %dma_start3A_283, %dma_start3A_284] : memref<2x16x512xf32, #tpu.memory_space<vmem>> -> memref<1x16x512xf32, #tpu.memory_space<vmem>>
    %dma_start3A_286 = tpu.memref_squeeze %dma_start3A_285 : memref<1x16x512xf32, #tpu.memory_space<vmem>> -> memref<16x512xf32, #tpu.memory_space<vmem>>
    %dma_start3A_287 = arith.constant 0 : i32
    %dma_start3A_288 = tpu.memref_slice %arg2[%select_n3A, %dma_start3A_281, %add3A_280, %dma_start3A_287] : memref<8x1x512x512xf32, #tpu.memory_space<hbm>> -> memref<1x1x16x512xf32, #tpu.memory_space<hbm>>
    %dma_start3A_289 = tpu.memref_squeeze %dma_start3A_288 : memref<1x1x16x512xf32, #tpu.memory_space<hbm>> -> memref<16x512xf32, #tpu.memory_space<hbm>>
    %dma_start3A_290 = arith.constant 0 : i32
    %dma_start3A_291 = arith.constant 0 : i32
    %dma_start3A_292 = tpu.memref_slice %arg6[%dma_start3A_282, %dma_start3A_290, %dma_start3A_291] : memref<2x16x512xf32, #tpu.memory_space<vmem>> -> memref<1x16x512xf32, #tpu.memory_space<vmem>>
    %dma_start3A_293 = tpu.memref_squeeze %dma_start3A_292 : memref<1x16x512xf32, #tpu.memory_space<vmem>> -> memref<16x512xf32, #tpu.memory_space<vmem>>
    %dma_start3A_294 = arith.constant 0 : i32
    %dma_start3A_295 = tpu.memref_slice %arg2[%select_n3A, %dma_start3A_281, %add3A_280, %dma_start3A_294] : memref<8x1x512x512xf32, #tpu.memory_space<hbm>> -> memref<1x1x16x512xf32, #tpu.memory_space<hbm>>
    %dma_start3A_296 = tpu.memref_squeeze %dma_start3A_295 : memref<1x1x16x512xf32, #tpu.memory_space<hbm>> -> memref<16x512xf32, #tpu.memory_space<hbm>>
    tpu.enqueue_dma source(%dma_start3A_296 : memref<16x512xf32, #tpu.memory_space<hbm>>) target(%dma_start3A_293 : memref<16x512xf32, #tpu.memory_space<vmem>>) target_semaphore(%arg10 : memref<!tpu.dma_semaphore, #tpu.memory_space<semaphore_mem>>)
    %dma_start3A_297 = arith.constant 0 : i32
    %dma_start3A_298 = arith.constant 0 : i32
    %dma_start3A_299 = arith.constant 0 : i32
    %dma_start3A_300 = tpu.memref_slice %arg7[%dma_start3A_297, %dma_start3A_298, %dma_start3A_299] : memref<2x16x512xf32, #tpu.memory_space<vmem>> -> memref<1x16x512xf32, #tpu.memory_space<vmem>>
    %dma_start3A_301 = tpu.memref_squeeze %dma_start3A_300 : memref<1x16x512xf32, #tpu.memory_space<vmem>> -> memref<16x512xf32, #tpu.memory_space<vmem>>
    %dma_start3A_302 = arith.constant 0 : i32
    %dma_start3A_303 = tpu.memref_slice %arg3[%select_n3A, %add3A_280, %dma_start3A_302] : memref<8x512x512xf32, #tpu.memory_space<hbm>> -> memref<1x16x512xf32, #tpu.memory_space<hbm>>
    %dma_start3A_304 = tpu.memref_squeeze %dma_start3A_303 : memref<1x16x512xf32, #tpu.memory_space<hbm>> -> memref<16x512xf32, #tpu.memory_space<hbm>>
    %dma_start3A_305 = arith.constant 0 : i32
    %dma_start3A_306 = arith.constant 0 : i32
    %dma_start3A_307 = tpu.memref_slice %arg7[%dma_start3A_297, %dma_start3A_305, %dma_start3A_306] : memref<2x16x512xf32, #tpu.memory_space<vmem>> -> memref<1x16x512xf32, #tpu.memory_space<vmem>>
    %dma_start3A_308 = tpu.memref_squeeze %dma_start3A_307 : memref<1x16x512xf32, #tpu.memory_space<vmem>> -> memref<16x512xf32, #tpu.memory_space<vmem>>
    %dma_start3A_309 = arith.constant 0 : i32
    %dma_start3A_310 = tpu.memref_slice %arg3[%select_n3A, %add3A_280, %dma_start3A_309] : memref<8x512x512xf32, #tpu.memory_space<hbm>> -> memref<1x16x512xf32, #tpu.memory_space<hbm>>
    %dma_start3A_311 = tpu.memref_squeeze %dma_start3A_310 : memref<1x16x512xf32, #tpu.memory_space<hbm>> -> memref<16x512xf32, #tpu.memory_space<hbm>>
    tpu.enqueue_dma source(%dma_start3A_311 : memref<16x512xf32, #tpu.memory_space<hbm>>) target(%dma_start3A_308 : memref<16x512xf32, #tpu.memory_space<vmem>>) target_semaphore(%arg10 : memref<!tpu.dma_semaphore, #tpu.memory_space<semaphore_mem>>)
    %dma_wait3A_312 = arith.constant 0 : i32
    %dma_wait3A_313 = arith.constant 1 : i32
    %dma_wait3A_314 = arith.constant 0 : i32
    %dma_wait3A_315 = arith.constant 0 : i32
    %dma_wait3A_316 = tpu.memref_slice %arg6[%dma_wait3A_313, %dma_wait3A_314, %dma_wait3A_315] : memref<2x16x512xf32, #tpu.memory_space<vmem>> -> memref<1x16x512xf32, #tpu.memory_space<vmem>>
    %dma_wait3A_317 = tpu.memref_squeeze %dma_wait3A_316 : memref<1x16x512xf32, #tpu.memory_space<vmem>> -> memref<16x512xf32, #tpu.memory_space<vmem>>
    %dma_wait3A_318 = arith.constant 0 : i32
    %dma_wait3A_319 = tpu.memref_slice %arg2[%select_n3A, %dma_wait3A_312, %add3A_210, %dma_wait3A_318] : memref<8x1x512x512xf32, #tpu.memory_space<hbm>> -> memref<1x1x16x512xf32, #tpu.memory_space<hbm>>
    %dma_wait3A_320 = tpu.memref_squeeze %dma_wait3A_319 : memref<1x1x16x512xf32, #tpu.memory_space<hbm>> -> memref<16x512xf32, #tpu.memory_space<hbm>>
    %dma_wait3A_321 = arith.constant 0 : i32
    %dma_wait3A_322 = arith.constant 0 : i32
    %dma_wait3A_323 = tpu.memref_slice %arg6[%dma_wait3A_313, %dma_wait3A_321, %dma_wait3A_322] : memref<2x16x512xf32, #tpu.memory_space<vmem>> -> memref<1x16x512xf32, #tpu.memory_space<vmem>>
    %dma_wait3A_324 = tpu.memref_squeeze %dma_wait3A_323 : memref<1x16x512xf32, #tpu.memory_space<vmem>> -> memref<16x512xf32, #tpu.memory_space<vmem>>
    %dma_wait3A_325 = arith.constant 0 : i32
    %dma_wait3A_326 = tpu.memref_slice %arg2[%select_n3A, %dma_wait3A_312, %add3A_210, %dma_wait3A_325] : memref<8x1x512x512xf32, #tpu.memory_space<hbm>> -> memref<1x1x16x512xf32, #tpu.memory_space<hbm>>
    %dma_wait3A_327 = tpu.memref_squeeze %dma_wait3A_326 : memref<1x1x16x512xf32, #tpu.memory_space<hbm>> -> memref<16x512xf32, #tpu.memory_space<hbm>>
    tpu.wait_dma2 semaphore(%arg11 : memref<!tpu.dma_semaphore, #tpu.memory_space<semaphore_mem>>) src(%dma_wait3A_327 : memref<16x512xf32, #tpu.memory_space<hbm>>) dst(%dma_wait3A_324 : memref<16x512xf32, #tpu.memory_space<vmem>>)
    %dma_wait3A_328 = arith.constant 1 : i32
    %dma_wait3A_329 = arith.constant 0 : i32
    %dma_wait3A_330 = arith.constant 0 : i32
    %dma_wait3A_331 = tpu.memref_slice %arg7[%dma_wait3A_328, %dma_wait3A_329, %dma_wait3A_330] : memref<2x16x512xf32, #tpu.memory_space<vmem>> -> memref<1x16x512xf32, #tpu.memory_space<vmem>>
    %dma_wait3A_332 = tpu.memref_squeeze %dma_wait3A_331 : memref<1x16x512xf32, #tpu.memory_space<vmem>> -> memref<16x512xf32, #tpu.memory_space<vmem>>
    %dma_wait3A_333 = arith.constant 0 : i32
    %dma_wait3A_334 = tpu.memref_slice %arg3[%select_n3A, %add3A_210, %dma_wait3A_333] : memref<8x512x512xf32, #tpu.memory_space<hbm>> -> memref<1x16x512xf32, #tpu.memory_space<hbm>>
    %dma_wait3A_335 = tpu.memref_squeeze %dma_wait3A_334 : memref<1x16x512xf32, #tpu.memory_space<hbm>> -> memref<16x512xf32, #tpu.memory_space<hbm>>
    %dma_wait3A_336 = arith.constant 0 : i32
    %dma_wait3A_337 = arith.constant 0 : i32
    %dma_wait3A_338 = tpu.memref_slice %arg7[%dma_wait3A_328, %dma_wait3A_336, %dma_wait3A_337] : memref<2x16x512xf32, #tpu.memory_space<vmem>> -> memref<1x16x512xf32, #tpu.memory_space<vmem>>
    %dma_wait3A_339 = tpu.memref_squeeze %dma_wait3A_338 : memref<1x16x512xf32, #tpu.memory_space<vmem>> -> memref<16x512xf32, #tpu.memory_space<vmem>>
    %dma_wait3A_340 = arith.constant 0 : i32
    %dma_wait3A_341 = tpu.memref_slice %arg3[%select_n3A, %add3A_210, %dma_wait3A_340] : memref<8x512x512xf32, #tpu.memory_space<hbm>> -> memref<1x16x512xf32, #tpu.memory_space<hbm>>
    %dma_wait3A_342 = tpu.memref_squeeze %dma_wait3A_341 : memref<1x16x512xf32, #tpu.memory_space<hbm>> -> memref<16x512xf32, #tpu.memory_space<hbm>>
    tpu.wait_dma2 semaphore(%arg11 : memref<!tpu.dma_semaphore, #tpu.memory_space<semaphore_mem>>) src(%dma_wait3A_342 : memref<16x512xf32, #tpu.memory_space<hbm>>) dst(%dma_wait3A_339 : memref<16x512xf32, #tpu.memory_space<vmem>>)
    %parallel_loop3A_343 = arith.constant 0 : i32
    %parallel_loop3A_344 = arith.constant 512 : i32
    %parallel_loop3A_345 = arith.constant 1 : i32
    %parallel_loop3A_346 = arith.constant 1 : i32
    %parallel_loop3A_347 = arith.constant 1 : i32
    %parallel_loop3A_348 = scf.for %parallel_loop3A_597 = %parallel_loop3A_343 to %parallel_loop3A_344 step %parallel_loop3A_345 iter_args(%parallel_loop3A_598 = %parallel_loop3A_278) -> (vector<16xf32>)  : i32 {
      %parallel_loop3A_599 = arith.constant 5 : i32
      %parallel_loop3A_600 = arith.shrui %parallel_loop3A_597, %parallel_loop3A_599 : i32
      %parallel_loop3A_601 = arith.constant 31 : i32
      %parallel_loop3A_602 = arith.andi %parallel_loop3A_597, %parallel_loop3A_601 : i32
      %parallel_loop3A_603 = arith.constant 4 : i32
      %parallel_loop3A_604 = arith.shli %parallel_loop3A_602, %parallel_loop3A_603 : i32
      %parallel_loop3A_605 = arith.constant 0 : i32
      %parallel_loop3A_606 = arith.constant 0 : i32
      %parallel_loop3A_607 = tpu.memref_slice %arg6[%parallel_loop3A_346, %parallel_loop3A_605, %parallel_loop3A_606] : memref<2x16x512xf32, #tpu.memory_space<vmem>> -> memref<1x16x512xf32, #tpu.memory_space<vmem>>
      %parallel_loop3A_608 = tpu.memref_squeeze %parallel_loop3A_607 : memref<1x16x512xf32, #tpu.memory_space<vmem>> -> memref<16x512xf32, #tpu.memory_space<vmem>>
      %parallel_loop3A_609 = arith.index_cast %parallel_loop3A_600 : i32 to index
      %parallel_loop3A_610 = arith.index_cast %parallel_loop3A_604 : i32 to index
      %parallel_loop3A_611 = tpu.vector_load %parallel_loop3A_608[%parallel_loop3A_609, %parallel_loop3A_610] {strides = array<i32>} : memref<16x512xf32, #tpu.memory_space<vmem>>, vector<16xf32>,
      %parallel_loop3A_612 = arith.constant 0 : i32
      %parallel_loop3A_613 = arith.constant 0 : i32
      %parallel_loop3A_614 = tpu.memref_slice %arg7[%parallel_loop3A_347, %parallel_loop3A_612, %parallel_loop3A_613] : memref<2x16x512xf32, #tpu.memory_space<vmem>> -> memref<1x16x512xf32, #tpu.memory_space<vmem>>
      %parallel_loop3A_615 = tpu.memref_squeeze %parallel_loop3A_614 : memref<1x16x512xf32, #tpu.memory_space<vmem>> -> memref<16x512xf32, #tpu.memory_space<vmem>>
      %parallel_loop3A_616 = arith.index_cast %parallel_loop3A_600 : i32 to index
      %parallel_loop3A_617 = arith.index_cast %parallel_loop3A_604 : i32 to index
      %parallel_loop3A_618 = tpu.vector_load %parallel_loop3A_615[%parallel_loop3A_616, %parallel_loop3A_617] {strides = array<i32>} : memref<16x512xf32, #tpu.memory_space<vmem>>, vector<16xf32>,
      %parallel_loop3A_619 = arith.constant 1.000000e+00 : f32
      %parallel_loop3A_620 = vector.broadcast %parallel_loop3A_619 : f32 to vector<16xf32>
      %parallel_loop3A_621 = arith.addf %parallel_loop3A_620, %parallel_loop3A_611 : vector<16xf32>
      %parallel_loop3A_622 = arith.constant 2.000000e+00 : f32
      %parallel_loop3A_623 = vector.broadcast %parallel_loop3A_622 : f32 to vector<16xf32>
      %parallel_loop3A_624 = arith.mulf %parallel_loop3A_623, %parallel_loop3A_611 : vector<16xf32>
      %parallel_loop3A_625 = arith.mulf %parallel_loop3A_624, %parallel_loop3A_618 : vector<16xf32>
      %parallel_loop3A_626 = arith.subf %parallel_loop3A_621, %parallel_loop3A_625 : vector<16xf32>
      %parallel_loop3A_627 = arith.constant 0.000000e+00 : f32
      %parallel_loop3A_628 = vector.broadcast %parallel_loop3A_627 : f32 to vector<16xf32>
      %parallel_loop3A_629 = arith.cmpf ogt, %parallel_loop3A_626, %parallel_loop3A_628 : vector<16xf32>
      %parallel_loop3A_630 = arith.constant 2.560000e+02 : f32
      %parallel_loop3A_631 = vector.broadcast %parallel_loop3A_630 : f32 to vector<16xf32>
      %parallel_loop3A_632 = arith.mulf %parallel_loop3A_626, %parallel_loop3A_631 : vector<16xf32>
      %parallel_loop3A_633 = arith.constant 2.047500e+03 : f32
      %parallel_loop3A_634 = vector.broadcast %parallel_loop3A_633 : f32 to vector<16xf32>
      %parallel_loop3A_635 = arith.minimumf %parallel_loop3A_632, %parallel_loop3A_634 : vector<16xf32>
      %parallel_loop3A_636 = arith.constant 2.048000e+03 : f32
      %parallel_loop3A_637 = vector.broadcast %parallel_loop3A_636 : f32 to vector<16xf32>
      %parallel_loop3A_638 = arith.mulf %parallel_loop3A_618, %parallel_loop3A_637 : vector<16xf32>
      %parallel_loop3A_639 = arith.addf %parallel_loop3A_635, %parallel_loop3A_638 : vector<16xf32>
      %parallel_loop3A_640 = arith.fptosi %parallel_loop3A_639 : vector<16xf32> to vector<16xi32>
      tpu.vector_store_idx %arg8[%parallel_loop3A_640], %broadcast_in_dim3A_67 masked %parallel_loop3A_629 {add = true} : memref<4096xf32, #tpu.memory_space<vmem>>[vector<16xi32>], vector<16xf32>, vector<16xi1>
      %parallel_loop3A_641 = arith.addf %parallel_loop3A_598, %parallel_loop3A_618 : vector<16xf32>
      scf.yield %parallel_loop3A_641 : vector<16xf32>
    } {sc.loop_unroll_factor = 8 : i64, sc.parallel_access}
    %add3A_349 = arith.constant 80 : i32
    %add3A_350 = arith.addi %mul3A_32, %add3A_349 : i32
    %dma_start3A_351 = arith.constant 0 : i32
    %dma_start3A_352 = arith.constant 1 : i32
    %dma_start3A_353 = arith.constant 0 : i32
    %dma_start3A_354 = arith.constant 0 : i32
    %dma_start3A_355 = tpu.memref_slice %arg6[%dma_start3A_352, %dma_start3A_353, %dma_start3A_354] : memref<2x16x512xf32, #tpu.memory_space<vmem>> -> memref<1x16x512xf32, #tpu.memory_space<vmem>>
    %dma_start3A_356 = tpu.memref_squeeze %dma_start3A_355 : memref<1x16x512xf32, #tpu.memory_space<vmem>> -> memref<16x512xf32, #tpu.memory_space<vmem>>
    %dma_start3A_357 = arith.constant 0 : i32
    %dma_start3A_358 = tpu.memref_slice %arg2[%select_n3A, %dma_start3A_351, %add3A_350, %dma_start3A_357] : memref<8x1x512x512xf32, #tpu.memory_space<hbm>> -> memref<1x1x16x512xf32, #tpu.memory_space<hbm>>
    %dma_start3A_359 = tpu.memref_squeeze %dma_start3A_358 : memref<1x1x16x512xf32, #tpu.memory_space<hbm>> -> memref<16x512xf32, #tpu.memory_space<hbm>>
    %dma_start3A_360 = arith.constant 0 : i32
    %dma_start3A_361 = arith.constant 0 : i32
    %dma_start3A_362 = tpu.memref_slice %arg6[%dma_start3A_352, %dma_start3A_360, %dma_start3A_361] : memref<2x16x512xf32, #tpu.memory_space<vmem>> -> memref<1x16x512xf32, #tpu.memory_space<vmem>>
    %dma_start3A_363 = tpu.memref_squeeze %dma_start3A_362 : memref<1x16x512xf32, #tpu.memory_space<vmem>> -> memref<16x512xf32, #tpu.memory_space<vmem>>
    %dma_start3A_364 = arith.constant 0 : i32
    %dma_start3A_365 = tpu.memref_slice %arg2[%select_n3A, %dma_start3A_351, %add3A_350, %dma_start3A_364] : memref<8x1x512x512xf32, #tpu.memory_space<hbm>> -> memref<1x1x16x512xf32, #tpu.memory_space<hbm>>
    %dma_start3A_366 = tpu.memref_squeeze %dma_start3A_365 : memref<1x1x16x512xf32, #tpu.memory_space<hbm>> -> memref<16x512xf32, #tpu.memory_space<hbm>>
    tpu.enqueue_dma source(%dma_start3A_366 : memref<16x512xf32, #tpu.memory_space<hbm>>) target(%dma_start3A_363 : memref<16x512xf32, #tpu.memory_space<vmem>>) target_semaphore(%arg11 : memref<!tpu.dma_semaphore, #tpu.memory_space<semaphore_mem>>)
    %dma_start3A_367 = arith.constant 1 : i32
    %dma_start3A_368 = arith.constant 0 : i32
    %dma_start3A_369 = arith.constant 0 : i32
    %dma_start3A_370 = tpu.memref_slice %arg7[%dma_start3A_367, %dma_start3A_368, %dma_start3A_369] : memref<2x16x512xf32, #tpu.memory_space<vmem>> -> memref<1x16x512xf32, #tpu.memory_space<vmem>>
    %dma_start3A_371 = tpu.memref_squeeze %dma_start3A_370 : memref<1x16x512xf32, #tpu.memory_space<vmem>> -> memref<16x512xf32, #tpu.memory_space<vmem>>
    %dma_start3A_372 = arith.constant 0 : i32
    %dma_start3A_373 = tpu.memref_slice %arg3[%select_n3A, %add3A_350, %dma_start3A_372] : memref<8x512x512xf32, #tpu.memory_space<hbm>> -> memref<1x16x512xf32, #tpu.memory_space<hbm>>
    %dma_start3A_374 = tpu.memref_squeeze %dma_start3A_373 : memref<1x16x512xf32, #tpu.memory_space<hbm>> -> memref<16x512xf32, #tpu.memory_space<hbm>>
    %dma_start3A_375 = arith.constant 0 : i32
    %dma_start3A_376 = arith.constant 0 : i32
    %dma_start3A_377 = tpu.memref_slice %arg7[%dma_start3A_367, %dma_start3A_375, %dma_start3A_376] : memref<2x16x512xf32, #tpu.memory_space<vmem>> -> memref<1x16x512xf32, #tpu.memory_space<vmem>>
    %dma_start3A_378 = tpu.memref_squeeze %dma_start3A_377 : memref<1x16x512xf32, #tpu.memory_space<vmem>> -> memref<16x512xf32, #tpu.memory_space<vmem>>
    %dma_start3A_379 = arith.constant 0 : i32
    %dma_start3A_380 = tpu.memref_slice %arg3[%select_n3A, %add3A_350, %dma_start3A_379] : memref<8x512x512xf32, #tpu.memory_space<hbm>> -> memref<1x16x512xf32, #tpu.memory_space<hbm>>
    %dma_start3A_381 = tpu.memref_squeeze %dma_start3A_380 : memref<1x16x512xf32, #tpu.memory_space<hbm>> -> memref<16x512xf32, #tpu.memory_space<hbm>>
    tpu.enqueue_dma source(%dma_start3A_381 : memref<16x512xf32, #tpu.memory_space<hbm>>) target(%dma_start3A_378 : memref<16x512xf32, #tpu.memory_space<vmem>>) target_semaphore(%arg11 : memref<!tpu.dma_semaphore, #tpu.memory_space<semaphore_mem>>)
    %dma_wait3A_382 = arith.constant 0 : i32
    %dma_wait3A_383 = arith.constant 0 : i32
    %dma_wait3A_384 = arith.constant 0 : i32
    %dma_wait3A_385 = arith.constant 0 : i32
    %dma_wait3A_386 = tpu.memref_slice %arg6[%dma_wait3A_383, %dma_wait3A_384, %dma_wait3A_385] : memref<2x16x512xf32, #tpu.memory_space<vmem>> -> memref<1x16x512xf32, #tpu.memory_space<vmem>>
    %dma_wait3A_387 = tpu.memref_squeeze %dma_wait3A_386 : memref<1x16x512xf32, #tpu.memory_space<vmem>> -> memref<16x512xf32, #tpu.memory_space<vmem>>
    %dma_wait3A_388 = arith.constant 0 : i32
    %dma_wait3A_389 = tpu.memref_slice %arg2[%select_n3A, %dma_wait3A_382, %add3A_280, %dma_wait3A_388] : memref<8x1x512x512xf32, #tpu.memory_space<hbm>> -> memref<1x1x16x512xf32, #tpu.memory_space<hbm>>
    %dma_wait3A_390 = tpu.memref_squeeze %dma_wait3A_389 : memref<1x1x16x512xf32, #tpu.memory_space<hbm>> -> memref<16x512xf32, #tpu.memory_space<hbm>>
    %dma_wait3A_391 = arith.constant 0 : i32
    %dma_wait3A_392 = arith.constant 0 : i32
    %dma_wait3A_393 = tpu.memref_slice %arg6[%dma_wait3A_383, %dma_wait3A_391, %dma_wait3A_392] : memref<2x16x512xf32, #tpu.memory_space<vmem>> -> memref<1x16x512xf32, #tpu.memory_space<vmem>>
    %dma_wait3A_394 = tpu.memref_squeeze %dma_wait3A_393 : memref<1x16x512xf32, #tpu.memory_space<vmem>> -> memref<16x512xf32, #tpu.memory_space<vmem>>
    %dma_wait3A_395 = arith.constant 0 : i32
    %dma_wait3A_396 = tpu.memref_slice %arg2[%select_n3A, %dma_wait3A_382, %add3A_280, %dma_wait3A_395] : memref<8x1x512x512xf32, #tpu.memory_space<hbm>> -> memref<1x1x16x512xf32, #tpu.memory_space<hbm>>
    %dma_wait3A_397 = tpu.memref_squeeze %dma_wait3A_396 : memref<1x1x16x512xf32, #tpu.memory_space<hbm>> -> memref<16x512xf32, #tpu.memory_space<hbm>>
    tpu.wait_dma2 semaphore(%arg10 : memref<!tpu.dma_semaphore, #tpu.memory_space<semaphore_mem>>) src(%dma_wait3A_397 : memref<16x512xf32, #tpu.memory_space<hbm>>) dst(%dma_wait3A_394 : memref<16x512xf32, #tpu.memory_space<vmem>>)
    %dma_wait3A_398 = arith.constant 0 : i32
    %dma_wait3A_399 = arith.constant 0 : i32
    %dma_wait3A_400 = arith.constant 0 : i32
    %dma_wait3A_401 = tpu.memref_slice %arg7[%dma_wait3A_398, %dma_wait3A_399, %dma_wait3A_400] : memref<2x16x512xf32, #tpu.memory_space<vmem>> -> memref<1x16x512xf32, #tpu.memory_space<vmem>>
    %dma_wait3A_402 = tpu.memref_squeeze %dma_wait3A_401 : memref<1x16x512xf32, #tpu.memory_space<vmem>> -> memref<16x512xf32, #tpu.memory_space<vmem>>
    %dma_wait3A_403 = arith.constant 0 : i32
    %dma_wait3A_404 = tpu.memref_slice %arg3[%select_n3A, %add3A_280, %dma_wait3A_403] : memref<8x512x512xf32, #tpu.memory_space<hbm>> -> memref<1x16x512xf32, #tpu.memory_space<hbm>>
    %dma_wait3A_405 = tpu.memref_squeeze %dma_wait3A_404 : memref<1x16x512xf32, #tpu.memory_space<hbm>> -> memref<16x512xf32, #tpu.memory_space<hbm>>
    %dma_wait3A_406 = arith.constant 0 : i32
    %dma_wait3A_407 = arith.constant 0 : i32
    %dma_wait3A_408 = tpu.memref_slice %arg7[%dma_wait3A_398, %dma_wait3A_406, %dma_wait3A_407] : memref<2x16x512xf32, #tpu.memory_space<vmem>> -> memref<1x16x512xf32, #tpu.memory_space<vmem>>
    %dma_wait3A_409 = tpu.memref_squeeze %dma_wait3A_408 : memref<1x16x512xf32, #tpu.memory_space<vmem>> -> memref<16x512xf32, #tpu.memory_space<vmem>>
    %dma_wait3A_410 = arith.constant 0 : i32
    %dma_wait3A_411 = tpu.memref_slice %arg3[%select_n3A, %add3A_280, %dma_wait3A_410] : memref<8x512x512xf32, #tpu.memory_space<hbm>> -> memref<1x16x512xf32, #tpu.memory_space<hbm>>
    %dma_wait3A_412 = tpu.memref_squeeze %dma_wait3A_411 : memref<1x16x512xf32, #tpu.memory_space<hbm>> -> memref<16x512xf32, #tpu.memory_space<hbm>>
    tpu.wait_dma2 semaphore(%arg10 : memref<!tpu.dma_semaphore, #tpu.memory_space<semaphore_mem>>) src(%dma_wait3A_412 : memref<16x512xf32, #tpu.memory_space<hbm>>) dst(%dma_wait3A_409 : memref<16x512xf32, #tpu.memory_space<vmem>>)
    %parallel_loop3A_413 = arith.constant 0 : i32
    %parallel_loop3A_414 = arith.constant 512 : i32
    %parallel_loop3A_415 = arith.constant 1 : i32
    %parallel_loop3A_416 = arith.constant 0 : i32
    %parallel_loop3A_417 = arith.constant 0 : i32
    %parallel_loop3A_418 = scf.for %parallel_loop3A_597 = %parallel_loop3A_413 to %parallel_loop3A_414 step %parallel_loop3A_415 iter_args(%parallel_loop3A_598 = %parallel_loop3A_348) -> (vector<16xf32>)  : i32 {
      %parallel_loop3A_599 = arith.constant 5 : i32
      %parallel_loop3A_600 = arith.shrui %parallel_loop3A_597, %parallel_loop3A_599 : i32
      %parallel_loop3A_601 = arith.constant 31 : i32
      %parallel_loop3A_602 = arith.andi %parallel_loop3A_597, %parallel_loop3A_601 : i32
      %parallel_loop3A_603 = arith.constant 4 : i32
      %parallel_loop3A_604 = arith.shli %parallel_loop3A_602, %parallel_loop3A_603 : i32
      %parallel_loop3A_605 = arith.constant 0 : i32
      %parallel_loop3A_606 = arith.constant 0 : i32
      %parallel_loop3A_607 = tpu.memref_slice %arg6[%parallel_loop3A_416, %parallel_loop3A_605, %parallel_loop3A_606] : memref<2x16x512xf32, #tpu.memory_space<vmem>> -> memref<1x16x512xf32, #tpu.memory_space<vmem>>
      %parallel_loop3A_608 = tpu.memref_squeeze %parallel_loop3A_607 : memref<1x16x512xf32, #tpu.memory_space<vmem>> -> memref<16x512xf32, #tpu.memory_space<vmem>>
      %parallel_loop3A_609 = arith.index_cast %parallel_loop3A_600 : i32 to index
      %parallel_loop3A_610 = arith.index_cast %parallel_loop3A_604 : i32 to index
      %parallel_loop3A_611 = tpu.vector_load %parallel_loop3A_608[%parallel_loop3A_609, %parallel_loop3A_610] {strides = array<i32>} : memref<16x512xf32, #tpu.memory_space<vmem>>, vector<16xf32>,
      %parallel_loop3A_612 = arith.constant 0 : i32
      %parallel_loop3A_613 = arith.constant 0 : i32
      %parallel_loop3A_614 = tpu.memref_slice %arg7[%parallel_loop3A_417, %parallel_loop3A_612, %parallel_loop3A_613] : memref<2x16x512xf32, #tpu.memory_space<vmem>> -> memref<1x16x512xf32, #tpu.memory_space<vmem>>
      %parallel_loop3A_615 = tpu.memref_squeeze %parallel_loop3A_614 : memref<1x16x512xf32, #tpu.memory_space<vmem>> -> memref<16x512xf32, #tpu.memory_space<vmem>>
      %parallel_loop3A_616 = arith.index_cast %parallel_loop3A_600 : i32 to index
      %parallel_loop3A_617 = arith.index_cast %parallel_loop3A_604 : i32 to index
      %parallel_loop3A_618 = tpu.vector_load %parallel_loop3A_615[%parallel_loop3A_616, %parallel_loop3A_617] {strides = array<i32>} : memref<16x512xf32, #tpu.memory_space<vmem>>, vector<16xf32>,
      %parallel_loop3A_619 = arith.constant 1.000000e+00 : f32
      %parallel_loop3A_620 = vector.broadcast %parallel_loop3A_619 : f32 to vector<16xf32>
      %parallel_loop3A_621 = arith.addf %parallel_loop3A_620, %parallel_loop3A_611 : vector<16xf32>
      %parallel_loop3A_622 = arith.constant 2.000000e+00 : f32
      %parallel_loop3A_623 = vector.broadcast %parallel_loop3A_622 : f32 to vector<16xf32>
      %parallel_loop3A_624 = arith.mulf %parallel_loop3A_623, %parallel_loop3A_611 : vector<16xf32>
      %parallel_loop3A_625 = arith.mulf %parallel_loop3A_624, %parallel_loop3A_618 : vector<16xf32>
      %parallel_loop3A_626 = arith.subf %parallel_loop3A_621, %parallel_loop3A_625 : vector<16xf32>
      %parallel_loop3A_627 = arith.constant 0.000000e+00 : f32
      %parallel_loop3A_628 = vector.broadcast %parallel_loop3A_627 : f32 to vector<16xf32>
      %parallel_loop3A_629 = arith.cmpf ogt, %parallel_loop3A_626, %parallel_loop3A_628 : vector<16xf32>
      %parallel_loop3A_630 = arith.constant 2.560000e+02 : f32
      %parallel_loop3A_631 = vector.broadcast %parallel_loop3A_630 : f32 to vector<16xf32>
      %parallel_loop3A_632 = arith.mulf %parallel_loop3A_626, %parallel_loop3A_631 : vector<16xf32>
      %parallel_loop3A_633 = arith.constant 2.047500e+03 : f32
      %parallel_loop3A_634 = vector.broadcast %parallel_loop3A_633 : f32 to vector<16xf32>
      %parallel_loop3A_635 = arith.minimumf %parallel_loop3A_632, %parallel_loop3A_634 : vector<16xf32>
      %parallel_loop3A_636 = arith.constant 2.048000e+03 : f32
      %parallel_loop3A_637 = vector.broadcast %parallel_loop3A_636 : f32 to vector<16xf32>
      %parallel_loop3A_638 = arith.mulf %parallel_loop3A_618, %parallel_loop3A_637 : vector<16xf32>
      %parallel_loop3A_639 = arith.addf %parallel_loop3A_635, %parallel_loop3A_638 : vector<16xf32>
      %parallel_loop3A_640 = arith.fptosi %parallel_loop3A_639 : vector<16xf32> to vector<16xi32>
      tpu.vector_store_idx %arg8[%parallel_loop3A_640], %broadcast_in_dim3A_67 masked %parallel_loop3A_629 {add = true} : memref<4096xf32, #tpu.memory_space<vmem>>[vector<16xi32>], vector<16xf32>, vector<16xi1>
      %parallel_loop3A_641 = arith.addf %parallel_loop3A_598, %parallel_loop3A_618 : vector<16xf32>
      scf.yield %parallel_loop3A_641 : vector<16xf32>
    } {sc.loop_unroll_factor = 8 : i64, sc.parallel_access}
    %add3A_419 = arith.constant 96 : i32
    %add3A_420 = arith.addi %mul3A_32, %add3A_419 : i32
    %dma_start3A_421 = arith.constant 0 : i32
    %dma_start3A_422 = arith.constant 0 : i32
    %dma_start3A_423 = arith.constant 0 : i32
    %dma_start3A_424 = arith.constant 0 : i32
    %dma_start3A_425 = tpu.memref_slice %arg6[%dma_start3A_422, %dma_start3A_423, %dma_start3A_424] : memref<2x16x512xf32, #tpu.memory_space<vmem>> -> memref<1x16x512xf32, #tpu.memory_space<vmem>>
    %dma_start3A_426 = tpu.memref_squeeze %dma_start3A_425 : memref<1x16x512xf32, #tpu.memory_space<vmem>> -> memref<16x512xf32, #tpu.memory_space<vmem>>
    %dma_start3A_427 = arith.constant 0 : i32
    %dma_start3A_428 = tpu.memref_slice %arg2[%select_n3A, %dma_start3A_421, %add3A_420, %dma_start3A_427] : memref<8x1x512x512xf32, #tpu.memory_space<hbm>> -> memref<1x1x16x512xf32, #tpu.memory_space<hbm>>
    %dma_start3A_429 = tpu.memref_squeeze %dma_start3A_428 : memref<1x1x16x512xf32, #tpu.memory_space<hbm>> -> memref<16x512xf32, #tpu.memory_space<hbm>>
    %dma_start3A_430 = arith.constant 0 : i32
    %dma_start3A_431 = arith.constant 0 : i32
    %dma_start3A_432 = tpu.memref_slice %arg6[%dma_start3A_422, %dma_start3A_430, %dma_start3A_431] : memref<2x16x512xf32, #tpu.memory_space<vmem>> -> memref<1x16x512xf32, #tpu.memory_space<vmem>>
    %dma_start3A_433 = tpu.memref_squeeze %dma_start3A_432 : memref<1x16x512xf32, #tpu.memory_space<vmem>> -> memref<16x512xf32, #tpu.memory_space<vmem>>
    %dma_start3A_434 = arith.constant 0 : i32
    %dma_start3A_435 = tpu.memref_slice %arg2[%select_n3A, %dma_start3A_421, %add3A_420, %dma_start3A_434] : memref<8x1x512x512xf32, #tpu.memory_space<hbm>> -> memref<1x1x16x512xf32, #tpu.memory_space<hbm>>
    %dma_start3A_436 = tpu.memref_squeeze %dma_start3A_435 : memref<1x1x16x512xf32, #tpu.memory_space<hbm>> -> memref<16x512xf32, #tpu.memory_space<hbm>>
    tpu.enqueue_dma source(%dma_start3A_436 : memref<16x512xf32, #tpu.memory_space<hbm>>) target(%dma_start3A_433 : memref<16x512xf32, #tpu.memory_space<vmem>>) target_semaphore(%arg10 : memref<!tpu.dma_semaphore, #tpu.memory_space<semaphore_mem>>)
    %dma_start3A_437 = arith.constant 0 : i32
    %dma_start3A_438 = arith.constant 0 : i32
    %dma_start3A_439 = arith.constant 0 : i32
    %dma_start3A_440 = tpu.memref_slice %arg7[%dma_start3A_437, %dma_start3A_438, %dma_start3A_439] : memref<2x16x512xf32, #tpu.memory_space<vmem>> -> memref<1x16x512xf32, #tpu.memory_space<vmem>>
    %dma_start3A_441 = tpu.memref_squeeze %dma_start3A_440 : memref<1x16x512xf32, #tpu.memory_space<vmem>> -> memref<16x512xf32, #tpu.memory_space<vmem>>
    %dma_start3A_442 = arith.constant 0 : i32
    %dma_start3A_443 = tpu.memref_slice %arg3[%select_n3A, %add3A_420, %dma_start3A_442] : memref<8x512x512xf32, #tpu.memory_space<hbm>> -> memref<1x16x512xf32, #tpu.memory_space<hbm>>
    %dma_start3A_444 = tpu.memref_squeeze %dma_start3A_443 : memref<1x16x512xf32, #tpu.memory_space<hbm>> -> memref<16x512xf32, #tpu.memory_space<hbm>>
    %dma_start3A_445 = arith.constant 0 : i32
    %dma_start3A_446 = arith.constant 0 : i32
    %dma_start3A_447 = tpu.memref_slice %arg7[%dma_start3A_437, %dma_start3A_445, %dma_start3A_446] : memref<2x16x512xf32, #tpu.memory_space<vmem>> -> memref<1x16x512xf32, #tpu.memory_space<vmem>>
    %dma_start3A_448 = tpu.memref_squeeze %dma_start3A_447 : memref<1x16x512xf32, #tpu.memory_space<vmem>> -> memref<16x512xf32, #tpu.memory_space<vmem>>
    %dma_start3A_449 = arith.constant 0 : i32
    %dma_start3A_450 = tpu.memref_slice %arg3[%select_n3A, %add3A_420, %dma_start3A_449] : memref<8x512x512xf32, #tpu.memory_space<hbm>> -> memref<1x16x512xf32, #tpu.memory_space<hbm>>
    %dma_start3A_451 = tpu.memref_squeeze %dma_start3A_450 : memref<1x16x512xf32, #tpu.memory_space<hbm>> -> memref<16x512xf32, #tpu.memory_space<hbm>>
    tpu.enqueue_dma source(%dma_start3A_451 : memref<16x512xf32, #tpu.memory_space<hbm>>) target(%dma_start3A_448 : memref<16x512xf32, #tpu.memory_space<vmem>>) target_semaphore(%arg10 : memref<!tpu.dma_semaphore, #tpu.memory_space<semaphore_mem>>)
    %dma_wait3A_452 = arith.constant 0 : i32
    %dma_wait3A_453 = arith.constant 1 : i32
    %dma_wait3A_454 = arith.constant 0 : i32
    %dma_wait3A_455 = arith.constant 0 : i32
    %dma_wait3A_456 = tpu.memref_slice %arg6[%dma_wait3A_453, %dma_wait3A_454, %dma_wait3A_455] : memref<2x16x512xf32, #tpu.memory_space<vmem>> -> memref<1x16x512xf32, #tpu.memory_space<vmem>>
    %dma_wait3A_457 = tpu.memref_squeeze %dma_wait3A_456 : memref<1x16x512xf32, #tpu.memory_space<vmem>> -> memref<16x512xf32, #tpu.memory_space<vmem>>
    %dma_wait3A_458 = arith.constant 0 : i32
    %dma_wait3A_459 = tpu.memref_slice %arg2[%select_n3A, %dma_wait3A_452, %add3A_350, %dma_wait3A_458] : memref<8x1x512x512xf32, #tpu.memory_space<hbm>> -> memref<1x1x16x512xf32, #tpu.memory_space<hbm>>
    %dma_wait3A_460 = tpu.memref_squeeze %dma_wait3A_459 : memref<1x1x16x512xf32, #tpu.memory_space<hbm>> -> memref<16x512xf32, #tpu.memory_space<hbm>>
    %dma_wait3A_461 = arith.constant 0 : i32
    %dma_wait3A_462 = arith.constant 0 : i32
    %dma_wait3A_463 = tpu.memref_slice %arg6[%dma_wait3A_453, %dma_wait3A_461, %dma_wait3A_462] : memref<2x16x512xf32, #tpu.memory_space<vmem>> -> memref<1x16x512xf32, #tpu.memory_space<vmem>>
    %dma_wait3A_464 = tpu.memref_squeeze %dma_wait3A_463 : memref<1x16x512xf32, #tpu.memory_space<vmem>> -> memref<16x512xf32, #tpu.memory_space<vmem>>
    %dma_wait3A_465 = arith.constant 0 : i32
    %dma_wait3A_466 = tpu.memref_slice %arg2[%select_n3A, %dma_wait3A_452, %add3A_350, %dma_wait3A_465] : memref<8x1x512x512xf32, #tpu.memory_space<hbm>> -> memref<1x1x16x512xf32, #tpu.memory_space<hbm>>
    %dma_wait3A_467 = tpu.memref_squeeze %dma_wait3A_466 : memref<1x1x16x512xf32, #tpu.memory_space<hbm>> -> memref<16x512xf32, #tpu.memory_space<hbm>>
    tpu.wait_dma2 semaphore(%arg11 : memref<!tpu.dma_semaphore, #tpu.memory_space<semaphore_mem>>) src(%dma_wait3A_467 : memref<16x512xf32, #tpu.memory_space<hbm>>) dst(%dma_wait3A_464 : memref<16x512xf32, #tpu.memory_space<vmem>>)
    %dma_wait3A_468 = arith.constant 1 : i32
    %dma_wait3A_469 = arith.constant 0 : i32
    %dma_wait3A_470 = arith.constant 0 : i32
    %dma_wait3A_471 = tpu.memref_slice %arg7[%dma_wait3A_468, %dma_wait3A_469, %dma_wait3A_470] : memref<2x16x512xf32, #tpu.memory_space<vmem>> -> memref<1x16x512xf32, #tpu.memory_space<vmem>>
    %dma_wait3A_472 = tpu.memref_squeeze %dma_wait3A_471 : memref<1x16x512xf32, #tpu.memory_space<vmem>> -> memref<16x512xf32, #tpu.memory_space<vmem>>
    %dma_wait3A_473 = arith.constant 0 : i32
    %dma_wait3A_474 = tpu.memref_slice %arg3[%select_n3A, %add3A_350, %dma_wait3A_473] : memref<8x512x512xf32, #tpu.memory_space<hbm>> -> memref<1x16x512xf32, #tpu.memory_space<hbm>>
    %dma_wait3A_475 = tpu.memref_squeeze %dma_wait3A_474 : memref<1x16x512xf32, #tpu.memory_space<hbm>> -> memref<16x512xf32, #tpu.memory_space<hbm>>
    %dma_wait3A_476 = arith.constant 0 : i32
    %dma_wait3A_477 = arith.constant 0 : i32
    %dma_wait3A_478 = tpu.memref_slice %arg7[%dma_wait3A_468, %dma_wait3A_476, %dma_wait3A_477] : memref<2x16x512xf32, #tpu.memory_space<vmem>> -> memref<1x16x512xf32, #tpu.memory_space<vmem>>
    %dma_wait3A_479 = tpu.memref_squeeze %dma_wait3A_478 : memref<1x16x512xf32, #tpu.memory_space<vmem>> -> memref<16x512xf32, #tpu.memory_space<vmem>>
    %dma_wait3A_480 = arith.constant 0 : i32
    %dma_wait3A_481 = tpu.memref_slice %arg3[%select_n3A, %add3A_350, %dma_wait3A_480] : memref<8x512x512xf32, #tpu.memory_space<hbm>> -> memref<1x16x512xf32, #tpu.memory_space<hbm>>
    %dma_wait3A_482 = tpu.memref_squeeze %dma_wait3A_481 : memref<1x16x512xf32, #tpu.memory_space<hbm>> -> memref<16x512xf32, #tpu.memory_space<hbm>>
    tpu.wait_dma2 semaphore(%arg11 : memref<!tpu.dma_semaphore, #tpu.memory_space<semaphore_mem>>) src(%dma_wait3A_482 : memref<16x512xf32, #tpu.memory_space<hbm>>) dst(%dma_wait3A_479 : memref<16x512xf32, #tpu.memory_space<vmem>>)
    %parallel_loop3A_483 = arith.constant 0 : i32
    %parallel_loop3A_484 = arith.constant 512 : i32
    %parallel_loop3A_485 = arith.constant 1 : i32
    %parallel_loop3A_486 = arith.constant 1 : i32
    %parallel_loop3A_487 = arith.constant 1 : i32
    %parallel_loop3A_488 = scf.for %parallel_loop3A_597 = %parallel_loop3A_483 to %parallel_loop3A_484 step %parallel_loop3A_485 iter_args(%parallel_loop3A_598 = %parallel_loop3A_418) -> (vector<16xf32>)  : i32 {
      %parallel_loop3A_599 = arith.constant 5 : i32
      %parallel_loop3A_600 = arith.shrui %parallel_loop3A_597, %parallel_loop3A_599 : i32
      %parallel_loop3A_601 = arith.constant 31 : i32
      %parallel_loop3A_602 = arith.andi %parallel_loop3A_597, %parallel_loop3A_601 : i32
      %parallel_loop3A_603 = arith.constant 4 : i32
      %parallel_loop3A_604 = arith.shli %parallel_loop3A_602, %parallel_loop3A_603 : i32
      %parallel_loop3A_605 = arith.constant 0 : i32
      %parallel_loop3A_606 = arith.constant 0 : i32
      %parallel_loop3A_607 = tpu.memref_slice %arg6[%parallel_loop3A_486, %parallel_loop3A_605, %parallel_loop3A_606] : memref<2x16x512xf32, #tpu.memory_space<vmem>> -> memref<1x16x512xf32, #tpu.memory_space<vmem>>
      %parallel_loop3A_608 = tpu.memref_squeeze %parallel_loop3A_607 : memref<1x16x512xf32, #tpu.memory_space<vmem>> -> memref<16x512xf32, #tpu.memory_space<vmem>>
      %parallel_loop3A_609 = arith.index_cast %parallel_loop3A_600 : i32 to index
      %parallel_loop3A_610 = arith.index_cast %parallel_loop3A_604 : i32 to index
      %parallel_loop3A_611 = tpu.vector_load %parallel_loop3A_608[%parallel_loop3A_609, %parallel_loop3A_610] {strides = array<i32>} : memref<16x512xf32, #tpu.memory_space<vmem>>, vector<16xf32>,
      %parallel_loop3A_612 = arith.constant 0 : i32
      %parallel_loop3A_613 = arith.constant 0 : i32
      %parallel_loop3A_614 = tpu.memref_slice %arg7[%parallel_loop3A_487, %parallel_loop3A_612, %parallel_loop3A_613] : memref<2x16x512xf32, #tpu.memory_space<vmem>> -> memref<1x16x512xf32, #tpu.memory_space<vmem>>
      %parallel_loop3A_615 = tpu.memref_squeeze %parallel_loop3A_614 : memref<1x16x512xf32, #tpu.memory_space<vmem>> -> memref<16x512xf32, #tpu.memory_space<vmem>>
      %parallel_loop3A_616 = arith.index_cast %parallel_loop3A_600 : i32 to index
      %parallel_loop3A_617 = arith.index_cast %parallel_loop3A_604 : i32 to index
      %parallel_loop3A_618 = tpu.vector_load %parallel_loop3A_615[%parallel_loop3A_616, %parallel_loop3A_617] {strides = array<i32>} : memref<16x512xf32, #tpu.memory_space<vmem>>, vector<16xf32>,
      %parallel_loop3A_619 = arith.constant 1.000000e+00 : f32
      %parallel_loop3A_620 = vector.broadcast %parallel_loop3A_619 : f32 to vector<16xf32>
      %parallel_loop3A_621 = arith.addf %parallel_loop3A_620, %parallel_loop3A_611 : vector<16xf32>
      %parallel_loop3A_622 = arith.constant 2.000000e+00 : f32
      %parallel_loop3A_623 = vector.broadcast %parallel_loop3A_622 : f32 to vector<16xf32>
      %parallel_loop3A_624 = arith.mulf %parallel_loop3A_623, %parallel_loop3A_611 : vector<16xf32>
      %parallel_loop3A_625 = arith.mulf %parallel_loop3A_624, %parallel_loop3A_618 : vector<16xf32>
      %parallel_loop3A_626 = arith.subf %parallel_loop3A_621, %parallel_loop3A_625 : vector<16xf32>
      %parallel_loop3A_627 = arith.constant 0.000000e+00 : f32
      %parallel_loop3A_628 = vector.broadcast %parallel_loop3A_627 : f32 to vector<16xf32>
      %parallel_loop3A_629 = arith.cmpf ogt, %parallel_loop3A_626, %parallel_loop3A_628 : vector<16xf32>
      %parallel_loop3A_630 = arith.constant 2.560000e+02 : f32
      %parallel_loop3A_631 = vector.broadcast %parallel_loop3A_630 : f32 to vector<16xf32>
      %parallel_loop3A_632 = arith.mulf %parallel_loop3A_626, %parallel_loop3A_631 : vector<16xf32>
      %parallel_loop3A_633 = arith.constant 2.047500e+03 : f32
      %parallel_loop3A_634 = vector.broadcast %parallel_loop3A_633 : f32 to vector<16xf32>
      %parallel_loop3A_635 = arith.minimumf %parallel_loop3A_632, %parallel_loop3A_634 : vector<16xf32>
      %parallel_loop3A_636 = arith.constant 2.048000e+03 : f32
      %parallel_loop3A_637 = vector.broadcast %parallel_loop3A_636 : f32 to vector<16xf32>
      %parallel_loop3A_638 = arith.mulf %parallel_loop3A_618, %parallel_loop3A_637 : vector<16xf32>
      %parallel_loop3A_639 = arith.addf %parallel_loop3A_635, %parallel_loop3A_638 : vector<16xf32>
      %parallel_loop3A_640 = arith.fptosi %parallel_loop3A_639 : vector<16xf32> to vector<16xi32>
      tpu.vector_store_idx %arg8[%parallel_loop3A_640], %broadcast_in_dim3A_67 masked %parallel_loop3A_629 {add = true} : memref<4096xf32, #tpu.memory_space<vmem>>[vector<16xi32>], vector<16xf32>, vector<16xi1>
      %parallel_loop3A_641 = arith.addf %parallel_loop3A_598, %parallel_loop3A_618 : vector<16xf32>
      scf.yield %parallel_loop3A_641 : vector<16xf32>
    } {sc.loop_unroll_factor = 8 : i64, sc.parallel_access}
    %add3A_489 = arith.constant 112 : i32
    %add3A_490 = arith.addi %mul3A_32, %add3A_489 : i32
    %dma_start3A_491 = arith.constant 0 : i32
    %dma_start3A_492 = arith.constant 1 : i32
    %dma_start3A_493 = arith.constant 0 : i32
    %dma_start3A_494 = arith.constant 0 : i32
    %dma_start3A_495 = tpu.memref_slice %arg6[%dma_start3A_492, %dma_start3A_493, %dma_start3A_494] : memref<2x16x512xf32, #tpu.memory_space<vmem>> -> memref<1x16x512xf32, #tpu.memory_space<vmem>>
    %dma_start3A_496 = tpu.memref_squeeze %dma_start3A_495 : memref<1x16x512xf32, #tpu.memory_space<vmem>> -> memref<16x512xf32, #tpu.memory_space<vmem>>
    %dma_start3A_497 = arith.constant 0 : i32
    %dma_start3A_498 = tpu.memref_slice %arg2[%select_n3A, %dma_start3A_491, %add3A_490, %dma_start3A_497] : memref<8x1x512x512xf32, #tpu.memory_space<hbm>> -> memref<1x1x16x512xf32, #tpu.memory_space<hbm>>
    %dma_start3A_499 = tpu.memref_squeeze %dma_start3A_498 : memref<1x1x16x512xf32, #tpu.memory_space<hbm>> -> memref<16x512xf32, #tpu.memory_space<hbm>>
    %dma_start3A_500 = arith.constant 0 : i32
    %dma_start3A_501 = arith.constant 0 : i32
    %dma_start3A_502 = tpu.memref_slice %arg6[%dma_start3A_492, %dma_start3A_500, %dma_start3A_501] : memref<2x16x512xf32, #tpu.memory_space<vmem>> -> memref<1x16x512xf32, #tpu.memory_space<vmem>>
    %dma_start3A_503 = tpu.memref_squeeze %dma_start3A_502 : memref<1x16x512xf32, #tpu.memory_space<vmem>> -> memref<16x512xf32, #tpu.memory_space<vmem>>
    %dma_start3A_504 = arith.constant 0 : i32
    %dma_start3A_505 = tpu.memref_slice %arg2[%select_n3A, %dma_start3A_491, %add3A_490, %dma_start3A_504] : memref<8x1x512x512xf32, #tpu.memory_space<hbm>> -> memref<1x1x16x512xf32, #tpu.memory_space<hbm>>
    %dma_start3A_506 = tpu.memref_squeeze %dma_start3A_505 : memref<1x1x16x512xf32, #tpu.memory_space<hbm>> -> memref<16x512xf32, #tpu.memory_space<hbm>>
    tpu.enqueue_dma source(%dma_start3A_506 : memref<16x512xf32, #tpu.memory_space<hbm>>) target(%dma_start3A_503 : memref<16x512xf32, #tpu.memory_space<vmem>>) target_semaphore(%arg11 : memref<!tpu.dma_semaphore, #tpu.memory_space<semaphore_mem>>)
    %dma_start3A_507 = arith.constant 1 : i32
    %dma_start3A_508 = arith.constant 0 : i32
    %dma_start3A_509 = arith.constant 0 : i32
    %dma_start3A_510 = tpu.memref_slice %arg7[%dma_start3A_507, %dma_start3A_508, %dma_start3A_509] : memref<2x16x512xf32, #tpu.memory_space<vmem>> -> memref<1x16x512xf32, #tpu.memory_space<vmem>>
    %dma_start3A_511 = tpu.memref_squeeze %dma_start3A_510 : memref<1x16x512xf32, #tpu.memory_space<vmem>> -> memref<16x512xf32, #tpu.memory_space<vmem>>
    %dma_start3A_512 = arith.constant 0 : i32
    %dma_start3A_513 = tpu.memref_slice %arg3[%select_n3A, %add3A_490, %dma_start3A_512] : memref<8x512x512xf32, #tpu.memory_space<hbm>> -> memref<1x16x512xf32, #tpu.memory_space<hbm>>
    %dma_start3A_514 = tpu.memref_squeeze %dma_start3A_513 : memref<1x16x512xf32, #tpu.memory_space<hbm>> -> memref<16x512xf32, #tpu.memory_space<hbm>>
    %dma_start3A_515 = arith.constant 0 : i32
    %dma_start3A_516 = arith.constant 0 : i32
    %dma_start3A_517 = tpu.memref_slice %arg7[%dma_start3A_507, %dma_start3A_515, %dma_start3A_516] : memref<2x16x512xf32, #tpu.memory_space<vmem>> -> memref<1x16x512xf32, #tpu.memory_space<vmem>>
    %dma_start3A_518 = tpu.memref_squeeze %dma_start3A_517 : memref<1x16x512xf32, #tpu.memory_space<vmem>> -> memref<16x512xf32, #tpu.memory_space<vmem>>
    %dma_start3A_519 = arith.constant 0 : i32
    %dma_start3A_520 = tpu.memref_slice %arg3[%select_n3A, %add3A_490, %dma_start3A_519] : memref<8x512x512xf32, #tpu.memory_space<hbm>> -> memref<1x16x512xf32, #tpu.memory_space<hbm>>
    %dma_start3A_521 = tpu.memref_squeeze %dma_start3A_520 : memref<1x16x512xf32, #tpu.memory_space<hbm>> -> memref<16x512xf32, #tpu.memory_space<hbm>>
    tpu.enqueue_dma source(%dma_start3A_521 : memref<16x512xf32, #tpu.memory_space<hbm>>) target(%dma_start3A_518 : memref<16x512xf32, #tpu.memory_space<vmem>>) target_semaphore(%arg11 : memref<!tpu.dma_semaphore, #tpu.memory_space<semaphore_mem>>)
    %dma_wait3A_522 = arith.constant 0 : i32
    %dma_wait3A_523 = arith.constant 0 : i32
    %dma_wait3A_524 = arith.constant 0 : i32
    %dma_wait3A_525 = arith.constant 0 : i32
    %dma_wait3A_526 = tpu.memref_slice %arg6[%dma_wait3A_523, %dma_wait3A_524, %dma_wait3A_525] : memref<2x16x512xf32, #tpu.memory_space<vmem>> -> memref<1x16x512xf32, #tpu.memory_space<vmem>>
    %dma_wait3A_527 = tpu.memref_squeeze %dma_wait3A_526 : memref<1x16x512xf32, #tpu.memory_space<vmem>> -> memref<16x512xf32, #tpu.memory_space<vmem>>
    %dma_wait3A_528 = arith.constant 0 : i32
    %dma_wait3A_529 = tpu.memref_slice %arg2[%select_n3A, %dma_wait3A_522, %add3A_420, %dma_wait3A_528] : memref<8x1x512x512xf32, #tpu.memory_space<hbm>> -> memref<1x1x16x512xf32, #tpu.memory_space<hbm>>
    %dma_wait3A_530 = tpu.memref_squeeze %dma_wait3A_529 : memref<1x1x16x512xf32, #tpu.memory_space<hbm>> -> memref<16x512xf32, #tpu.memory_space<hbm>>
    %dma_wait3A_531 = arith.constant 0 : i32
    %dma_wait3A_532 = arith.constant 0 : i32
    %dma_wait3A_533 = tpu.memref_slice %arg6[%dma_wait3A_523, %dma_wait3A_531, %dma_wait3A_532] : memref<2x16x512xf32, #tpu.memory_space<vmem>> -> memref<1x16x512xf32, #tpu.memory_space<vmem>>
    %dma_wait3A_534 = tpu.memref_squeeze %dma_wait3A_533 : memref<1x16x512xf32, #tpu.memory_space<vmem>> -> memref<16x512xf32, #tpu.memory_space<vmem>>
    %dma_wait3A_535 = arith.constant 0 : i32
    %dma_wait3A_536 = tpu.memref_slice %arg2[%select_n3A, %dma_wait3A_522, %add3A_420, %dma_wait3A_535] : memref<8x1x512x512xf32, #tpu.memory_space<hbm>> -> memref<1x1x16x512xf32, #tpu.memory_space<hbm>>
    %dma_wait3A_537 = tpu.memref_squeeze %dma_wait3A_536 : memref<1x1x16x512xf32, #tpu.memory_space<hbm>> -> memref<16x512xf32, #tpu.memory_space<hbm>>
    tpu.wait_dma2 semaphore(%arg10 : memref<!tpu.dma_semaphore, #tpu.memory_space<semaphore_mem>>) src(%dma_wait3A_537 : memref<16x512xf32, #tpu.memory_space<hbm>>) dst(%dma_wait3A_534 : memref<16x512xf32, #tpu.memory_space<vmem>>)
    %dma_wait3A_538 = arith.constant 0 : i32
    %dma_wait3A_539 = arith.constant 0 : i32
    %dma_wait3A_540 = arith.constant 0 : i32
    %dma_wait3A_541 = tpu.memref_slice %arg7[%dma_wait3A_538, %dma_wait3A_539, %dma_wait3A_540] : memref<2x16x512xf32, #tpu.memory_space<vmem>> -> memref<1x16x512xf32, #tpu.memory_space<vmem>>
    %dma_wait3A_542 = tpu.memref_squeeze %dma_wait3A_541 : memref<1x16x512xf32, #tpu.memory_space<vmem>> -> memref<16x512xf32, #tpu.memory_space<vmem>>
    %dma_wait3A_543 = arith.constant 0 : i32
    %dma_wait3A_544 = tpu.memref_slice %arg3[%select_n3A, %add3A_420, %dma_wait3A_543] : memref<8x512x512xf32, #tpu.memory_space<hbm>> -> memref<1x16x512xf32, #tpu.memory_space<hbm>>
    %dma_wait3A_545 = tpu.memref_squeeze %dma_wait3A_544 : memref<1x16x512xf32, #tpu.memory_space<hbm>> -> memref<16x512xf32, #tpu.memory_space<hbm>>
    %dma_wait3A_546 = arith.constant 0 : i32
    %dma_wait3A_547 = arith.constant 0 : i32
    %dma_wait3A_548 = tpu.memref_slice %arg7[%dma_wait3A_538, %dma_wait3A_546, %dma_wait3A_547] : memref<2x16x512xf32, #tpu.memory_space<vmem>> -> memref<1x16x512xf32, #tpu.memory_space<vmem>>
    %dma_wait3A_549 = tpu.memref_squeeze %dma_wait3A_548 : memref<1x16x512xf32, #tpu.memory_space<vmem>> -> memref<16x512xf32, #tpu.memory_space<vmem>>
    %dma_wait3A_550 = arith.constant 0 : i32
    %dma_wait3A_551 = tpu.memref_slice %arg3[%select_n3A, %add3A_420, %dma_wait3A_550] : memref<8x512x512xf32, #tpu.memory_space<hbm>> -> memref<1x16x512xf32, #tpu.memory_space<hbm>>
    %dma_wait3A_552 = tpu.memref_squeeze %dma_wait3A_551 : memref<1x16x512xf32, #tpu.memory_space<hbm>> -> memref<16x512xf32, #tpu.memory_space<hbm>>
    tpu.wait_dma2 semaphore(%arg10 : memref<!tpu.dma_semaphore, #tpu.memory_space<semaphore_mem>>) src(%dma_wait3A_552 : memref<16x512xf32, #tpu.memory_space<hbm>>) dst(%dma_wait3A_549 : memref<16x512xf32, #tpu.memory_space<vmem>>)
    %parallel_loop3A_553 = arith.constant 0 : i32
    %parallel_loop3A_554 = arith.constant 512 : i32
    %parallel_loop3A_555 = arith.constant 1 : i32
    %parallel_loop3A_556 = arith.constant 0 : i32
    %parallel_loop3A_557 = arith.constant 0 : i32
    %parallel_loop3A_558 = scf.for %parallel_loop3A_597 = %parallel_loop3A_553 to %parallel_loop3A_554 step %parallel_loop3A_555 iter_args(%parallel_loop3A_598 = %parallel_loop3A_488) -> (vector<16xf32>)  : i32 {
      %parallel_loop3A_599 = arith.constant 5 : i32
      %parallel_loop3A_600 = arith.shrui %parallel_loop3A_597, %parallel_loop3A_599 : i32
      %parallel_loop3A_601 = arith.constant 31 : i32
      %parallel_loop3A_602 = arith.andi %parallel_loop3A_597, %parallel_loop3A_601 : i32
      %parallel_loop3A_603 = arith.constant 4 : i32
      %parallel_loop3A_604 = arith.shli %parallel_loop3A_602, %parallel_loop3A_603 : i32
      %parallel_loop3A_605 = arith.constant 0 : i32
      %parallel_loop3A_606 = arith.constant 0 : i32
      %parallel_loop3A_607 = tpu.memref_slice %arg6[%parallel_loop3A_556, %parallel_loop3A_605, %parallel_loop3A_606] : memref<2x16x512xf32, #tpu.memory_space<vmem>> -> memref<1x16x512xf32, #tpu.memory_space<vmem>>
      %parallel_loop3A_608 = tpu.memref_squeeze %parallel_loop3A_607 : memref<1x16x512xf32, #tpu.memory_space<vmem>> -> memref<16x512xf32, #tpu.memory_space<vmem>>
      %parallel_loop3A_609 = arith.index_cast %parallel_loop3A_600 : i32 to index
      %parallel_loop3A_610 = arith.index_cast %parallel_loop3A_604 : i32 to index
      %parallel_loop3A_611 = tpu.vector_load %parallel_loop3A_608[%parallel_loop3A_609, %parallel_loop3A_610] {strides = array<i32>} : memref<16x512xf32, #tpu.memory_space<vmem>>, vector<16xf32>,
      %parallel_loop3A_612 = arith.constant 0 : i32
      %parallel_loop3A_613 = arith.constant 0 : i32
      %parallel_loop3A_614 = tpu.memref_slice %arg7[%parallel_loop3A_557, %parallel_loop3A_612, %parallel_loop3A_613] : memref<2x16x512xf32, #tpu.memory_space<vmem>> -> memref<1x16x512xf32, #tpu.memory_space<vmem>>
      %parallel_loop3A_615 = tpu.memref_squeeze %parallel_loop3A_614 : memref<1x16x512xf32, #tpu.memory_space<vmem>> -> memref<16x512xf32, #tpu.memory_space<vmem>>
      %parallel_loop3A_616 = arith.index_cast %parallel_loop3A_600 : i32 to index
      %parallel_loop3A_617 = arith.index_cast %parallel_loop3A_604 : i32 to index
      %parallel_loop3A_618 = tpu.vector_load %parallel_loop3A_615[%parallel_loop3A_616, %parallel_loop3A_617] {strides = array<i32>} : memref<16x512xf32, #tpu.memory_space<vmem>>, vector<16xf32>,
      %parallel_loop3A_619 = arith.constant 1.000000e+00 : f32
      %parallel_loop3A_620 = vector.broadcast %parallel_loop3A_619 : f32 to vector<16xf32>
      %parallel_loop3A_621 = arith.addf %parallel_loop3A_620, %parallel_loop3A_611 : vector<16xf32>
      %parallel_loop3A_622 = arith.constant 2.000000e+00 : f32
      %parallel_loop3A_623 = vector.broadcast %parallel_loop3A_622 : f32 to vector<16xf32>
      %parallel_loop3A_624 = arith.mulf %parallel_loop3A_623, %parallel_loop3A_611 : vector<16xf32>
      %parallel_loop3A_625 = arith.mulf %parallel_loop3A_624, %parallel_loop3A_618 : vector<16xf32>
      %parallel_loop3A_626 = arith.subf %parallel_loop3A_621, %parallel_loop3A_625 : vector<16xf32>
      %parallel_loop3A_627 = arith.constant 0.000000e+00 : f32
      %parallel_loop3A_628 = vector.broadcast %parallel_loop3A_627 : f32 to vector<16xf32>
      %parallel_loop3A_629 = arith.cmpf ogt, %parallel_loop3A_626, %parallel_loop3A_628 : vector<16xf32>
      %parallel_loop3A_630 = arith.constant 2.560000e+02 : f32
      %parallel_loop3A_631 = vector.broadcast %parallel_loop3A_630 : f32 to vector<16xf32>
      %parallel_loop3A_632 = arith.mulf %parallel_loop3A_626, %parallel_loop3A_631 : vector<16xf32>
      %parallel_loop3A_633 = arith.constant 2.047500e+03 : f32
      %parallel_loop3A_634 = vector.broadcast %parallel_loop3A_633 : f32 to vector<16xf32>
      %parallel_loop3A_635 = arith.minimumf %parallel_loop3A_632, %parallel_loop3A_634 : vector<16xf32>
      %parallel_loop3A_636 = arith.constant 2.048000e+03 : f32
      %parallel_loop3A_637 = vector.broadcast %parallel_loop3A_636 : f32 to vector<16xf32>
      %parallel_loop3A_638 = arith.mulf %parallel_loop3A_618, %parallel_loop3A_637 : vector<16xf32>
      %parallel_loop3A_639 = arith.addf %parallel_loop3A_635, %parallel_loop3A_638 : vector<16xf32>
      %parallel_loop3A_640 = arith.fptosi %parallel_loop3A_639 : vector<16xf32> to vector<16xi32>
      tpu.vector_store_idx %arg8[%parallel_loop3A_640], %broadcast_in_dim3A_67 masked %parallel_loop3A_629 {add = true} : memref<4096xf32, #tpu.memory_space<vmem>>[vector<16xi32>], vector<16xf32>, vector<16xi1>
      %parallel_loop3A_641 = arith.addf %parallel_loop3A_598, %parallel_loop3A_618 : vector<16xf32>
      scf.yield %parallel_loop3A_641 : vector<16xf32>
    } {sc.loop_unroll_factor = 8 : i64, sc.parallel_access}
    %dma_wait3A_559 = arith.constant 0 : i32
    %dma_wait3A_560 = arith.constant 1 : i32
    %dma_wait3A_561 = arith.constant 0 : i32
    %dma_wait3A_562 = arith.constant 0 : i32
    %dma_wait3A_563 = tpu.memref_slice %arg6[%dma_wait3A_560, %dma_wait3A_561, %dma_wait3A_562] : memref<2x16x512xf32, #tpu.memory_space<vmem>> -> memref<1x16x512xf32, #tpu.memory_space<vmem>>
    %dma_wait3A_564 = tpu.memref_squeeze %dma_wait3A_563 : memref<1x16x512xf32, #tpu.memory_space<vmem>> -> memref<16x512xf32, #tpu.memory_space<vmem>>
    %dma_wait3A_565 = arith.constant 0 : i32
    %dma_wait3A_566 = tpu.memref_slice %arg2[%select_n3A, %dma_wait3A_559, %add3A_490, %dma_wait3A_565] : memref<8x1x512x512xf32, #tpu.memory_space<hbm>> -> memref<1x1x16x512xf32, #tpu.memory_space<hbm>>
    %dma_wait3A_567 = tpu.memref_squeeze %dma_wait3A_566 : memref<1x1x16x512xf32, #tpu.memory_space<hbm>> -> memref<16x512xf32, #tpu.memory_space<hbm>>
    %dma_wait3A_568 = arith.constant 0 : i32
    %dma_wait3A_569 = arith.constant 0 : i32
    %dma_wait3A_570 = tpu.memref_slice %arg6[%dma_wait3A_560, %dma_wait3A_568, %dma_wait3A_569] : memref<2x16x512xf32, #tpu.memory_space<vmem>> -> memref<1x16x512xf32, #tpu.memory_space<vmem>>
    %dma_wait3A_571 = tpu.memref_squeeze %dma_wait3A_570 : memref<1x16x512xf32, #tpu.memory_space<vmem>> -> memref<16x512xf32, #tpu.memory_space<vmem>>
    %dma_wait3A_572 = arith.constant 0 : i32
    %dma_wait3A_573 = tpu.memref_slice %arg2[%select_n3A, %dma_wait3A_559, %add3A_490, %dma_wait3A_572] : memref<8x1x512x512xf32, #tpu.memory_space<hbm>> -> memref<1x1x16x512xf32, #tpu.memory_space<hbm>>
    %dma_wait3A_574 = tpu.memref_squeeze %dma_wait3A_573 : memref<1x1x16x512xf32, #tpu.memory_space<hbm>> -> memref<16x512xf32, #tpu.memory_space<hbm>>
    tpu.wait_dma2 semaphore(%arg11 : memref<!tpu.dma_semaphore, #tpu.memory_space<semaphore_mem>>) src(%dma_wait3A_574 : memref<16x512xf32, #tpu.memory_space<hbm>>) dst(%dma_wait3A_571 : memref<16x512xf32, #tpu.memory_space<vmem>>)
    %dma_wait3A_575 = arith.constant 1 : i32
    %dma_wait3A_576 = arith.constant 0 : i32
    %dma_wait3A_577 = arith.constant 0 : i32
    %dma_wait3A_578 = tpu.memref_slice %arg7[%dma_wait3A_575, %dma_wait3A_576, %dma_wait3A_577] : memref<2x16x512xf32, #tpu.memory_space<vmem>> -> memref<1x16x512xf32, #tpu.memory_space<vmem>>
    %dma_wait3A_579 = tpu.memref_squeeze %dma_wait3A_578 : memref<1x16x512xf32, #tpu.memory_space<vmem>> -> memref<16x512xf32, #tpu.memory_space<vmem>>
    %dma_wait3A_580 = arith.constant 0 : i32
    %dma_wait3A_581 = tpu.memref_slice %arg3[%select_n3A, %add3A_490, %dma_wait3A_580] : memref<8x512x512xf32, #tpu.memory_space<hbm>> -> memref<1x16x512xf32, #tpu.memory_space<hbm>>
    %dma_wait3A_582 = tpu.memref_squeeze %dma_wait3A_581 : memref<1x16x512xf32, #tpu.memory_space<hbm>> -> memref<16x512xf32, #tpu.memory_space<hbm>>
    %dma_wait3A_583 = arith.constant 0 : i32
    %dma_wait3A_584 = arith.constant 0 : i32
    %dma_wait3A_585 = tpu.memref_slice %arg7[%dma_wait3A_575, %dma_wait3A_583, %dma_wait3A_584] : memref<2x16x512xf32, #tpu.memory_space<vmem>> -> memref<1x16x512xf32, #tpu.memory_space<vmem>>
    %dma_wait3A_586 = tpu.memref_squeeze %dma_wait3A_585 : memref<1x16x512xf32, #tpu.memory_space<vmem>> -> memref<16x512xf32, #tpu.memory_space<vmem>>
    %dma_wait3A_587 = arith.constant 0 : i32
    %dma_wait3A_588 = tpu.memref_slice %arg3[%select_n3A, %add3A_490, %dma_wait3A_587] : memref<8x512x512xf32, #tpu.memory_space<hbm>> -> memref<1x16x512xf32, #tpu.memory_space<hbm>>
    %dma_wait3A_589 = tpu.memref_squeeze %dma_wait3A_588 : memref<1x16x512xf32, #tpu.memory_space<hbm>> -> memref<16x512xf32, #tpu.memory_space<hbm>>
    tpu.wait_dma2 semaphore(%arg11 : memref<!tpu.dma_semaphore, #tpu.memory_space<semaphore_mem>>) src(%dma_wait3A_589 : memref<16x512xf32, #tpu.memory_space<hbm>>) dst(%dma_wait3A_586 : memref<16x512xf32, #tpu.memory_space<vmem>>)
    %parallel_loop3A_590 = arith.constant 0 : i32
    %parallel_loop3A_591 = arith.constant 512 : i32
    %parallel_loop3A_592 = arith.constant 1 : i32
    %parallel_loop3A_593 = arith.constant 1 : i32
    %parallel_loop3A_594 = arith.constant 1 : i32
    %parallel_loop3A_595 = scf.for %parallel_loop3A_597 = %parallel_loop3A_590 to %parallel_loop3A_591 step %parallel_loop3A_592 iter_args(%parallel_loop3A_598 = %parallel_loop3A_558) -> (vector<16xf32>)  : i32 {
      %parallel_loop3A_599 = arith.constant 5 : i32
      %parallel_loop3A_600 = arith.shrui %parallel_loop3A_597, %parallel_loop3A_599 : i32
      %parallel_loop3A_601 = arith.constant 31 : i32
      %parallel_loop3A_602 = arith.andi %parallel_loop3A_597, %parallel_loop3A_601 : i32
      %parallel_loop3A_603 = arith.constant 4 : i32
      %parallel_loop3A_604 = arith.shli %parallel_loop3A_602, %parallel_loop3A_603 : i32
      %parallel_loop3A_605 = arith.constant 0 : i32
      %parallel_loop3A_606 = arith.constant 0 : i32
      %parallel_loop3A_607 = tpu.memref_slice %arg6[%parallel_loop3A_593, %parallel_loop3A_605, %parallel_loop3A_606] : memref<2x16x512xf32, #tpu.memory_space<vmem>> -> memref<1x16x512xf32, #tpu.memory_space<vmem>>
      %parallel_loop3A_608 = tpu.memref_squeeze %parallel_loop3A_607 : memref<1x16x512xf32, #tpu.memory_space<vmem>> -> memref<16x512xf32, #tpu.memory_space<vmem>>
      %parallel_loop3A_609 = arith.index_cast %parallel_loop3A_600 : i32 to index
      %parallel_loop3A_610 = arith.index_cast %parallel_loop3A_604 : i32 to index
      %parallel_loop3A_611 = tpu.vector_load %parallel_loop3A_608[%parallel_loop3A_609, %parallel_loop3A_610] {strides = array<i32>} : memref<16x512xf32, #tpu.memory_space<vmem>>, vector<16xf32>,
      %parallel_loop3A_612 = arith.constant 0 : i32
      %parallel_loop3A_613 = arith.constant 0 : i32
      %parallel_loop3A_614 = tpu.memref_slice %arg7[%parallel_loop3A_594, %parallel_loop3A_612, %parallel_loop3A_613] : memref<2x16x512xf32, #tpu.memory_space<vmem>> -> memref<1x16x512xf32, #tpu.memory_space<vmem>>
      %parallel_loop3A_615 = tpu.memref_squeeze %parallel_loop3A_614 : memref<1x16x512xf32, #tpu.memory_space<vmem>> -> memref<16x512xf32, #tpu.memory_space<vmem>>
      %parallel_loop3A_616 = arith.index_cast %parallel_loop3A_600 : i32 to index
      %parallel_loop3A_617 = arith.index_cast %parallel_loop3A_604 : i32 to index
      %parallel_loop3A_618 = tpu.vector_load %parallel_loop3A_615[%parallel_loop3A_616, %parallel_loop3A_617] {strides = array<i32>} : memref<16x512xf32, #tpu.memory_space<vmem>>, vector<16xf32>,
      %parallel_loop3A_619 = arith.constant 1.000000e+00 : f32
      %parallel_loop3A_620 = vector.broadcast %parallel_loop3A_619 : f32 to vector<16xf32>
      %parallel_loop3A_621 = arith.addf %parallel_loop3A_620, %parallel_loop3A_611 : vector<16xf32>
      %parallel_loop3A_622 = arith.constant 2.000000e+00 : f32
      %parallel_loop3A_623 = vector.broadcast %parallel_loop3A_622 : f32 to vector<16xf32>
      %parallel_loop3A_624 = arith.mulf %parallel_loop3A_623, %parallel_loop3A_611 : vector<16xf32>
      %parallel_loop3A_625 = arith.mulf %parallel_loop3A_624, %parallel_loop3A_618 : vector<16xf32>
      %parallel_loop3A_626 = arith.subf %parallel_loop3A_621, %parallel_loop3A_625 : vector<16xf32>
      %parallel_loop3A_627 = arith.constant 0.000000e+00 : f32
      %parallel_loop3A_628 = vector.broadcast %parallel_loop3A_627 : f32 to vector<16xf32>
      %parallel_loop3A_629 = arith.cmpf ogt, %parallel_loop3A_626, %parallel_loop3A_628 : vector<16xf32>
      %parallel_loop3A_630 = arith.constant 2.560000e+02 : f32
      %parallel_loop3A_631 = vector.broadcast %parallel_loop3A_630 : f32 to vector<16xf32>
      %parallel_loop3A_632 = arith.mulf %parallel_loop3A_626, %parallel_loop3A_631 : vector<16xf32>
      %parallel_loop3A_633 = arith.constant 2.047500e+03 : f32
      %parallel_loop3A_634 = vector.broadcast %parallel_loop3A_633 : f32 to vector<16xf32>
      %parallel_loop3A_635 = arith.minimumf %parallel_loop3A_632, %parallel_loop3A_634 : vector<16xf32>
      %parallel_loop3A_636 = arith.constant 2.048000e+03 : f32
      %parallel_loop3A_637 = vector.broadcast %parallel_loop3A_636 : f32 to vector<16xf32>
      %parallel_loop3A_638 = arith.mulf %parallel_loop3A_618, %parallel_loop3A_637 : vector<16xf32>
      %parallel_loop3A_639 = arith.addf %parallel_loop3A_635, %parallel_loop3A_638 : vector<16xf32>
      %parallel_loop3A_640 = arith.fptosi %parallel_loop3A_639 : vector<16xf32> to vector<16xi32>
      tpu.vector_store_idx %arg8[%parallel_loop3A_640], %broadcast_in_dim3A_67 masked %parallel_loop3A_629 {add = true} : memref<4096xf32, #tpu.memory_space<vmem>>[vector<16xi32>], vector<16xf32>, vector<16xi1>
      %parallel_loop3A_641 = arith.addf %parallel_loop3A_598, %parallel_loop3A_618 : vector<16xf32>
      scf.yield %parallel_loop3A_641 : vector<16xf32>
    } {sc.loop_unroll_factor = 8 : i64, sc.parallel_access}
    %swap3A = arith.constant 0 : index
    %swap3A_596 = tpu.vector_load %arg9[%swap3A] {strides = array<i32>} : memref<16xf32, #tpu.memory_space<vmem>>, vector<16xf32>,
    tpu.vector_store %arg9[%swap3A], %parallel_loop3A_595 {strides = array<i32>} : memref<16xf32, #tpu.memory_space<vmem>>, vector<16xf32>,
    "tpu.region"() ({
      %run_scoped3A = tpu.sem_alloc : memref<!tpu.dma_semaphore, #tpu.memory_space<semaphore_mem>>
      %dma_start3A_597 = arith.constant 0 : i32
      %dma_start3A_598 = tpu.memref_slice %arg4[%add3A, %dma_start3A_597] : memref<32x4096xf32, #tpu.memory_space<hbm>> -> memref<1x4096xf32, #tpu.memory_space<hbm>>
      %dma_start3A_599 = tpu.memref_squeeze %dma_start3A_598 : memref<1x4096xf32, #tpu.memory_space<hbm>> -> memref<4096xf32, #tpu.memory_space<hbm>>
      %dma_start3A_600 = arith.constant 0 : i32
      %dma_start3A_601 = tpu.memref_slice %arg4[%add3A, %dma_start3A_600] : memref<32x4096xf32, #tpu.memory_space<hbm>> -> memref<1x4096xf32, #tpu.memory_space<hbm>>
      %dma_start3A_602 = tpu.memref_squeeze %dma_start3A_601 : memref<1x4096xf32, #tpu.memory_space<hbm>> -> memref<4096xf32, #tpu.memory_space<hbm>>
      tpu.enqueue_dma source(%arg8 : memref<4096xf32, #tpu.memory_space<vmem>>) target(%dma_start3A_602 : memref<4096xf32, #tpu.memory_space<hbm>>) target_semaphore(%run_scoped3A : memref<!tpu.dma_semaphore, #tpu.memory_space<semaphore_mem>>)
      %dma_wait3A_603 = arith.constant 0 : i32
      %dma_wait3A_604 = tpu.memref_slice %arg4[%add3A, %dma_wait3A_603] : memref<32x4096xf32, #tpu.memory_space<hbm>> -> memref<1x4096xf32, #tpu.memory_space<hbm>>
      %dma_wait3A_605 = tpu.memref_squeeze %dma_wait3A_604 : memref<1x4096xf32, #tpu.memory_space<hbm>> -> memref<4096xf32, #tpu.memory_space<hbm>>
      %dma_wait3A_606 = arith.constant 0 : i32
      %dma_wait3A_607 = tpu.memref_slice %arg4[%add3A, %dma_wait3A_606] : memref<32x4096xf32, #tpu.memory_space<hbm>> -> memref<1x4096xf32, #tpu.memory_space<hbm>>
      %dma_wait3A_608 = tpu.memref_squeeze %dma_wait3A_607 : memref<1x4096xf32, #tpu.memory_space<hbm>> -> memref<4096xf32, #tpu.memory_space<hbm>>
      tpu.wait_dma2 semaphore(%run_scoped3A : memref<!tpu.dma_semaphore, #tpu.memory_space<semaphore_mem>>) src(%arg8 : memref<4096xf32, #tpu.memory_space<vmem>>) dst(%dma_wait3A_608 : memref<4096xf32, #tpu.memory_space<hbm>>)
      tpu.yield
    }) : () -> ()
    "tpu.region"() ({
      %run_scoped3A = tpu.sem_alloc : memref<!tpu.dma_semaphore, #tpu.memory_space<semaphore_mem>>
      %dma_start3A_597 = arith.constant 0 : i32
      %dma_start3A_598 = tpu.memref_slice %arg5[%add3A, %dma_start3A_597] : memref<32x16xf32, #tpu.memory_space<hbm>> -> memref<1x16xf32, #tpu.memory_space<hbm>>
      %dma_start3A_599 = tpu.memref_squeeze %dma_start3A_598 : memref<1x16xf32, #tpu.memory_space<hbm>> -> memref<16xf32, #tpu.memory_space<hbm>>
      %dma_start3A_600 = arith.constant 0 : i32
      %dma_start3A_601 = tpu.memref_slice %arg5[%add3A, %dma_start3A_600] : memref<32x16xf32, #tpu.memory_space<hbm>> -> memref<1x16xf32, #tpu.memory_space<hbm>>
      %dma_start3A_602 = tpu.memref_squeeze %dma_start3A_601 : memref<1x16xf32, #tpu.memory_space<hbm>> -> memref<16xf32, #tpu.memory_space<hbm>>
      tpu.enqueue_dma source(%arg9 : memref<16xf32, #tpu.memory_space<vmem>>) target(%dma_start3A_602 : memref<16xf32, #tpu.memory_space<hbm>>) target_semaphore(%run_scoped3A : memref<!tpu.dma_semaphore, #tpu.memory_space<semaphore_mem>>)
      %dma_wait3A_603 = arith.constant 0 : i32
      %dma_wait3A_604 = tpu.memref_slice %arg5[%add3A, %dma_wait3A_603] : memref<32x16xf32, #tpu.memory_space<hbm>> -> memref<1x16xf32, #tpu.memory_space<hbm>>
      %dma_wait3A_605 = tpu.memref_squeeze %dma_wait3A_604 : memref<1x16xf32, #tpu.memory_space<hbm>> -> memref<16xf32, #tpu.memory_space<hbm>>
      %dma_wait3A_606 = arith.constant 0 : i32
      %dma_wait3A_607 = tpu.memref_slice %arg5[%add3A, %dma_wait3A_606] : memref<32x16xf32, #tpu.memory_space<hbm>> -> memref<1x16xf32, #tpu.memory_space<hbm>>
      %dma_wait3A_608 = tpu.memref_squeeze %dma_wait3A_607 : memref<1x16xf32, #tpu.memory_space<hbm>> -> memref<16xf32, #tpu.memory_space<hbm>>
      tpu.wait_dma2 semaphore(%run_scoped3A : memref<!tpu.dma_semaphore, #tpu.memory_space<semaphore_mem>>) src(%arg9 : memref<16xf32, #tpu.memory_space<vmem>>) dst(%dma_wait3A_608 : memref<16xf32, #tpu.memory_space<hbm>>)
      tpu.yield
    }) : () -> ()
    return
  }
}

</mosaic_0001>

<sc_bundles>
// kernel: _sc_hist.3.cloned.1.call-start
scs
__scs_entry_jumppad:
0x0: {  	(pc) =	sbr.rel $0x88, $3  }
0x1: {  	(tag) =	ssettag $0x0;
	lr =	simm.s32 $0x1  }
0x2: {  	[smem:$0x3F9F] =	sst lr;
	_ =	strace $0xD0000000  }
0x3: {  	_ = 	snop  }
0x4: {  	_ = 	snop  }
0x5: {  	_ = 	snop  }
0x6: {  	_ = 	snop  }
0x7: {  	_ = 	snop  }
__scs_overlays_trampoline_lowered:
0x8: {  	[smem:$0x3FAE] =	sst s0  }
0x9: {  	[smem:$0x3FAF] =	sst s1  }
0xa: {  	[smem:$0x3FB0] =	sst s2  }
0xb: {  	[smem:$0x3FB1] =	sst s3  }
0xc: {  	[smem:$0x3FB2] =	sst s4  }
0xd: {  	[smem:$0x3FB3] =	sst s5  }
0xe: {  	[smem:$0x3FB4] =	sst s6  }
0xf: {  	[smem:$0x3FB5] =	sst s7  }
0x10: {  	[smem:$0x3FB6] =	sst s8  }
0x11: {  	[smem:$0x3FB7] =	sst s9;
	s0 =	simm.s32 @!p0 $0x0  }
0x12: {  	s1 =	sld [smem:$0x3F9D];
	s0 =	simm.s32 @p0 $0x1  }
0x13: {  	[smem:$0x3FB8] =	sst s0;
	s0 =	simm.s32 @!p1 $0x0  }
0x14: {  	s2 =	sld [smem:$0x3F9C];
	s0 =	simm.s32 @p1 $0x1  }
0x15: {  	[smem:$0x3FB9] =	sst s0;
	s0 =	simm.s32 @!p2 $0x0  }
0x16: {  	s3 =	sld [smem:$0x3FDB];
	s0 =	simm.s32 @p2 $0x1  }
0x17: {  	s4 =	simm.s32 $0x1BF5;
	[smem:$0x3FBB] =	sst s0  }
0x18: {  	s0 =	sld [smem:$0x3F9E];
	_ =	swait.ge [sflag:s4], $0x0  }
0x19: {  	s7 =	sld [smem:$0x3F9F]  }
0x1a: {  	s8 =	sadd.s32 $0xFFFFE003, lr  }
0x1b: {  	s9 =	sadd.s32 $0xFFFFFEF7, lr;
	s5 =	simm.s32 $0xFFFFFFFF;
	p2 =	slt.u32 s8, $0xFFFFF086  }
0x1c: {  	p1 =	slt.u32 s9, $0xF7A;
	s5 =	simm.s32 @!p2 $0x0  }
0x1d: {  	s5 =	simm.s32 @p1 $0x1;
	p0 =	seq.s32 s7, s2  }
0x1e: {  	s7 =	smul.u32 @!p0 $0xF7A, s2;
	p2 =	seq.s32 @!p0 s5, $0x0  }
0x1f: {  	s9 =	smul.u32 $0xF7A, s1;
	s8 =	simm.s32 @!p0 $0x1BF5;
	p2 =	por !p2, p0  }
0x20: {  	[sflag:s8] =	ssyncset.s32 @!p0 $0xFFFFF086;
	s6 =	sadd.s32 @!p0 s3, s7;
	s7 =	simm.s32 @!p0 $0x108  }
0x21: {  	s3 =	sadd.s32 s3, s9;
	s6 =	sadd.s32 @!p0 $0x88, s6;
	s7 =	simm.s32 @p2 $0x1082  }
0x22: {  	[simem:s7], [sflag:s8] =	dma.local @!p0 [hbm:s6], $0xF7A  }
0x23: {  	s9 =	sor.u32 $0xD0000000, s2;
	s6 =	simm.s32 $0x108;
	_ =	swait.ge @!p0 [sflag:s8], $0x0  }
0x24: {  	s3 =	sadd.s32 $0x88, s3;
	s6 =	simm.s32 @!p1 $0x1082;
	[sflag:s4] =	ssyncset.s32 $0xFFFFF086  }
0x25: {  	[simem:s6], [sflag:s4] =	dma.local [hbm:s3], $0xF7A  }
0x26: {  	[smem:$0x3F9F] =	sst s1;
	(tag) =	ssettag s2;
	_ =	strace s9  }
0x27: {  	s1 =	sld [smem:$0x3FAF]  }
0x28: {  	s2 =	sld [smem:$0x3FB0]  }
0x29: {  	s4 =	sld [smem:$0x3FB2]  }
0x2a: {  	p0 =	seq.s32 s5, $0x0;
	s5 =	sld [smem:$0x3FB3]  }
0x2b: {  	s6 =	sld [smem:$0x3FB4]  }
0x2c: {  	s7 =	sld [smem:$0x3FB5]  }
0x2d: {  	s3 =	simm.s32 $0x108;
	s8 =	sld [smem:$0x3FB6]  }
0x2e: {  	s3 =	simm.s32 @!p0 $0x1082;
	s9 =	sld [smem:$0x3FB7]  }
0x2f: {  	lr =	sadd.s32 s0, s3;
	s0 =	sld [smem:$0x3FAE]  }
0x30: {  	s3 =	sld [smem:$0x3FB1]  }
0x31: {  	[smem:$0x3FBA] =	sst s10  }
0x32: {  	s10 =	sld [smem:$0x3FB8];
	_ =	sdelay $0x3  }
0x33: {  	p0 =	seq.s32 s10, $0x1;
	s10 =	sld [smem:$0x3FBA];
	_ =	sdelay $0x3  }
0x34: {  	[smem:$0x3FBA] =	sst s10  }
0x35: {  	s10 =	sld [smem:$0x3FB9];
	_ =	sdelay $0x3  }
0x36: {  	p1 =	seq.s32 s10, $0x1;
	s10 =	sld [smem:$0x3FBA];
	_ =	sdelay $0x3  }
0x37: {  	[smem:$0x3FBA] =	sst s10  }
0x38: {  	s10 =	sld [smem:$0x3FBB]  }
0x39: {  	_ = 	snop;
	(pc) =	sbr.ind lr, $3  }
0x3a: {  	_ = 	snop  }
0x3b: {  	_ = 	snop  }
0x3c: {  	p2 =	seq.s32 s10, $0x1;
	s10 =	sld [smem:$0x3FBA]  }
0x3d: {  	_ =	shalt  }
0x3e: {  	_ =	shalt  }
0x3f: {  	_ =	shalt  }
0x40: {  	_ =	shalt  }
0x41: {  	_ =	shalt  }
0x42: {  	_ =	shalt  }
0x43: {  	_ =	shalt  }
0x44: {  	_ =	shalt  }
0x45: {  	_ =	shalt  }
0x46: {  	_ =	shalt  }
0x47: {  	_ =	shalt  }
0x48: {  	_ =	shalt  }
0x49: {  	_ =	shalt  }
0x4a: {  	_ =	shalt  }
0x4b: {  	_ =	shalt  }
0x4c: {  	_ =	shalt  }
0x4d: {  	_ =	shalt  }
0x4e: {  	_ =	shalt  }
0x4f: {  	_ =	shalt  }
0x50: {  	_ =	shalt  }
0x51: {  	_ =	shalt  }
0x52: {  	_ =	shalt  }
0x53: {  	_ =	shalt  }
0x54: {  	_ =	shalt  }
0x55: {  	_ =	shalt  }
0x56: {  	_ =	shalt  }
0x57: {  	_ =	shalt  }
0x58: {  	_ =	shalt  }
0x59: {  	_ =	shalt  }
0x5a: {  	_ =	shalt  }
0x5b: {  	_ =	shalt  }
0x5c: {  	_ =	shalt  }
0x5d: {  	_ =	shalt  }
0x5e: {  	_ =	shalt  }
0x5f: {  	_ =	shalt  }
0x60: {  	_ =	shalt  }
0x61: {  	_ =	shalt  }
0x62: {  	_ =	shalt  }
0x63: {  	_ =	shalt  }
0x64: {  	_ =	shalt  }
0x65: {  	_ =	shalt  }
0x66: {  	_ =	shalt  }
0x67: {  	_ =	shalt  }
0x68: {  	_ =	shalt  }
0x69: {  	_ =	shalt  }
0x6a: {  	_ =	shalt  }
0x6b: {  	_ =	shalt  }
0x6c: {  	_ =	shalt  }
0x6d: {  	_ =	shalt  }
0x6e: {  	_ =	shalt  }
0x6f: {  	_ =	shalt  }
0x70: {  	_ =	shalt  }
0x71: {  	_ =	shalt  }
0x72: {  	_ =	shalt  }
0x73: {  	_ =	shalt  }
0x74: {  	_ =	shalt  }
0x75: {  	_ =	shalt  }
0x76: {  	_ =	shalt  }
0x77: {  	_ =	shalt  }
0x78: {  	_ =	shalt  }
0x79: {  	_ =	shalt  }
0x7a: {  	_ =	shalt  }
0x7b: {  	_ =	shalt  }
0x7c: {  	_ =	shalt  }
0x7d: {  	_ =	shalt  }
0x7e: {  	_ =	shalt  }
0x7f: {  	_ =	shalt  }
0x80: {  	_ =	shalt  }
0x81: {  	_ =	shalt  }
0x82: {  	_ =	shalt  }
0x83: {  	_ =	shalt  }
0x84: {  	_ =	shalt  }
0x85: {  	_ =	shalt  }
0x86: {  	_ =	shalt  }
0x87: {  	_ =	shalt  }
.Lfunc_end0:
.L_simem_size_0:
called_computation_lowered:
.L_overlay_start_0:
0x88: {  	s2 =	sld [smem:$0x3FD9]  }
0x89: {  	s3 =	sld [smem:$0x3FFE];
	_ =	sdelay $0x1  }
0x8a: {  	s1 =	srdreg.scid  }
0x8b: {  	s0 =	sand.u32 $0x1, s1  }
0x8c: {  	s14 =	sshll.u32 s0, $0xA;
	s2 =	sadd.s32 s3, s2  }
0x8d: {  	s2 =	sadd.s32 s2, s14  }
0x8e: {  	[smem:$0x3FC6] =	sst s2  }
0x8f: {  	_ = 	snop  }
0x90: {  	s2 =	sld [smem:$0x3FD0];
	_ =	sdelay $0x1  }
0x91: {  	s15 =	sld [smem:$0x3FC9]  }
0x92: {  	s5 =	simm.s32 $0xA;
	s6 =	simm.s32 $0x10;
	s4 =	sld [smem:$0x3FC8]  }
0x93: {  	[smem:s6], [sflag:s5] =	dma.local [hbm:s2], $0x1  }
0x94: {  	_ =	swait.eq [sflag:s5], $0x1  }
0x95: {  	[sflag:s5] =	ssyncset.done $0x0  }
0x96: {  	[sflag:s5] =	ssyncadd.s32 $0xFFFFFFFF  }
0x97: {  	s16 =	sld [smem:$0x10];
	(tm) =	ssettm $0x1  }
0x98: {  	s17 =	sld [smem:$0x3FFB];
	_ =	sdelay $0x3  }
0x99: {  	_ =	strace s17  }
0x9a: {  	s5 =	sld [smem:$0x3FFC];
	_ =	sdelay $0x3  }
0x9b: {  	_ =	strace s5  }
0x9c: {  	s5 =	sld [smem:$0x3FFD];
	_ =	sdelay $0x3  }
0x9d: {  	_ =	strace s5  }
0x9e: {  	_ =	strace $0x8FFFFFFF  }
0x9f: {  	s18 =	sld [smem:$0x3FDB];
	_ =	sdelay $0x1  }
0xa0: {  	s19 =	simm.s32 $_scs_section_size  }
0xa1: {  	s7 =	simm.s32 $_size__tile_overlayer_lowered;
	s8 =	simm.s32 $_tile_overlayer_lowered  }
0xa2: {  	s22 =	simm.s32 $0x1BFF;
	s21 =	sshll.u32 s8, $0x1;
	s5 =	sadd.s32 s19, s18  }
0xa3: {  	s9 =	simm.s32 $0x0;
	s20 =	sshll.u32 s7, $0x1;
	s7 =	sadd.s32 s21, s5  }
0xa4: {  	[timem:s9], [sflag:s22] =	dma.local [hbm:s7], s20  }
0xa5: {  	_ =	swait.ge [sflag:s22], s20  }
0xa6: {  	s6 =	ssub.s32 $0x0, s20;
	[sflag:s22] =	ssyncset.done $0x0  }
0xa7: {  	[sflag:s22] =	ssyncadd.s32 s6;
	_ =	sdelay $0x1  }
0xa8: {  	s23 =	simm.s32 $0x1B8B  }
0xa9: {  	_ =	swait.ge [sflag:s23], $0x1  }
0xaa: {  	[sflag:s23] =	ssyncset.done $0x0  }
0xab: {  	s25 =	simm.s32 $0x1B8E;
	s24 =	sld [smem:$0x3FFE];
	[sflag:s23] =	ssyncadd.s32 $0xFFFFFFFF  }
0xac: {  	s26 =	simm.s32 $execute0_lowered;
	[smem:$0x3FD2] =	sst s25  }
0xad: {  	s7 =	sshll.u32 s26, $0x1;
	_ =	strace $0x80000046;
	[dreg:$0x1] =	wrdreg $0xFFFFFFFF  }
0xae: {  	s28 =	simm.s32 $_size_execute0_lowered;
	s5 =	sadd.s32 s5, s7;
	[dreg:$0x0] =	wrdreg $0x0  }
0xaf: {  	s7 =	sshll.u32 s28, $0x1;
	[dreg:$0x2] =	wrdreg s5  }
0xb0: {  	[dreg:$0x3] =	wrdreg s7  }
0xb1: {  	[dreg:$0x4] =	wrdreg $0xC0  }
0xb2: {  	_ =	task [dreg:s9], $0x5FFFF  }
0xb3: {  	[dreg:$0x1] =	wrdreg $0xFFFFFFFF  }
0xb4: {  	[dreg:$0x0] =	wrdreg $0x60  }
0xb5: {  	[dreg:$0x2] =	wrdreg s15  }
0xb6: {  	[dreg:$0x3] =	wrdreg s4  }
0xb7: {  	[dreg:$0x4] =	wrdreg s16  }
0xb8: {  	[dreg:$0x5] =	wrdreg s24  }
0xb9: {  	[dreg:$0x6] =	wrdreg $0x9  }
0xba: {  	_ =	task.clear_ibuf [dreg:s9], $0x7FFFF;
	_ =	strace $0x90000046  }
0xbb: {  	s29 =	simm.s32 $0x9;
	_ =	strace $0x80000048  }
0xbc: {  	_ =	swait.ge [sflag:s29], $0x1  }
0xbd: {  	[sflag:s29] =	ssyncadd.s32 $0xFFFFFFFF  }
0xbe: {  	_ =	strace $0x90000048  }
0xbf: {  	_ =	sfence  }
0xc0: {  	s30 =	sld [smem:$0x0];
	_ =	sdelay $0x2  }
0xc1: {  	s31 =	sshll.u32 s1, $0xD;
	s1 =	sshrl.u32 s1, $0x2  }
0xc2: {  	s3 =	sand.u32 $0x4000, s31;
	s1 =	sadd.s32 s1, s30  }
0xc3: {  	s0 =	sor.u32 s3, s0;
	s1 =	sshll.u32 s1, $0x11  }
0xc4: {  	s0 =	sor.u32 s1, s0  }
0xc5: {  	s0 =	sadd.s32 $0x8F2B, s0  }
0xc6: {  	[sflag:s0] =	ssyncadd.remote.s32 $0x1  }
0xc7: {  	_ =	sfence.sel $0xFFFF  }
0xc8: {  	[dreg:$0x0] =	wrdreg $0xFFFFFFFF;
	(pc) =	sbr.abs _section_cstart, $3  }
0xc9: {  	[dreg:$0x1] =	wrdreg $0xFFFFFFFF  }
0xca: {  	_ =	task.clear_ibuf [dreg:s9], $0x2FFFF;
	_ =	strace $0x9FFFFFFF  }
0xcb: {  	(tm) =	ssettm $0x7FFFFFFF  }
tec
execute0_lowered:
.L_overlay_start_1:
0x0: {  	(tag) =	ssettag $0x1  }
0x1: {  	s0 =	rddreg [dreg:$0x0]  }
0x2: {  	s1 =	rddreg [dreg:$0x1]  }
0x3: {  	s3 =	rddreg [dreg:$0x2];
	s2 =	srdreg.scid  }
0x4: {  	s8 =	stileid.u32;
	s4 =	rddreg [dreg:$0x3];
	s22 =	simm.s32 $0x4000  }
0x5: {  	s23 =	simm.s32 $0x2000;
	s28 =	simm.s32 $0x2;
	s31 =	simm.s32 $0x3  }
0x6: {  	s5 =	sand.u32 $0x1, s2;
	s6 =	sshll.u32 s8, $0x1;
	s2 =	simm.s32 $0x0  }
0x7: {  	s15 =	sshrl.u32 s8, $0x2;
	s8 =	sshll.u32 s8, $0xE;
	s6 =	sor.u32 s5, s6  }
0x8: {  	[smem:$0x7FF] =	sst s2;
	s24 =	sshll.u32 s15, $0xA;
	s5 =	ssub.s32 $0x2, s5  }
0x9: {  	s8 =	sand.u32 $0x38000, s8;
	s19 =	sshll.u32 s15, $0xF;
	s7 =	sshll.u32 s6, $0x7  }
0xa: {  	_ =	strace $0x80000047;
	s6 =	sshll.u32 s6, $0xD;
	s9 =	sshrl.u32 s5, $0x1  }
0xb: {  	s16 =	sand.u32 $0x380, s7;
	s6 =	sand.u32 $0x6000, s6;
	s21 =	ssub.s32 s5, s9  }
0xc: {  	s7 =	sor.u32 s24, s16;
	s17 =	sor.u32 s8, s6;
	s19 =	sor.u32 s19, s16  }
0xd: {  	s21 =	smax.u32 s21, $0x1;
	s24 =	simm.s32 $0x6000;
	s7 =	sshrl.u32 s7, $0x3  }
0xe: {  	s6 =	sor.u32 $0x400, s17;
	s25 =	sadd.s32 s0, s17;
	s26 =	sadd.s32 s1, s17  }
0xf: {  	s8 =	sor.u32 $0x800, s17;
	s10 =	sor.u32 $0xC00, s17;
	s12 =	sor.u32 $0x1000, s17  }
0x10: {  	s14 =	sor.u32 $0x1400, s17;
	s18 =	sor.u32 $0x1800, s17;
	s20 =	sor.u32 $0x1C00, s17  }
0x11: {  	s30 =	sshrl.u32 s19, $0x3;
	s4 =	sadd.s32 s7, s4;
	[dreg:$0x5] =	wrdreg s25  }
0x12: {  	[dreg:$0x6] =	wrdreg s26;
	s29 =	sadd.s32 s0, s6;
	s6 =	sadd.s32 s1, s6  }
0x13: {  	s7 =	sadd.s32 s0, s8;
	s8 =	sadd.s32 s1, s8;
	s9 =	sadd.s32 s0, s10  }
0x14: {  	s10 =	sadd.s32 s1, s10;
	s11 =	sadd.s32 s0, s12;
	s12 =	sadd.s32 s1, s12  }
0x15: {  	s13 =	sadd.s32 s0, s14;
	s14 =	sadd.s32 s1, s14;
	s15 =	sadd.s32 s0, s18  }
0x16: {  	s16 =	sadd.s32 s1, s18;
	s17 =	sadd.s32 s0, s20;
	s18 =	sadd.s32 s1, s20  }
0x17: {  	s19 =	sadd.s32 s3, s30;
	s25 =	simm.s32 $0x1;
	s26 =	simm.s32 $0x8000  }
0x18: {  	v0 =	vimm.f32 $0.0e+00;
	v1 =	vimm.f32 $1.000000000e+00;
	s0 =	simm.s32 $0x0;
	[dreg:$0x7] =	wrdreg s29;
	s20 =	sadd.s32 $0x800, s4  }
.LBB2_1:
0x19: {  	s1 =	rddreg [dreg:$0x5]  }
0x1a: {  	[tilespmem:s2], [sflag:$0x1] =	stream.linear.gather [hbm4b:s1+s2], $0x2000, $0x38;
	[tilespmem:$0x9080] =	vst v63  }
0x1b: {  	s30 =	rddreg [dreg:$0x6];
	s1 =	simm.s32 $0x8040  }
0x1c: {  	[tilespmem:s22], [sflag:$0x1] =	stream.linear.gather [hbm4b:s30+s2], $0x2000, $0x38;
	[tilespmem:$0x9080] =	vst v63  }
0x1d: {  	[tilespmem:s1+$0xFFFFFFC0] =	vst v0  }
0x1e: {  	[tilespmem:s1+$0x30] =	vst v0  }
0x1f: {  	[tilespmem:s1+$0x20] =	vst v0  }
0x20: {  	[tilespmem:s1+$0x10] =	vst v0  }
0x21: {  	[tilespmem:s1+$0x0] =	vst v0  }
0x22: {  	[tilespmem:s1+$0xFFFFFFF0] =	vst v0  }
0x23: {  	s3 =	simm.s32 $0x0;
	[tilespmem:s1+$0xFFFFFFE0] =	vst v0  }
.LBB2_2:
0x24: {  	s3 =	sadd.s32 $0x8, s3;
	[tilespmem:s1+$0xFFFFFFD0] =	vst v0;
	s1 =	sadd.s32 $0x80, s1  }
0x25: {  	[tilespmem:s1+$0xFFFFFFC0] =	vst v0;
	p0 =	slt.u32 s3, $0xF8  }
0x26: {  	[tilespmem:s1+$0x30] =	vst v0  }
.Ltmp0:
0x27: {  	[tilespmem:s1+$0x20] =	vst v0;
	(pc) =	sbr.rel @p0 .LBB2_2-.Ltmp0, $4  }
0x28: {  	[tilespmem:s1+$0x10] =	vst v0  }
0x29: {  	[tilespmem:s1+$0x0] =	vst v0  }
0x2a: {  	[tilespmem:s1+$0xFFFFFFF0] =	vst v0  }
0x2b: {  	[tilespmem:s1+$0xFFFFFFE0] =	vst v0  }
0x2c: {  	[tilespmem:s1+$0xFFFFFFD0] =	vst v0  }
0x2d: {  	s29 =	simm.s32 $0x0;
	s1 =	rddreg [dreg:$0x7]  }
0x2e: {  	[tilespmem:s23], [sflag:$0x2] =	stream.linear.gather [hbm4b:s1+s29], $0x2000, $0x38;
	[tilespmem:$0x9080] =	vst v63  }
0x2f: {  	_ = 	snop  }
0x30: {  	[tilespmem:s24], [sflag:$0x2] =	stream.linear.gather [hbm4b:s6+s29], $0x2000, $0x38;
	[tilespmem:$0x9080] =	vst v63  }
0x31: {  	_ =	swait.ge [sflag:s25], $0x2000  }
0x32: {  	[sflag:s25] =	ssyncset.done $0x0  }
0x33: {  	[sflag:s25] =	ssyncadd.s32 $0xFFFFE000  }
0x34: {  	s4 =	sand.u32 $0x1000, s29;
	s3 =	sand.u32 $0xC00, s29;
	_ =	swait.ge [sflag:s25], $0x2000  }
0x35: {  	s5 =	sand.u32 $0x380, s29;
	s1 =	sor.u32 s3, s4;
	[sflag:s25] =	ssyncset.done $0x0  }
0x36: {  	s1 =	sor.u32 s5, s1;
	[sflag:s25] =	ssyncadd.s32 $0xFFFFE000  }
0x37: {  	v3 =	vld [tilespmem:s1+$0x4000]  }
0x38: {  	v4 =	vld [tilespmem:s1+$0x0]  }
0x39: {  	v7 =	vld [tilespmem:s1+$0x4010]  }
0x3a: {  	v6 =	vld [tilespmem:s1+$0x10]  }
0x3b: {  	v9 =	vld [tilespmem:s1+$0x20]  }
0x3c: {  	v20 =	vld [tilespmem:s1+$0x60]  }
0x3d: {  	v2 =	vimm.f32 $0.0e+00;
	v22 =	vld [tilespmem:s1+$0x70]  }
0x3e: {  	v8 =	vld [tilespmem:s1+$0x4020];
	v5 =	vadd.f32 v3, v2  }
0x3f: {  	v13 =	vld [tilespmem:s1+$0x30];
	v10 =	vadd.f32 v4, v4;
	v4 =	vadd.f32 $1.000000000e+00, v4  }
0x40: {  	v11 =	vld [tilespmem:s1+$0x4030];
	v2 =	vmul.f32 $2.048000000e+03, v3;
	v15 =	vadd.f32 $1.000000000e+00, v6;
	v17 =	vadd.f32 v9, v9  }
0x41: {  	v14 =	vld [tilespmem:s1+$0x4040];
	v12 =	vadd.f32 v7, v5;
	v3 =	vmul.f32 v3, v10;
	v10 =	vadd.f32 v6, v6  }
0x42: {  	v16 =	vld [tilespmem:s1+$0x40];
	v25 =	vadd.f32 $1.000000000e+00, v20;
	v27 =	vadd.f32 $1.000000000e+00, v22;
	v5 =	vmul.f32 $2.048000000e+03, v7  }
0x43: {  	v6 =	vmul.f32 $2.048000000e+03, v8;
	v12 =	vadd.f32 v8, v12;
	v7 =	vmul.f32 v7, v10  }
0x44: {  	v18 =	vld [tilespmem:s1+$0x4050];
	v4 =	vsub.f32 v4, v3;
	v8 =	vmul.f32 v8, v17;
	v17 =	vadd.f32 $1.000000000e+00, v13  }
0x45: {  	v13 =	vadd.f32 v13, v13;
	v3 =	vadd.f32 v11, v12;
	v12 =	vld [tilespmem:s1+$0x50]  }
0x46: {  	v10 =	vadd.f32 $1.000000000e+00, v9;
	v9 =	vmul.f32 $2.048000000e+03, v11;
	v7 =	vsub.f32 v15, v7  }
0x47: {  	v19 =	vld [tilespmem:s1+$0x4060];
	v11 =	vmul.f32 v11, v13;
	v13 =	vadd.f32 $1.000000000e+00, v16;
	v3 =	vadd.f32 v14, v3  }
0x48: {  	v21 =	vmul.f32 $2.560000000e+02, v4;
	v16 =	vadd.f32 v16, v16;
	v8 =	vsub.f32 v10, v8  }
0x49: {  	v26 =	vld [tilespmem:s1+$0x4070];
	v15 =	vmul.f32 $2.560000000e+02, v7;
	v10 =	vsub.f32 v17, v11;
	v3 =	vadd.f32 v18, v3  }
0x4a: {  	v23 =	vmul.f32 v14, v16;
	v24 =	vadd.f32 $1.000000000e+00, v12;
	v12 =	vadd.f32 v12, v12  }
0x4b: {  	v16 =	vmul.f32 $2.560000000e+02, v8;
	v17 =	vadd.f32 v20, v20;
	v20 =	vmul.f32 $2.560000000e+02, v10  }
0x4c: {  	v3 =	vadd.f32 v19, v3;
	v11 =	vmul.f32 v18, v12;
	v12 =	vsub.f32 v13, v23  }
0x4d: {  	v13 =	vmul.f32 v19, v17;
	v23 =	vadd.f32 v22, v22;
	v17 =	vmul.f32 $2.048000000e+03, v14  }
0x4e: {  	v18 =	vmul.f32 $2.048000000e+03, v18;
	v19 =	vmul.f32 $2.048000000e+03, v19;
	v3 =	vadd.f32 v26, v3  }
0x4f: {  	v14 =	vsub.f32 v24, v11;
	v11 =	vsub.f32 v25, v13;
	v13 =	vmul.f32 v26, v23  }
0x50: {  	v22 =	vmul.f32 $2.560000000e+02, v12;
	v23 =	vmin.f32 v21, $2.047500000e+03;
	v21 =	vmul.f32 $2.048000000e+03, v26  }
0x51: {  	s30 =	simm.s32 $0x0;
	s3 =	simm.s32 $0x0;
	s1 =	simm.s32 $0x0;
	v25 =	vmul.f32 $2.560000000e+02, v14;
	v24 =	vmul.f32 $2.560000000e+02, v11;
	v13 =	vsub.f32 v27, v13  }
.LBB2_4:
0x52: {  	s30 =	sadd.s32 $0x8, s30;
	v15 =	vmin.f32 v15, $2.047500000e+03;
	v16 =	vmin.f32 v16, $2.047500000e+03;
	v20 =	vmin.f32 v20, $2.047500000e+03  }
0x53: {  	v22 =	vmin.f32 v22, $2.047500000e+03;
	v25 =	vmin.f32 v25, $2.047500000e+03;
	p0 =	slt.u32 s30, $0x1F8;
	v26 =	vmul.f32 $2.560000000e+02, v13  }
0x54: {  	v2 =	vadd.f32 v23, v2;
	v5 =	vadd.f32 v15, v5;
	v15 =	vmin.f32 v24, $2.047500000e+03  }
0x55: {  	s29 =	sadd.s32 $0x400, s29;
	s1 =	sadd.s32 $0x80, s1;
	v6 =	vadd.f32 v16, v6;
	v9 =	vadd.f32 v20, v9;
	v16 =	vmin.f32 v26, $2.047500000e+03  }
0x56: {  	s3 =	sadd.s32 $0x20, s3;
	s4 =	sand.u32 $0x1000, s1;
	s5 =	sand.u32 $0xC00, s29;
	v17 =	vadd.f32 v22, v17;
	v18 =	vadd.f32 v25, v18;
	v2 =	vtrunc.f32 v2  }
0x57: {  	s4 =	sor.u32 s5, s4;
	s5 =	sand.u32 $0x380, s3;
	v15 =	vadd.f32 v15, v19;
	v5 =	vtrunc.f32 v5;
	v16 =	vadd.f32 v16, v21  }
0x58: {  	vm0 =	vgt.f32 v4, $0.0e+00;
	s4 =	sor.u32 s5, s4;
	v4 =	vtrunc.f32 v6;
	v6 =	vtrunc.f32 v9  }
0x59: {  	vm1 =	vgt.f32 v7, $0.0e+00;
	v7 =	vtrunc.f32 v17;
	v17 =	vtrunc.f32 v18;
	v9 =	vld [tilespmem:s4+$0x4000]  }
0x5a: {  	vm2 =	vgt.f32 v8, $0.0e+00;
	v8 =	vtrunc.f32 v15;
	v15 =	vtrunc.f32 v16;
	v18 =	vld [tilespmem:s4+$0x0]  }
0x5b: {  	vm4 =	vgt.f32 v10, $0.0e+00;
	v19 =	vcvt.f32.s32 v2;
	v20 =	vcvt.f32.s32 v5;
	v16 =	vld [tilespmem:s4+$0x4010]  }
0x5c: {  	vm5 =	vgt.f32 v12, $0.0e+00;
	v21 =	vcvt.f32.s32 v4;
	v22 =	vcvt.f32.s32 v6;
	v10 =	vld [tilespmem:s4+$0x10]  }
0x5d: {  	vm3 =	vgt.f32 v14, $0.0e+00;
	v23 =	vcvt.f32.s32 v7;
	v24 =	vcvt.f32.s32 v17;
	v12 =	vld [tilespmem:s4+$0x4020]  }
0x5e: {  	v25 =	vcvt.f32.s32 v8;
	v2 =	vmul.f32 $2.048000000e+03, v9;
	v3 =	vadd.f32 v9, v3;
	v4 =	vld [tilespmem:s4+$0x20]  }
0x5f: {  	v26 =	vcvt.f32.s32 v15;
	v7 =	vadd.f32 $1.000000000e+00, v18;
	v6 =	vadd.f32 v18, v18;
	v8 =	vld [tilespmem:s4+$0x4030]  }
0x60: {  	vm6 =	vgt.f32 v11, $0.0e+00;
	v5 =	vmul.f32 $2.048000000e+03, v16;
	v3 =	vadd.f32 v16, v3;
	v14 =	vld [tilespmem:s4+$0x30]  }
0x61: {  	v9 =	vmul.f32 v9, v6;
	v11 =	vadd.f32 $1.000000000e+00, v10;
	v10 =	vadd.f32 v10, v10;
	v17 =	vld [tilespmem:s4+$0x4040]  }
0x62: {  	vm7 =	vgt.f32 v13, $0.0e+00;
	v6 =	vmul.f32 $2.048000000e+03, v12;
	v3 =	vadd.f32 v12, v3;
	v15 =	vld [tilespmem:s4+$0x40]  }
0x63: {  	v10 =	vmul.f32 v16, v10;
	v13 =	vadd.f32 $1.000000000e+00, v4;
	v16 =	vadd.f32 v4, v4;
	v18 =	vld [tilespmem:s4+$0x4050]  }
0x64: {  	v4 =	vsub.f32 v7, v9;
	v9 =	vmul.f32 $2.048000000e+03, v8;
	v3 =	vadd.f32 v8, v3;
	v27 =	vld [tilespmem:s4+$0x50]  }
0x65: {  	v12 =	vmul.f32 v12, v16;
	v28 =	vadd.f32 $1.000000000e+00, v14;
	v14 =	vadd.f32 v14, v14;
	v29 =	vld [tilespmem:s4+$0x4060]  }
0x66: {  	v30 =	vmul.f32 $2.560000000e+02, v4;
	v7 =	vsub.f32 v11, v10;
	v3 =	vadd.f32 v17, v3;
	v11 =	vld [tilespmem:s4+$0x60]  }
0x67: {  	v10 =	vmul.f32 v8, v14;
	v14 =	vadd.f32 $1.000000000e+00, v15;
	v16 =	vadd.f32 v15, v15;
	v31 =	vld [tilespmem:s4+$0x4070]  }
0x68: {  	v15 =	vmul.f32 $2.560000000e+02, v7;
	v8 =	vsub.f32 v13, v12;
	v3 =	vadd.f32 v18, v3;
	v13 =	vld [tilespmem:s4+$0x70]  }
0x69: {  	v12 =	vmul.f32 v17, v16;
	v32 =	vadd.f32 $1.000000000e+00, v27;
	v27 =	vadd.f32 v27, v27;
	[tilespmem:v19+s26+$0x0] =	vst.idx.add.f32.msk vm0, v1  }
0x6a: {  	v16 =	vmul.f32 $2.560000000e+02, v8;
	v10 =	vsub.f32 v28, v10;
	v3 =	vadd.f32 v29, v3;
	[tilespmem:v20+s26+$0x0] =	vst.idx.add.f32.msk vm1, v1  }
0x6b: {  	v19 =	vmul.f32 v18, v27;
	v27 =	vadd.f32 $1.000000000e+00, v11;
	v11 =	vadd.f32 v11, v11;
	[tilespmem:v21+s26+$0x0] =	vst.idx.add.f32.msk vm2, v1  }
0x6c: {  	v20 =	vmul.f32 $2.560000000e+02, v10;
	v12 =	vsub.f32 v14, v12;
	v3 =	vadd.f32 v31, v3;
	[tilespmem:v22+s26+$0x0] =	vst.idx.add.f32.msk vm4, v1  }
.Ltmp1:
0x6d: {  	v11 =	vmul.f32 v29, v11;
	v21 =	vadd.f32 $1.000000000e+00, v13;
	v13 =	vadd.f32 v13, v13;
	[tilespmem:v23+s26+$0x0] =	vst.idx.add.f32.msk vm5, v1;
	(pc) =	sbr.rel @p0 .LBB2_4-.Ltmp1, $4  }
0x6e: {  	v17 =	vmul.f32 $2.048000000e+03, v17;
	v22 =	vmul.f32 $2.560000000e+02, v12;
	v14 =	vsub.f32 v32, v19;
	[tilespmem:v24+s26+$0x0] =	vst.idx.add.f32.msk vm3, v1  }
0x6f: {  	v18 =	vmul.f32 $2.048000000e+03, v18;
	v11 =	vsub.f32 v27, v11;
	v13 =	vmul.f32 v31, v13;
	[tilespmem:v25+s26+$0x0] =	vst.idx.add.f32.msk vm6, v1  }
0x70: {  	v23 =	vmin.f32 v30, $2.047500000e+03;
	v19 =	vmul.f32 $2.048000000e+03, v29;
	v25 =	vmul.f32 $2.560000000e+02, v14;
	[tilespmem:v26+s26+$0x0] =	vst.idx.add.f32.msk vm7, v1  }
0x71: {  	v24 =	vmul.f32 $2.560000000e+02, v11;
	v13 =	vsub.f32 v21, v13;
	v21 =	vmul.f32 $2.048000000e+03, v31  }
0x72: {  	v15 =	vmin.f32 v15, $2.047500000e+03;
	v16 =	vmin.f32 v16, $2.047500000e+03  }
0x73: {  	v20 =	vmin.f32 v20, $2.047500000e+03;
	v22 =	vmin.f32 v22, $2.047500000e+03;
	v25 =	vmin.f32 v25, $2.047500000e+03  }
0x74: {  	v2 =	vadd.f32 v23, v2;
	vm0 =	vgt.f32 v4, $0.0e+00;
	vm1 =	vgt.f32 v7, $0.0e+00  }
0x75: {  	vm2 =	vgt.f32 v8, $0.0e+00;
	vm3 =	vgt.f32 v10, $0.0e+00;
	vm4 =	vgt.f32 v12, $0.0e+00  }
0x76: {  	v26 =	vmul.f32 $2.560000000e+02, v13;
	v5 =	vadd.f32 v15, v5;
	v15 =	vmin.f32 v24, $2.047500000e+03  }
0x77: {  	v6 =	vadd.f32 v16, v6;
	v9 =	vadd.f32 v20, v9;
	v2 =	vtrunc.f32 v2  }
0x78: {  	v17 =	vadd.f32 v22, v17;
	v5 =	vtrunc.f32 v5;
	v2 =	vcvt.f32.s32 v2  }
0x79: {  	v18 =	vadd.f32 v25, v18;
	v4 =	vtrunc.f32 v6;
	v5 =	vcvt.f32.s32 v5  }
0x7a: {  	v15 =	vadd.f32 v15, v19;
	v6 =	vtrunc.f32 v9;
	v4 =	vcvt.f32.s32 v4  }
0x7b: {  	v16 =	vmin.f32 v26, $2.047500000e+03;
	v7 =	vtrunc.f32 v17;
	v6 =	vcvt.f32.s32 v6  }
0x7c: {  	v8 =	vtrunc.f32 v18;
	v16 =	vadd.f32 v16, v21;
	v7 =	vcvt.f32.s32 v7  }
0x7d: {  	vm5 =	vgt.f32 v14, $0.0e+00;
	v9 =	vtrunc.f32 v15;
	v8 =	vcvt.f32.s32 v8  }
0x7e: {  	vm6 =	vgt.f32 v11, $0.0e+00;
	v9 =	vcvt.f32.s32 v9;
	v10 =	vtrunc.f32 v16;
	[tilespmem:v2+s26+$0x0] =	vst.idx.add.f32.msk vm0, v1  }
0x7f: {  	vm15 =	vgt.f32 v13, $0.0e+00;
	v2 =	vcvt.f32.s32 v10;
	[tilespmem:v5+s26+$0x0] =	vst.idx.add.f32.msk vm1, v1  }
0x80: {  	[tilespmem:v4+s26+$0x0] =	vst.idx.add.f32.msk vm2, v1  }
0x81: {  	[tilespmem:v6+s26+$0x0] =	vst.idx.add.f32.msk vm3, v1  }
0x82: {  	[tilespmem:v7+s26+$0x0] =	vst.idx.add.f32.msk vm4, v1  }
0x83: {  	[tilespmem:v8+s26+$0x0] =	vst.idx.add.f32.msk vm5, v1  }
0x84: {  	[tilespmem:v9+s26+$0x0] =	vst.idx.add.f32.msk vm6, v1  }
0x85: {  	s29 =	simm.s32 $0x0;
	[tilespmem:v2+s26+$0x0] =	vst.idx.add.f32.msk vm15, v1  }
0x86: {  	[tilespmem:s29], [sflag:$0x1] =	stream.linear.gather [hbm4b:s7+s29], $0x2000, $0x38;
	[tilespmem:$0x9080] =	vst v63  }
0x87: {  	_ = 	snop  }
0x88: {  	[tilespmem:s22], [sflag:$0x1] =	stream.linear.gather [hbm4b:s8+s29], $0x2000, $0x38;
	[tilespmem:$0x9080] =	vst v63  }
0x89: {  	_ =	swait.ge [sflag:s28], $0x2000  }
0x8a: {  	[sflag:s28] =	ssyncset.done $0x0  }
0x8b: {  	[sflag:s28] =	ssyncadd.s32 $0xFFFFE000  }
0x8c: {  	s1 =	sand.u32 $0x1000, s29;
	s3 =	sand.u32 $0xC00, s29;
	_ =	swait.ge [sflag:s28], $0x2000  }
0x8d: {  	s5 =	sand.u32 $0x380, s29;
	s1 =	sor.u32 s3, s1;
	[sflag:s28] =	ssyncset.done $0x0  }
0x8e: {  	s1 =	sor.u32 s5, s1;
	[sflag:s28] =	ssyncadd.s32 $0xFFFFE000  }
0x8f: {  	v4 =	vld [tilespmem:s1+$0x6000]  }
0x90: {  	v5 =	vld [tilespmem:s1+$0x2000]  }
0x91: {  	v7 =	vld [tilespmem:s1+$0x6010]  }
0x92: {  	v6 =	vld [tilespmem:s1+$0x2010]  }
0x93: {  	v8 =	vld [tilespmem:s1+$0x6020]  }
0x94: {  	v9 =	vld [tilespmem:s1+$0x2020]  }
0x95: {  	v20 =	vld [tilespmem:s1+$0x2060]  }
0x96: {  	v22 =	vld [tilespmem:s1+$0x2070]  }
0x97: {  	v3 =	vadd.f32 v4, v3;
	v10 =	vadd.f32 v5, v5  }
0x98: {  	v13 =	vld [tilespmem:s1+$0x2030];
	v2 =	vmul.f32 $2.048000000e+03, v4;
	v12 =	vadd.f32 $1.000000000e+00, v5;
	v15 =	vadd.f32 $1.000000000e+00, v6  }
0x99: {  	v11 =	vld [tilespmem:s1+$0x6030];
	v5 =	vmul.f32 $2.048000000e+03, v7;
	v17 =	vadd.f32 v9, v9;
	v3 =	vadd.f32 v7, v3  }
0x9a: {  	v16 =	vld [tilespmem:s1+$0x2040];
	v25 =	vadd.f32 $1.000000000e+00, v20;
	v4 =	vmul.f32 v4, v10;
	v10 =	vadd.f32 v6, v6  }
0x9b: {  	v14 =	vld [tilespmem:s1+$0x6040];
	v27 =	vadd.f32 $1.000000000e+00, v22;
	v6 =	vmul.f32 $2.048000000e+03, v8;
	v3 =	vadd.f32 v8, v3  }
0x9c: {  	v7 =	vmul.f32 v7, v10;
	v10 =	vadd.f32 $1.000000000e+00, v9;
	v4 =	vsub.f32 v12, v4  }
0x9d: {  	v12 =	vld [tilespmem:s1+$0x2050];
	v8 =	vmul.f32 v8, v17;
	v17 =	vadd.f32 $1.000000000e+00, v13;
	v13 =	vadd.f32 v13, v13  }
0x9e: {  	v18 =	vld [tilespmem:s1+$0x6050];
	v9 =	vmul.f32 $2.048000000e+03, v11;
	v3 =	vadd.f32 v11, v3;
	v7 =	vsub.f32 v15, v7  }
0x9f: {  	v19 =	vld [tilespmem:s1+$0x6060];
	v11 =	vmul.f32 v11, v13;
	v13 =	vadd.f32 $1.000000000e+00, v16;
	v16 =	vadd.f32 v16, v16  }
0xa0: {  	v21 =	vmul.f32 $2.560000000e+02, v4;
	v8 =	vsub.f32 v10, v8;
	v3 =	vadd.f32 v14, v3  }
0xa1: {  	v15 =	vmul.f32 $2.560000000e+02, v7;
	v10 =	vsub.f32 v17, v11;
	v17 =	vadd.f32 v20, v20  }
0xa2: {  	v26 =	vld [tilespmem:s1+$0x6070];
	v23 =	vmul.f32 v14, v16;
	v24 =	vadd.f32 $1.000000000e+00, v12;
	v12 =	vadd.f32 v12, v12  }
0xa3: {  	v16 =	vmul.f32 $2.560000000e+02, v8;
	v3 =	vadd.f32 v18, v3;
	v20 =	vmul.f32 $2.560000000e+02, v10  }
0xa4: {  	v11 =	vmul.f32 v18, v12;
	v12 =	vsub.f32 v13, v23;
	v13 =	vmul.f32 v19, v17  }
0xa5: {  	v23 =	vadd.f32 v22, v22;
	v17 =	vmul.f32 $2.048000000e+03, v14;
	v18 =	vmul.f32 $2.048000000e+03, v18  }
0xa6: {  	v3 =	vadd.f32 v19, v3;
	v19 =	vmul.f32 $2.048000000e+03, v19;
	v22 =	vmul.f32 $2.560000000e+02, v12  }
0xa7: {  	v14 =	vsub.f32 v24, v11;
	v11 =	vsub.f32 v25, v13;
	v13 =	vmul.f32 v26, v23  }
0xa8: {  	v23 =	vmin.f32 v21, $2.047500000e+03;
	v21 =	vmul.f32 $2.048000000e+03, v26;
	v3 =	vadd.f32 v26, v3  }
0xa9: {  	s30 =	simm.s32 $0x0;
	s3 =	simm.s32 $0x0;
	s1 =	simm.s32 $0x0;
	v25 =	vmul.f32 $2.560000000e+02, v14;
	v24 =	vmul.f32 $2.560000000e+02, v11;
	v13 =	vsub.f32 v27, v13  }
.LBB2_6:
0xaa: {  	s30 =	sadd.s32 $0x8, s30;
	v15 =	vmin.f32 v15, $2.047500000e+03;
	v16 =	vmin.f32 v16, $2.047500000e+03;
	v20 =	vmin.f32 v20, $2.047500000e+03  }
0xab: {  	v22 =	vmin.f32 v22, $2.047500000e+03;
	v25 =	vmin.f32 v25, $2.047500000e+03;
	p0 =	slt.u32 s30, $0x1F8;
	v26 =	vmul.f32 $2.560000000e+02, v13  }
0xac: {  	v2 =	vadd.f32 v23, v2;
	v5 =	vadd.f32 v15, v5;
	v15 =	vmin.f32 v24, $2.047500000e+03  }
0xad: {  	s29 =	sadd.s32 $0x400, s29;
	s1 =	sadd.s32 $0x80, s1;
	v6 =	vadd.f32 v16, v6;
	v9 =	vadd.f32 v20, v9;
	v16 =	vmin.f32 v26, $2.047500000e+03  }
0xae: {  	s3 =	sadd.s32 $0x20, s3;
	s4 =	sand.u32 $0x1000, s1;
	s5 =	sand.u32 $0xC00, s29;
	v17 =	vadd.f32 v22, v17;
	v18 =	vadd.f32 v25, v18;
	v2 =	vtrunc.f32 v2  }
0xaf: {  	s4 =	sor.u32 s5, s4;
	s5 =	sand.u32 $0x380, s3;
	v15 =	vadd.f32 v15, v19;
	v5 =	vtrunc.f32 v5;
	v16 =	vadd.f32 v16, v21  }
0xb0: {  	vm0 =	vgt.f32 v4, $0.0e+00;
	s4 =	sor.u32 s5, s4;
	v4 =	vtrunc.f32 v6;
	v6 =	vtrunc.f32 v9  }
0xb1: {  	vm1 =	vgt.f32 v7, $0.0e+00;
	v7 =	vtrunc.f32 v17;
	v17 =	vtrunc.f32 v18;
	v9 =	vld [tilespmem:s4+$0x6000]  }
0xb2: {  	vm2 =	vgt.f32 v8, $0.0e+00;
	v8 =	vtrunc.f32 v15;
	v15 =	vtrunc.f32 v16;
	v18 =	vld [tilespmem:s4+$0x2000]  }
0xb3: {  	vm4 =	vgt.f32 v10, $0.0e+00;
	v19 =	vcvt.f32.s32 v2;
	v20 =	vcvt.f32.s32 v5;
	v16 =	vld [tilespmem:s4+$0x6010]  }
0xb4: {  	vm5 =	vgt.f32 v12, $0.0e+00;
	v21 =	vcvt.f32.s32 v4;
	v22 =	vcvt.f32.s32 v6;
	v10 =	vld [tilespmem:s4+$0x2010]  }
0xb5: {  	vm3 =	vgt.f32 v14, $0.0e+00;
	v23 =	vcvt.f32.s32 v7;
	v24 =	vcvt.f32.s32 v17;
	v12 =	vld [tilespmem:s4+$0x6020]  }
0xb6: {  	v25 =	vcvt.f32.s32 v8;
	v2 =	vmul.f32 $2.048000000e+03, v9;
	v3 =	vadd.f32 v9, v3;
	v4 =	vld [tilespmem:s4+$0x2020]  }
0xb7: {  	v26 =	vcvt.f32.s32 v15;
	v7 =	vadd.f32 $1.000000000e+00, v18;
	v6 =	vadd.f32 v18, v18;
	v8 =	vld [tilespmem:s4+$0x6030]  }
0xb8: {  	vm6 =	vgt.f32 v11, $0.0e+00;
	v5 =	vmul.f32 $2.048000000e+03, v16;
	v3 =	vadd.f32 v16, v3;
	v14 =	vld [tilespmem:s4+$0x2030]  }
0xb9: {  	v9 =	vmul.f32 v9, v6;
	v11 =	vadd.f32 $1.000000000e+00, v10;
	v10 =	vadd.f32 v10, v10;
	v17 =	vld [tilespmem:s4+$0x6040]  }
0xba: {  	vm7 =	vgt.f32 v13, $0.0e+00;
	v6 =	vmul.f32 $2.048000000e+03, v12;
	v3 =	vadd.f32 v12, v3;
	v15 =	vld [tilespmem:s4+$0x2040]  }
0xbb: {  	v10 =	vmul.f32 v16, v10;
	v13 =	vadd.f32 $1.000000000e+00, v4;
	v16 =	vadd.f32 v4, v4;
	v18 =	vld [tilespmem:s4+$0x6050]  }
0xbc: {  	v4 =	vsub.f32 v7, v9;
	v9 =	vmul.f32 $2.048000000e+03, v8;
	v3 =	vadd.f32 v8, v3;
	v27 =	vld [tilespmem:s4+$0x2050]  }
0xbd: {  	v12 =	vmul.f32 v12, v16;
	v28 =	vadd.f32 $1.000000000e+00, v14;
	v14 =	vadd.f32 v14, v14;
	v29 =	vld [tilespmem:s4+$0x6060]  }
0xbe: {  	v30 =	vmul.f32 $2.560000000e+02, v4;
	v7 =	vsub.f32 v11, v10;
	v3 =	vadd.f32 v17, v3;
	v11 =	vld [tilespmem:s4+$0x2060]  }
0xbf: {  	v10 =	vmul.f32 v8, v14;
	v14 =	vadd.f32 $1.000000000e+00, v15;
	v16 =	vadd.f32 v15, v15;
	v31 =	vld [tilespmem:s4+$0x6070]  }
0xc0: {  	v15 =	vmul.f32 $2.560000000e+02, v7;
	v8 =	vsub.f32 v13, v12;
	v3 =	vadd.f32 v18, v3;
	v13 =	vld [tilespmem:s4+$0x2070]  }
0xc1: {  	v12 =	vmul.f32 v17, v16;
	v32 =	vadd.f32 $1.000000000e+00, v27;
	v27 =	vadd.f32 v27, v27;
	[tilespmem:v19+s26+$0x0] =	vst.idx.add.f32.msk vm0, v1  }
0xc2: {  	v16 =	vmul.f32 $2.560000000e+02, v8;
	v10 =	vsub.f32 v28, v10;
	v3 =	vadd.f32 v29, v3;
	[tilespmem:v20+s26+$0x0] =	vst.idx.add.f32.msk vm1, v1  }
0xc3: {  	v19 =	vmul.f32 v18, v27;
	v27 =	vadd.f32 $1.000000000e+00, v11;
	v11 =	vadd.f32 v11, v11;
	[tilespmem:v21+s26+$0x0] =	vst.idx.add.f32.msk vm2, v1  }
0xc4: {  	v20 =	vmul.f32 $2.560000000e+02, v10;
	v12 =	vsub.f32 v14, v12;
	v3 =	vadd.f32 v31, v3;
	[tilespmem:v22+s26+$0x0] =	vst.idx.add.f32.msk vm4, v1  }
.Ltmp2:
0xc5: {  	v11 =	vmul.f32 v29, v11;
	v21 =	vadd.f32 $1.000000000e+00, v13;
	v13 =	vadd.f32 v13, v13;
	[tilespmem:v23+s26+$0x0] =	vst.idx.add.f32.msk vm5, v1;
	(pc) =	sbr.rel @p0 .LBB2_6-.Ltmp2, $4  }
0xc6: {  	v17 =	vmul.f32 $2.048000000e+03, v17;
	v22 =	vmul.f32 $2.560000000e+02, v12;
	v14 =	vsub.f32 v32, v19;
	[tilespmem:v24+s26+$0x0] =	vst.idx.add.f32.msk vm3, v1  }
0xc7: {  	v18 =	vmul.f32 $2.048000000e+03, v18;
	v11 =	vsub.f32 v27, v11;
	v13 =	vmul.f32 v31, v13;
	[tilespmem:v25+s26+$0x0] =	vst.idx.add.f32.msk vm6, v1  }
0xc8: {  	v23 =	vmin.f32 v30, $2.047500000e+03;
	v19 =	vmul.f32 $2.048000000e+03, v29;
	v25 =	vmul.f32 $2.560000000e+02, v14;
	[tilespmem:v26+s26+$0x0] =	vst.idx.add.f32.msk vm7, v1  }
0xc9: {  	v24 =	vmul.f32 $2.560000000e+02, v11;
	v13 =	vsub.f32 v21, v13;
	v21 =	vmul.f32 $2.048000000e+03, v31  }
0xca: {  	v15 =	vmin.f32 v15, $2.047500000e+03;
	v16 =	vmin.f32 v16, $2.047500000e+03  }
0xcb: {  	v20 =	vmin.f32 v20, $2.047500000e+03;
	v22 =	vmin.f32 v22, $2.047500000e+03;
	v25 =	vmin.f32 v25, $2.047500000e+03  }
0xcc: {  	v2 =	vadd.f32 v23, v2;
	vm0 =	vgt.f32 v4, $0.0e+00;
	vm1 =	vgt.f32 v7, $0.0e+00  }
0xcd: {  	vm2 =	vgt.f32 v8, $0.0e+00;
	vm3 =	vgt.f32 v10, $0.0e+00;
	vm4 =	vgt.f32 v12, $0.0e+00  }
0xce: {  	v26 =	vmul.f32 $2.560000000e+02, v13;
	v5 =	vadd.f32 v15, v5;
	v15 =	vmin.f32 v24, $2.047500000e+03  }
0xcf: {  	v6 =	vadd.f32 v16, v6;
	v9 =	vadd.f32 v20, v9;
	v2 =	vtrunc.f32 v2  }
0xd0: {  	v17 =	vadd.f32 v22, v17;
	v5 =	vtrunc.f32 v5;
	v2 =	vcvt.f32.s32 v2  }
0xd1: {  	v18 =	vadd.f32 v25, v18;
	v4 =	vtrunc.f32 v6;
	v5 =	vcvt.f32.s32 v5  }
0xd2: {  	v15 =	vadd.f32 v15, v19;
	v6 =	vtrunc.f32 v9;
	v4 =	vcvt.f32.s32 v4  }
0xd3: {  	v16 =	vmin.f32 v26, $2.047500000e+03;
	v7 =	vtrunc.f32 v17;
	v6 =	vcvt.f32.s32 v6  }
0xd4: {  	v8 =	vtrunc.f32 v18;
	v16 =	vadd.f32 v16, v21;
	v7 =	vcvt.f32.s32 v7  }
0xd5: {  	vm5 =	vgt.f32 v14, $0.0e+00;
	v9 =	vtrunc.f32 v15;
	v8 =	vcvt.f32.s32 v8  }
0xd6: {  	vm6 =	vgt.f32 v11, $0.0e+00;
	v9 =	vcvt.f32.s32 v9;
	v10 =	vtrunc.f32 v16;
	[tilespmem:v2+s26+$0x0] =	vst.idx.add.f32.msk vm0, v1  }
0xd7: {  	vm15 =	vgt.f32 v13, $0.0e+00;
	v2 =	vcvt.f32.s32 v10;
	[tilespmem:v5+s26+$0x0] =	vst.idx.add.f32.msk vm1, v1  }
0xd8: {  	[tilespmem:v4+s26+$0x0] =	vst.idx.add.f32.msk vm2, v1  }
0xd9: {  	[tilespmem:v6+s26+$0x0] =	vst.idx.add.f32.msk vm3, v1  }
0xda: {  	[tilespmem:v7+s26+$0x0] =	vst.idx.add.f32.msk vm4, v1  }
0xdb: {  	[tilespmem:v8+s26+$0x0] =	vst.idx.add.f32.msk vm5, v1  }
0xdc: {  	[tilespmem:v9+s26+$0x0] =	vst.idx.add.f32.msk vm6, v1  }
0xdd: {  	s29 =	simm.s32 $0x0;
	[tilespmem:v2+s26+$0x0] =	vst.idx.add.f32.msk vm15, v1  }
0xde: {  	[tilespmem:s23], [sflag:$0x2] =	stream.linear.gather [hbm4b:s9+s29], $0x2000, $0x38;
	[tilespmem:$0x9080] =	vst v63  }
0xdf: {  	_ = 	snop  }
0xe0: {  	[tilespmem:s24], [sflag:$0x2] =	stream.linear.gather [hbm4b:s10+s29], $0x2000, $0x38;
	[tilespmem:$0x9080] =	vst v63  }
0xe1: {  	_ =	swait.ge [sflag:s25], $0x2000  }
0xe2: {  	[sflag:s25] =	ssyncset.done $0x0  }
0xe3: {  	[sflag:s25] =	ssyncadd.s32 $0xFFFFE000  }
0xe4: {  	s1 =	sand.u32 $0x1000, s29;
	s3 =	sand.u32 $0xC00, s29;
	_ =	swait.ge [sflag:s25], $0x2000  }
0xe5: {  	s5 =	sand.u32 $0x380, s29;
	s1 =	sor.u32 s3, s1;
	[sflag:s25] =	ssyncset.done $0x0  }
0xe6: {  	s1 =	sor.u32 s5, s1;
	[sflag:s25] =	ssyncadd.s32 $0xFFFFE000  }
0xe7: {  	v4 =	vld [tilespmem:s1+$0x4000]  }
0xe8: {  	v5 =	vld [tilespmem:s1+$0x0]  }
0xe9: {  	v7 =	vld [tilespmem:s1+$0x4010]  }
0xea: {  	v6 =	vld [tilespmem:s1+$0x10]  }
0xeb: {  	v8 =	vld [tilespmem:s1+$0x4020]  }
0xec: {  	v9 =	vld [tilespmem:s1+$0x20]  }
0xed: {  	v20 =	vld [tilespmem:s1+$0x60]  }
0xee: {  	v22 =	vld [tilespmem:s1+$0x70]  }
0xef: {  	v3 =	vadd.f32 v4, v3;
	v10 =	vadd.f32 v5, v5  }
0xf0: {  	v13 =	vld [tilespmem:s1+$0x30];
	v2 =	vmul.f32 $2.048000000e+03, v4;
	v12 =	vadd.f32 $1.000000000e+00, v5;
	v15 =	vadd.f32 $1.000000000e+00, v6  }
0xf1: {  	v11 =	vld [tilespmem:s1+$0x4030];
	v5 =	vmul.f32 $2.048000000e+03, v7;
	v17 =	vadd.f32 v9, v9;
	v3 =	vadd.f32 v7, v3  }
0xf2: {  	v16 =	vld [tilespmem:s1+$0x40];
	v25 =	vadd.f32 $1.000000000e+00, v20;
	v4 =	vmul.f32 v4, v10;
	v10 =	vadd.f32 v6, v6  }
0xf3: {  	v14 =	vld [tilespmem:s1+$0x4040];
	v27 =	vadd.f32 $1.000000000e+00, v22;
	v6 =	vmul.f32 $2.048000000e+03, v8;
	v3 =	vadd.f32 v8, v3  }
0xf4: {  	v7 =	vmul.f32 v7, v10;
	v10 =	vadd.f32 $1.000000000e+00, v9;
	v4 =	vsub.f32 v12, v4  }
0xf5: {  	v12 =	vld [tilespmem:s1+$0x50];
	v8 =	vmul.f32 v8, v17;
	v17 =	vadd.f32 $1.000000000e+00, v13;
	v13 =	vadd.f32 v13, v13  }
0xf6: {  	v18 =	vld [tilespmem:s1+$0x4050];
	v9 =	vmul.f32 $2.048000000e+03, v11;
	v3 =	vadd.f32 v11, v3;
	v7 =	vsub.f32 v15, v7  }
0xf7: {  	v19 =	vld [tilespmem:s1+$0x4060];
	v11 =	vmul.f32 v11, v13;
	v13 =	vadd.f32 $1.000000000e+00, v16;
	v16 =	vadd.f32 v16, v16  }
0xf8: {  	v21 =	vmul.f32 $2.560000000e+02, v4;
	v8 =	vsub.f32 v10, v8;
	v3 =	vadd.f32 v14, v3  }
0xf9: {  	v15 =	vmul.f32 $2.560000000e+02, v7;
	v10 =	vsub.f32 v17, v11;
	v17 =	vadd.f32 v20, v20  }
0xfa: {  	v26 =	vld [tilespmem:s1+$0x4070];
	v23 =	vmul.f32 v14, v16;
	v24 =	vadd.f32 $1.000000000e+00, v12;
	v12 =	vadd.f32 v12, v12  }
0xfb: {  	v16 =	vmul.f32 $2.560000000e+02, v8;
	v3 =	vadd.f32 v18, v3;
	v20 =	vmul.f32 $2.560000000e+02, v10  }
0xfc: {  	v11 =	vmul.f32 v18, v12;
	v12 =	vsub.f32 v13, v23;
	v13 =	vmul.f32 v19, v17  }
0xfd: {  	v23 =	vadd.f32 v22, v22;
	v17 =	vmul.f32 $2.048000000e+03, v14;
	v18 =	vmul.f32 $2.048000000e+03, v18  }
0xfe: {  	v3 =	vadd.f32 v19, v3;
	v19 =	vmul.f32 $2.048000000e+03, v19;
	v22 =	vmul.f32 $2.560000000e+02, v12  }
0xff: {  	v14 =	vsub.f32 v24, v11;
	v11 =	vsub.f32 v25, v13;
	v13 =	vmul.f32 v26, v23  }
0x100: {  	v23 =	vmin.f32 v21, $2.047500000e+03;
	v21 =	vmul.f32 $2.048000000e+03, v26;
	v3 =	vadd.f32 v26, v3  }
0x101: {  	s30 =	simm.s32 $0x0;
	s3 =	simm.s32 $0x0;
	s1 =	simm.s32 $0x0;
	v25 =	vmul.f32 $2.560000000e+02, v14;
	v24 =	vmul.f32 $2.560000000e+02, v11;
	v13 =	vsub.f32 v27, v13  }
.LBB2_8:
0x102: {  	s30 =	sadd.s32 $0x8, s30;
	v15 =	vmin.f32 v15, $2.047500000e+03;
	v16 =	vmin.f32 v16, $2.047500000e+03;
	v20 =	vmin.f32 v20, $2.047500000e+03  }
0x103: {  	v22 =	vmin.f32 v22, $2.047500000e+03;
	v25 =	vmin.f32 v25, $2.047500000e+03;
	p0 =	slt.u32 s30, $0x1F8;
	v26 =	vmul.f32 $2.560000000e+02, v13  }
0x104: {  	v2 =	vadd.f32 v23, v2;
	v5 =	vadd.f32 v15, v5;
	v15 =	vmin.f32 v24, $2.047500000e+03  }
0x105: {  	s29 =	sadd.s32 $0x400, s29;
	s1 =	sadd.s32 $0x80, s1;
	v6 =	vadd.f32 v16, v6;
	v9 =	vadd.f32 v20, v9;
	v16 =	vmin.f32 v26, $2.047500000e+03  }
0x106: {  	s3 =	sadd.s32 $0x20, s3;
	s4 =	sand.u32 $0x1000, s1;
	s5 =	sand.u32 $0xC00, s29;
	v17 =	vadd.f32 v22, v17;
	v18 =	vadd.f32 v25, v18;
	v2 =	vtrunc.f32 v2  }
0x107: {  	s4 =	sor.u32 s5, s4;
	s5 =	sand.u32 $0x380, s3;
	v15 =	vadd.f32 v15, v19;
	v5 =	vtrunc.f32 v5;
	v16 =	vadd.f32 v16, v21  }
0x108: {  	vm0 =	vgt.f32 v4, $0.0e+00;
	s4 =	sor.u32 s5, s4;
	v4 =	vtrunc.f32 v6;
	v6 =	vtrunc.f32 v9  }
0x109: {  	vm1 =	vgt.f32 v7, $0.0e+00;
	v7 =	vtrunc.f32 v17;
	v17 =	vtrunc.f32 v18;
	v9 =	vld [tilespmem:s4+$0x4000]  }
0x10a: {  	vm2 =	vgt.f32 v8, $0.0e+00;
	v8 =	vtrunc.f32 v15;
	v15 =	vtrunc.f32 v16;
	v18 =	vld [tilespmem:s4+$0x0]  }
0x10b: {  	vm4 =	vgt.f32 v10, $0.0e+00;
	v19 =	vcvt.f32.s32 v2;
	v20 =	vcvt.f32.s32 v5;
	v16 =	vld [tilespmem:s4+$0x4010]  }
0x10c: {  	vm5 =	vgt.f32 v12, $0.0e+00;
	v21 =	vcvt.f32.s32 v4;
	v22 =	vcvt.f32.s32 v6;
	v10 =	vld [tilespmem:s4+$0x10]  }
0x10d: {  	vm3 =	vgt.f32 v14, $0.0e+00;
	v23 =	vcvt.f32.s32 v7;
	v24 =	vcvt.f32.s32 v17;
	v12 =	vld [tilespmem:s4+$0x4020]  }
0x10e: {  	v25 =	vcvt.f32.s32 v8;
	v2 =	vmul.f32 $2.048000000e+03, v9;
	v3 =	vadd.f32 v9, v3;
	v4 =	vld [tilespmem:s4+$0x20]  }
0x10f: {  	v26 =	vcvt.f32.s32 v15;
	v7 =	vadd.f32 $1.000000000e+00, v18;
	v6 =	vadd.f32 v18, v18;
	v8 =	vld [tilespmem:s4+$0x4030]  }
0x110: {  	vm6 =	vgt.f32 v11, $0.0e+00;
	v5 =	vmul.f32 $2.048000000e+03, v16;
	v3 =	vadd.f32 v16, v3;
	v14 =	vld [tilespmem:s4+$0x30]  }
0x111: {  	v9 =	vmul.f32 v9, v6;
	v11 =	vadd.f32 $1.000000000e+00, v10;
	v10 =	vadd.f32 v10, v10;
	v17 =	vld [tilespmem:s4+$0x4040]  }
0x112: {  	vm7 =	vgt.f32 v13, $0.0e+00;
	v6 =	vmul.f32 $2.048000000e+03, v12;
	v3 =	vadd.f32 v12, v3;
	v15 =	vld [tilespmem:s4+$0x40]  }
0x113: {  	v10 =	vmul.f32 v16, v10;
	v13 =	vadd.f32 $1.000000000e+00, v4;
	v16 =	vadd.f32 v4, v4;
	v18 =	vld [tilespmem:s4+$0x4050]  }
0x114: {  	v4 =	vsub.f32 v7, v9;
	v9 =	vmul.f32 $2.048000000e+03, v8;
	v3 =	vadd.f32 v8, v3;
	v27 =	vld [tilespmem:s4+$0x50]  }
0x115: {  	v12 =	vmul.f32 v12, v16;
	v28 =	vadd.f32 $1.000000000e+00, v14;
	v14 =	vadd.f32 v14, v14;
	v29 =	vld [tilespmem:s4+$0x4060]  }
0x116: {  	v30 =	vmul.f32 $2.560000000e+02, v4;
	v7 =	vsub.f32 v11, v10;
	v3 =	vadd.f32 v17, v3;
	v11 =	vld [tilespmem:s4+$0x60]  }
0x117: {  	v10 =	vmul.f32 v8, v14;
	v14 =	vadd.f32 $1.000000000e+00, v15;
	v16 =	vadd.f32 v15, v15;
	v31 =	vld [tilespmem:s4+$0x4070]  }
0x118: {  	v15 =	vmul.f32 $2.560000000e+02, v7;
	v8 =	vsub.f32 v13, v12;
	v3 =	vadd.f32 v18, v3;
	v13 =	vld [tilespmem:s4+$0x70]  }
0x119: {  	v12 =	vmul.f32 v17, v16;
	v32 =	vadd.f32 $1.000000000e+00, v27;
	v27 =	vadd.f32 v27, v27;
	[tilespmem:v19+s26+$0x0] =	vst.idx.add.f32.msk vm0, v1  }
0x11a: {  	v16 =	vmul.f32 $2.560000000e+02, v8;
	v10 =	vsub.f32 v28, v10;
	v3 =	vadd.f32 v29, v3;
	[tilespmem:v20+s26+$0x0] =	vst.idx.add.f32.msk vm1, v1  }
0x11b: {  	v19 =	vmul.f32 v18, v27;
	v27 =	vadd.f32 $1.000000000e+00, v11;
	v11 =	vadd.f32 v11, v11;
	[tilespmem:v21+s26+$0x0] =	vst.idx.add.f32.msk vm2, v1  }
0x11c: {  	v20 =	vmul.f32 $2.560000000e+02, v10;
	v12 =	vsub.f32 v14, v12;
	v3 =	vadd.f32 v31, v3;
	[tilespmem:v22+s26+$0x0] =	vst.idx.add.f32.msk vm4, v1  }
.Ltmp3:
0x11d: {  	v11 =	vmul.f32 v29, v11;
	v21 =	vadd.f32 $1.000000000e+00, v13;
	v13 =	vadd.f32 v13, v13;
	[tilespmem:v23+s26+$0x0] =	vst.idx.add.f32.msk vm5, v1;
	(pc) =	sbr.rel @p0 .LBB2_8-.Ltmp3, $4  }
0x11e: {  	v17 =	vmul.f32 $2.048000000e+03, v17;
	v22 =	vmul.f32 $2.560000000e+02, v12;
	v14 =	vsub.f32 v32, v19;
	[tilespmem:v24+s26+$0x0] =	vst.idx.add.f32.msk vm3, v1  }
0x11f: {  	v18 =	vmul.f32 $2.048000000e+03, v18;
	v11 =	vsub.f32 v27, v11;
	v13 =	vmul.f32 v31, v13;
	[tilespmem:v25+s26+$0x0] =	vst.idx.add.f32.msk vm6, v1  }
0x120: {  	v23 =	vmin.f32 v30, $2.047500000e+03;
	v19 =	vmul.f32 $2.048000000e+03, v29;
	v25 =	vmul.f32 $2.560000000e+02, v14;
	[tilespmem:v26+s26+$0x0] =	vst.idx.add.f32.msk vm7, v1  }
0x121: {  	v24 =	vmul.f32 $2.560000000e+02, v11;
	v13 =	vsub.f32 v21, v13;
	v21 =	vmul.f32 $2.048000000e+03, v31  }
0x122: {  	v15 =	vmin.f32 v15, $2.047500000e+03;
	v16 =	vmin.f32 v16, $2.047500000e+03  }
0x123: {  	v20 =	vmin.f32 v20, $2.047500000e+03;
	v22 =	vmin.f32 v22, $2.047500000e+03;
	v25 =	vmin.f32 v25, $2.047500000e+03  }
0x124: {  	v2 =	vadd.f32 v23, v2;
	vm0 =	vgt.f32 v4, $0.0e+00;
	vm1 =	vgt.f32 v7, $0.0e+00  }
0x125: {  	vm2 =	vgt.f32 v8, $0.0e+00;
	vm3 =	vgt.f32 v10, $0.0e+00;
	vm4 =	vgt.f32 v12, $0.0e+00  }
0x126: {  	v26 =	vmul.f32 $2.560000000e+02, v13;
	v5 =	vadd.f32 v15, v5;
	v15 =	vmin.f32 v24, $2.047500000e+03  }
0x127: {  	v6 =	vadd.f32 v16, v6;
	v9 =	vadd.f32 v20, v9;
	v2 =	vtrunc.f32 v2  }
0x128: {  	v17 =	vadd.f32 v22, v17;
	v5 =	vtrunc.f32 v5;
	v2 =	vcvt.f32.s32 v2  }
0x129: {  	v18 =	vadd.f32 v25, v18;
	v4 =	vtrunc.f32 v6;
	v5 =	vcvt.f32.s32 v5  }
0x12a: {  	v15 =	vadd.f32 v15, v19;
	v6 =	vtrunc.f32 v9;
	v4 =	vcvt.f32.s32 v4  }
0x12b: {  	v16 =	vmin.f32 v26, $2.047500000e+03;
	v7 =	vtrunc.f32 v17;
	v6 =	vcvt.f32.s32 v6  }
0x12c: {  	v8 =	vtrunc.f32 v18;
	v16 =	vadd.f32 v16, v21;
	v7 =	vcvt.f32.s32 v7  }
0x12d: {  	vm5 =	vgt.f32 v14, $0.0e+00;
	v9 =	vtrunc.f32 v15;
	v8 =	vcvt.f32.s32 v8  }
0x12e: {  	vm6 =	vgt.f32 v11, $0.0e+00;
	v9 =	vcvt.f32.s32 v9;
	v10 =	vtrunc.f32 v16;
	[tilespmem:v2+s26+$0x0] =	vst.idx.add.f32.msk vm0, v1  }
0x12f: {  	vm15 =	vgt.f32 v13, $0.0e+00;
	v2 =	vcvt.f32.s32 v10;
	[tilespmem:v5+s26+$0x0] =	vst.idx.add.f32.msk vm1, v1  }
0x130: {  	[tilespmem:v4+s26+$0x0] =	vst.idx.add.f32.msk vm2, v1  }
0x131: {  	[tilespmem:v6+s26+$0x0] =	vst.idx.add.f32.msk vm3, v1  }
0x132: {  	[tilespmem:v7+s26+$0x0] =	vst.idx.add.f32.msk vm4, v1  }
0x133: {  	[tilespmem:v8+s26+$0x0] =	vst.idx.add.f32.msk vm5, v1  }
0x134: {  	[tilespmem:v9+s26+$0x0] =	vst.idx.add.f32.msk vm6, v1  }
0x135: {  	s29 =	simm.s32 $0x0;
	[tilespmem:v2+s26+$0x0] =	vst.idx.add.f32.msk vm15, v1  }
0x136: {  	[tilespmem:s29], [sflag:$0x1] =	stream.linear.gather [hbm4b:s11+s29], $0x2000, $0x38;
	[tilespmem:$0x9080] =	vst v63  }
0x137: {  	_ = 	snop  }
0x138: {  	[tilespmem:s22], [sflag:$0x1] =	stream.linear.gather [hbm4b:s12+s29], $0x2000, $0x38;
	[tilespmem:$0x9080] =	vst v63  }
0x139: {  	_ =	swait.ge [sflag:s28], $0x2000  }
0x13a: {  	[sflag:s28] =	ssyncset.done $0x0  }
0x13b: {  	[sflag:s28] =	ssyncadd.s32 $0xFFFFE000  }
0x13c: {  	s1 =	sand.u32 $0x1000, s29;
	s3 =	sand.u32 $0xC00, s29;
	_ =	swait.ge [sflag:s28], $0x2000  }
0x13d: {  	s5 =	sand.u32 $0x380, s29;
	s1 =	sor.u32 s3, s1;
	[sflag:s28] =	ssyncset.done $0x0  }
0x13e: {  	s1 =	sor.u32 s5, s1;
	[sflag:s28] =	ssyncadd.s32 $0xFFFFE000  }
0x13f: {  	v4 =	vld [tilespmem:s1+$0x6000]  }
0x140: {  	v5 =	vld [tilespmem:s1+$0x2000]  }
0x141: {  	v7 =	vld [tilespmem:s1+$0x6010]  }
0x142: {  	v6 =	vld [tilespmem:s1+$0x2010]  }
0x143: {  	v8 =	vld [tilespmem:s1+$0x6020]  }
0x144: {  	v9 =	vld [tilespmem:s1+$0x2020]  }
0x145: {  	v20 =	vld [tilespmem:s1+$0x2060]  }
0x146: {  	v22 =	vld [tilespmem:s1+$0x2070]  }
0x147: {  	v3 =	vadd.f32 v4, v3;
	v10 =	vadd.f32 v5, v5  }
0x148: {  	v13 =	vld [tilespmem:s1+$0x2030];
	v2 =	vmul.f32 $2.048000000e+03, v4;
	v12 =	vadd.f32 $1.000000000e+00, v5;
	v15 =	vadd.f32 $1.000000000e+00, v6  }
0x149: {  	v11 =	vld [tilespmem:s1+$0x6030];
	v5 =	vmul.f32 $2.048000000e+03, v7;
	v17 =	vadd.f32 v9, v9;
	v3 =	vadd.f32 v7, v3  }
0x14a: {  	v16 =	vld [tilespmem:s1+$0x2040];
	v25 =	vadd.f32 $1.000000000e+00, v20;
	v4 =	vmul.f32 v4, v10;
	v10 =	vadd.f32 v6, v6  }
0x14b: {  	v14 =	vld [tilespmem:s1+$0x6040];
	v27 =	vadd.f32 $1.000000000e+00, v22;
	v6 =	vmul.f32 $2.048000000e+03, v8;
	v3 =	vadd.f32 v8, v3  }
0x14c: {  	v7 =	vmul.f32 v7, v10;
	v10 =	vadd.f32 $1.000000000e+00, v9;
	v4 =	vsub.f32 v12, v4  }
0x14d: {  	v12 =	vld [tilespmem:s1+$0x2050];
	v8 =	vmul.f32 v8, v17;
	v17 =	vadd.f32 $1.000000000e+00, v13;
	v13 =	vadd.f32 v13, v13  }
0x14e: {  	v18 =	vld [tilespmem:s1+$0x6050];
	v9 =	vmul.f32 $2.048000000e+03, v11;
	v3 =	vadd.f32 v11, v3;
	v7 =	vsub.f32 v15, v7  }
0x14f: {  	v19 =	vld [tilespmem:s1+$0x6060];
	v11 =	vmul.f32 v11, v13;
	v13 =	vadd.f32 $1.000000000e+00, v16;
	v16 =	vadd.f32 v16, v16  }
0x150: {  	v21 =	vmul.f32 $2.560000000e+02, v4;
	v8 =	vsub.f32 v10, v8;
	v3 =	vadd.f32 v14, v3  }
0x151: {  	v15 =	vmul.f32 $2.560000000e+02, v7;
	v10 =	vsub.f32 v17, v11;
	v17 =	vadd.f32 v20, v20  }
0x152: {  	v26 =	vld [tilespmem:s1+$0x6070];
	v23 =	vmul.f32 v14, v16;
	v24 =	vadd.f32 $1.000000000e+00, v12;
	v12 =	vadd.f32 v12, v12  }
0x153: {  	v16 =	vmul.f32 $2.560000000e+02, v8;
	v3 =	vadd.f32 v18, v3;
	v20 =	vmul.f32 $2.560000000e+02, v10  }
0x154: {  	v11 =	vmul.f32 v18, v12;
	v12 =	vsub.f32 v13, v23;
	v13 =	vmul.f32 v19, v17  }
0x155: {  	v23 =	vadd.f32 v22, v22;
	v17 =	vmul.f32 $2.048000000e+03, v14;
	v18 =	vmul.f32 $2.048000000e+03, v18  }
0x156: {  	v3 =	vadd.f32 v19, v3;
	v19 =	vmul.f32 $2.048000000e+03, v19;
	v22 =	vmul.f32 $2.560000000e+02, v12  }
0x157: {  	v14 =	vsub.f32 v24, v11;
	v11 =	vsub.f32 v25, v13;
	v13 =	vmul.f32 v26, v23  }
0x158: {  	v23 =	vmin.f32 v21, $2.047500000e+03;
	v21 =	vmul.f32 $2.048000000e+03, v26;
	v3 =	vadd.f32 v26, v3  }
0x159: {  	s30 =	simm.s32 $0x0;
	s3 =	simm.s32 $0x0;
	s1 =	simm.s32 $0x0;
	v25 =	vmul.f32 $2.560000000e+02, v14;
	v24 =	vmul.f32 $2.560000000e+02, v11;
	v13 =	vsub.f32 v27, v13  }
.LBB2_10:
0x15a: {  	s30 =	sadd.s32 $0x8, s30;
	v15 =	vmin.f32 v15, $2.047500000e+03;
	v16 =	vmin.f32 v16, $2.047500000e+03;
	v20 =	vmin.f32 v20, $2.047500000e+03  }
0x15b: {  	v22 =	vmin.f32 v22, $2.047500000e+03;
	v25 =	vmin.f32 v25, $2.047500000e+03;
	p0 =	slt.u32 s30, $0x1F8;
	v26 =	vmul.f32 $2.560000000e+02, v13  }
0x15c: {  	v2 =	vadd.f32 v23, v2;
	v5 =	vadd.f32 v15, v5;
	v15 =	vmin.f32 v24, $2.047500000e+03  }
0x15d: {  	s29 =	sadd.s32 $0x400, s29;
	s1 =	sadd.s32 $0x80, s1;
	v6 =	vadd.f32 v16, v6;
	v9 =	vadd.f32 v20, v9;
	v16 =	vmin.f32 v26, $2.047500000e+03  }
0x15e: {  	s3 =	sadd.s32 $0x20, s3;
	s4 =	sand.u32 $0x1000, s1;
	s5 =	sand.u32 $0xC00, s29;
	v17 =	vadd.f32 v22, v17;
	v18 =	vadd.f32 v25, v18;
	v2 =	vtrunc.f32 v2  }
0x15f: {  	s4 =	sor.u32 s5, s4;
	s5 =	sand.u32 $0x380, s3;
	v15 =	vadd.f32 v15, v19;
	v5 =	vtrunc.f32 v5;
	v16 =	vadd.f32 v16, v21  }
0x160: {  	vm0 =	vgt.f32 v4, $0.0e+00;
	s4 =	sor.u32 s5, s4;
	v4 =	vtrunc.f32 v6;
	v6 =	vtrunc.f32 v9  }
0x161: {  	vm1 =	vgt.f32 v7, $0.0e+00;
	v7 =	vtrunc.f32 v17;
	v17 =	vtrunc.f32 v18;
	v9 =	vld [tilespmem:s4+$0x6000]  }
0x162: {  	vm2 =	vgt.f32 v8, $0.0e+00;
	v8 =	vtrunc.f32 v15;
	v15 =	vtrunc.f32 v16;
	v18 =	vld [tilespmem:s4+$0x2000]  }
0x163: {  	vm4 =	vgt.f32 v10, $0.0e+00;
	v19 =	vcvt.f32.s32 v2;
	v20 =	vcvt.f32.s32 v5;
	v16 =	vld [tilespmem:s4+$0x6010]  }
0x164: {  	vm5 =	vgt.f32 v12, $0.0e+00;
	v21 =	vcvt.f32.s32 v4;
	v22 =	vcvt.f32.s32 v6;
	v10 =	vld [tilespmem:s4+$0x2010]  }
0x165: {  	vm3 =	vgt.f32 v14, $0.0e+00;
	v23 =	vcvt.f32.s32 v7;
	v24 =	vcvt.f32.s32 v17;
	v12 =	vld [tilespmem:s4+$0x6020]  }
0x166: {  	v25 =	vcvt.f32.s32 v8;
	v2 =	vmul.f32 $2.048000000e+03, v9;
	v3 =	vadd.f32 v9, v3;
	v4 =	vld [tilespmem:s4+$0x2020]  }
0x167: {  	v26 =	vcvt.f32.s32 v15;
	v7 =	vadd.f32 $1.000000000e+00, v18;
	v6 =	vadd.f32 v18, v18;
	v8 =	vld [tilespmem:s4+$0x6030]  }
0x168: {  	vm6 =	vgt.f32 v11, $0.0e+00;
	v5 =	vmul.f32 $2.048000000e+03, v16;
	v3 =	vadd.f32 v16, v3;
	v14 =	vld [tilespmem:s4+$0x2030]  }
0x169: {  	v9 =	vmul.f32 v9, v6;
	v11 =	vadd.f32 $1.000000000e+00, v10;
	v10 =	vadd.f32 v10, v10;
	v17 =	vld [tilespmem:s4+$0x6040]  }
0x16a: {  	vm7 =	vgt.f32 v13, $0.0e+00;
	v6 =	vmul.f32 $2.048000000e+03, v12;
	v3 =	vadd.f32 v12, v3;
	v15 =	vld [tilespmem:s4+$0x2040]  }
0x16b: {  	v10 =	vmul.f32 v16, v10;
	v13 =	vadd.f32 $1.000000000e+00, v4;
	v16 =	vadd.f32 v4, v4;
	v18 =	vld [tilespmem:s4+$0x6050]  }
0x16c: {  	v4 =	vsub.f32 v7, v9;
	v9 =	vmul.f32 $2.048000000e+03, v8;
	v3 =	vadd.f32 v8, v3;
	v27 =	vld [tilespmem:s4+$0x2050]  }
0x16d: {  	v12 =	vmul.f32 v12, v16;
	v28 =	vadd.f32 $1.000000000e+00, v14;
	v14 =	vadd.f32 v14, v14;
	v29 =	vld [tilespmem:s4+$0x6060]  }
0x16e: {  	v30 =	vmul.f32 $2.560000000e+02, v4;
	v7 =	vsub.f32 v11, v10;
	v3 =	vadd.f32 v17, v3;
	v11 =	vld [tilespmem:s4+$0x2060]  }
0x16f: {  	v10 =	vmul.f32 v8, v14;
	v14 =	vadd.f32 $1.000000000e+00, v15;
	v16 =	vadd.f32 v15, v15;
	v31 =	vld [tilespmem:s4+$0x6070]  }
0x170: {  	v15 =	vmul.f32 $2.560000000e+02, v7;
	v8 =	vsub.f32 v13, v12;
	v3 =	vadd.f32 v18, v3;
	v13 =	vld [tilespmem:s4+$0x2070]  }
0x171: {  	v12 =	vmul.f32 v17, v16;
	v32 =	vadd.f32 $1.000000000e+00, v27;
	v27 =	vadd.f32 v27, v27;
	[tilespmem:v19+s26+$0x0] =	vst.idx.add.f32.msk vm0, v1  }
0x172: {  	v16 =	vmul.f32 $2.560000000e+02, v8;
	v10 =	vsub.f32 v28, v10;
	v3 =	vadd.f32 v29, v3;
	[tilespmem:v20+s26+$0x0] =	vst.idx.add.f32.msk vm1, v1  }
0x173: {  	v19 =	vmul.f32 v18, v27;
	v27 =	vadd.f32 $1.000000000e+00, v11;
	v11 =	vadd.f32 v11, v11;
	[tilespmem:v21+s26+$0x0] =	vst.idx.add.f32.msk vm2, v1  }
0x174: {  	v20 =	vmul.f32 $2.560000000e+02, v10;
	v12 =	vsub.f32 v14, v12;
	v3 =	vadd.f32 v31, v3;
	[tilespmem:v22+s26+$0x0] =	vst.idx.add.f32.msk vm4, v1  }
.Ltmp4:
0x175: {  	v11 =	vmul.f32 v29, v11;
	v21 =	vadd.f32 $1.000000000e+00, v13;
	v13 =	vadd.f32 v13, v13;
	[tilespmem:v23+s26+$0x0] =	vst.idx.add.f32.msk vm5, v1;
	(pc) =	sbr.rel @p0 .LBB2_10-.Ltmp4, $4  }
0x176: {  	v17 =	vmul.f32 $2.048000000e+03, v17;
	v22 =	vmul.f32 $2.560000000e+02, v12;
	v14 =	vsub.f32 v32, v19;
	[tilespmem:v24+s26+$0x0] =	vst.idx.add.f32.msk vm3, v1  }
0x177: {  	v18 =	vmul.f32 $2.048000000e+03, v18;
	v11 =	vsub.f32 v27, v11;
	v13 =	vmul.f32 v31, v13;
	[tilespmem:v25+s26+$0x0] =	vst.idx.add.f32.msk vm6, v1  }
0x178: {  	v23 =	vmin.f32 v30, $2.047500000e+03;
	v19 =	vmul.f32 $2.048000000e+03, v29;
	v25 =	vmul.f32 $2.560000000e+02, v14;
	[tilespmem:v26+s26+$0x0] =	vst.idx.add.f32.msk vm7, v1  }
0x179: {  	v24 =	vmul.f32 $2.560000000e+02, v11;
	v13 =	vsub.f32 v21, v13;
	v21 =	vmul.f32 $2.048000000e+03, v31  }
0x17a: {  	v15 =	vmin.f32 v15, $2.047500000e+03;
	v16 =	vmin.f32 v16, $2.047500000e+03  }
0x17b: {  	v20 =	vmin.f32 v20, $2.047500000e+03;
	v22 =	vmin.f32 v22, $2.047500000e+03;
	v25 =	vmin.f32 v25, $2.047500000e+03  }
0x17c: {  	v2 =	vadd.f32 v23, v2;
	vm0 =	vgt.f32 v4, $0.0e+00;
	vm1 =	vgt.f32 v7, $0.0e+00  }
0x17d: {  	vm2 =	vgt.f32 v8, $0.0e+00;
	vm3 =	vgt.f32 v10, $0.0e+00;
	vm4 =	vgt.f32 v12, $0.0e+00  }
0x17e: {  	v26 =	vmul.f32 $2.560000000e+02, v13;
	v5 =	vadd.f32 v15, v5;
	v15 =	vmin.f32 v24, $2.047500000e+03  }
0x17f: {  	v6 =	vadd.f32 v16, v6;
	v9 =	vadd.f32 v20, v9;
	v2 =	vtrunc.f32 v2  }
0x180: {  	v17 =	vadd.f32 v22, v17;
	v5 =	vtrunc.f32 v5;
	v2 =	vcvt.f32.s32 v2  }
0x181: {  	v18 =	vadd.f32 v25, v18;
	v4 =	vtrunc.f32 v6;
	v5 =	vcvt.f32.s32 v5  }
0x182: {  	v15 =	vadd.f32 v15, v19;
	v6 =	vtrunc.f32 v9;
	v4 =	vcvt.f32.s32 v4  }
0x183: {  	v16 =	vmin.f32 v26, $2.047500000e+03;
	v7 =	vtrunc.f32 v17;
	v6 =	vcvt.f32.s32 v6  }
0x184: {  	v8 =	vtrunc.f32 v18;
	v16 =	vadd.f32 v16, v21;
	v7 =	vcvt.f32.s32 v7  }
0x185: {  	vm5 =	vgt.f32 v14, $0.0e+00;
	v9 =	vtrunc.f32 v15;
	v8 =	vcvt.f32.s32 v8  }
0x186: {  	vm6 =	vgt.f32 v11, $0.0e+00;
	v9 =	vcvt.f32.s32 v9;
	v10 =	vtrunc.f32 v16;
	[tilespmem:v2+s26+$0x0] =	vst.idx.add.f32.msk vm0, v1  }
0x187: {  	vm15 =	vgt.f32 v13, $0.0e+00;
	v2 =	vcvt.f32.s32 v10;
	[tilespmem:v5+s26+$0x0] =	vst.idx.add.f32.msk vm1, v1  }
0x188: {  	[tilespmem:v4+s26+$0x0] =	vst.idx.add.f32.msk vm2, v1  }
0x189: {  	[tilespmem:v6+s26+$0x0] =	vst.idx.add.f32.msk vm3, v1  }
0x18a: {  	[tilespmem:v7+s26+$0x0] =	vst.idx.add.f32.msk vm4, v1  }
0x18b: {  	[tilespmem:v8+s26+$0x0] =	vst.idx.add.f32.msk vm5, v1  }
0x18c: {  	[tilespmem:v9+s26+$0x0] =	vst.idx.add.f32.msk vm6, v1  }
0x18d: {  	s29 =	simm.s32 $0x0;
	[tilespmem:v2+s26+$0x0] =	vst.idx.add.f32.msk vm15, v1  }
0x18e: {  	[tilespmem:s23], [sflag:$0x2] =	stream.linear.gather [hbm4b:s13+s29], $0x2000, $0x38;
	[tilespmem:$0x9080] =	vst v63  }
0x18f: {  	_ = 	snop  }
0x190: {  	[tilespmem:s24], [sflag:$0x2] =	stream.linear.gather [hbm4b:s14+s29], $0x2000, $0x38;
	[tilespmem:$0x9080] =	vst v63  }
0x191: {  	_ =	swait.ge [sflag:s25], $0x2000  }
0x192: {  	[sflag:s25] =	ssyncset.done $0x0  }
0x193: {  	[sflag:s25] =	ssyncadd.s32 $0xFFFFE000  }
0x194: {  	s1 =	sand.u32 $0x1000, s29;
	s3 =	sand.u32 $0xC00, s29;
	_ =	swait.ge [sflag:s25], $0x2000  }
0x195: {  	s5 =	sand.u32 $0x380, s29;
	s1 =	sor.u32 s3, s1;
	[sflag:s25] =	ssyncset.done $0x0  }
0x196: {  	s1 =	sor.u32 s5, s1;
	[sflag:s25] =	ssyncadd.s32 $0xFFFFE000  }
0x197: {  	v4 =	vld [tilespmem:s1+$0x4000]  }
0x198: {  	v5 =	vld [tilespmem:s1+$0x0]  }
0x199: {  	v7 =	vld [tilespmem:s1+$0x4010]  }
0x19a: {  	v6 =	vld [tilespmem:s1+$0x10]  }
0x19b: {  	v8 =	vld [tilespmem:s1+$0x4020]  }
0x19c: {  	v9 =	vld [tilespmem:s1+$0x20]  }
0x19d: {  	v20 =	vld [tilespmem:s1+$0x60]  }
0x19e: {  	v22 =	vld [tilespmem:s1+$0x70]  }
0x19f: {  	v3 =	vadd.f32 v4, v3;
	v10 =	vadd.f32 v5, v5  }
0x1a0: {  	v13 =	vld [tilespmem:s1+$0x30];
	v2 =	vmul.f32 $2.048000000e+03, v4;
	v12 =	vadd.f32 $1.000000000e+00, v5;
	v15 =	vadd.f32 $1.000000000e+00, v6  }
0x1a1: {  	v11 =	vld [tilespmem:s1+$0x4030];
	v5 =	vmul.f32 $2.048000000e+03, v7;
	v17 =	vadd.f32 v9, v9;
	v3 =	vadd.f32 v7, v3  }
0x1a2: {  	v16 =	vld [tilespmem:s1+$0x40];
	v25 =	vadd.f32 $1.000000000e+00, v20;
	v4 =	vmul.f32 v4, v10;
	v10 =	vadd.f32 v6, v6  }
0x1a3: {  	v14 =	vld [tilespmem:s1+$0x4040];
	v27 =	vadd.f32 $1.000000000e+00, v22;
	v6 =	vmul.f32 $2.048000000e+03, v8;
	v3 =	vadd.f32 v8, v3  }
0x1a4: {  	v7 =	vmul.f32 v7, v10;
	v10 =	vadd.f32 $1.000000000e+00, v9;
	v4 =	vsub.f32 v12, v4  }
0x1a5: {  	v12 =	vld [tilespmem:s1+$0x50];
	v8 =	vmul.f32 v8, v17;
	v17 =	vadd.f32 $1.000000000e+00, v13;
	v13 =	vadd.f32 v13, v13  }
0x1a6: {  	v18 =	vld [tilespmem:s1+$0x4050];
	v9 =	vmul.f32 $2.048000000e+03, v11;
	v3 =	vadd.f32 v11, v3;
	v7 =	vsub.f32 v15, v7  }
0x1a7: {  	v19 =	vld [tilespmem:s1+$0x4060];
	v11 =	vmul.f32 v11, v13;
	v13 =	vadd.f32 $1.000000000e+00, v16;
	v16 =	vadd.f32 v16, v16  }
0x1a8: {  	v21 =	vmul.f32 $2.560000000e+02, v4;
	v8 =	vsub.f32 v10, v8;
	v3 =	vadd.f32 v14, v3  }
0x1a9: {  	v15 =	vmul.f32 $2.560000000e+02, v7;
	v10 =	vsub.f32 v17, v11;
	v17 =	vadd.f32 v20, v20  }
0x1aa: {  	v26 =	vld [tilespmem:s1+$0x4070];
	v23 =	vmul.f32 v14, v16;
	v24 =	vadd.f32 $1.000000000e+00, v12;
	v12 =	vadd.f32 v12, v12  }
0x1ab: {  	v16 =	vmul.f32 $2.560000000e+02, v8;
	v3 =	vadd.f32 v18, v3;
	v20 =	vmul.f32 $2.560000000e+02, v10  }
0x1ac: {  	v11 =	vmul.f32 v18, v12;
	v12 =	vsub.f32 v13, v23;
	v13 =	vmul.f32 v19, v17  }
0x1ad: {  	v23 =	vadd.f32 v22, v22;
	v17 =	vmul.f32 $2.048000000e+03, v14;
	v18 =	vmul.f32 $2.048000000e+03, v18  }
0x1ae: {  	v3 =	vadd.f32 v19, v3;
	v19 =	vmul.f32 $2.048000000e+03, v19;
	v22 =	vmul.f32 $2.560000000e+02, v12  }
0x1af: {  	v14 =	vsub.f32 v24, v11;
	v11 =	vsub.f32 v25, v13;
	v13 =	vmul.f32 v26, v23  }
0x1b0: {  	v23 =	vmin.f32 v21, $2.047500000e+03;
	v21 =	vmul.f32 $2.048000000e+03, v26;
	v3 =	vadd.f32 v26, v3  }
0x1b1: {  	s30 =	simm.s32 $0x0;
	s3 =	simm.s32 $0x0;
	s1 =	simm.s32 $0x0;
	v25 =	vmul.f32 $2.560000000e+02, v14;
	v24 =	vmul.f32 $2.560000000e+02, v11;
	v13 =	vsub.f32 v27, v13  }
.LBB2_12:
0x1b2: {  	s30 =	sadd.s32 $0x8, s30;
	v15 =	vmin.f32 v15, $2.047500000e+03;
	v16 =	vmin.f32 v16, $2.047500000e+03;
	v20 =	vmin.f32 v20, $2.047500000e+03  }
0x1b3: {  	v22 =	vmin.f32 v22, $2.047500000e+03;
	v25 =	vmin.f32 v25, $2.047500000e+03;
	p0 =	slt.u32 s30, $0x1F8;
	v26 =	vmul.f32 $2.560000000e+02, v13  }
0x1b4: {  	v2 =	vadd.f32 v23, v2;
	v5 =	vadd.f32 v15, v5;
	v15 =	vmin.f32 v24, $2.047500000e+03  }
0x1b5: {  	s29 =	sadd.s32 $0x400, s29;
	s1 =	sadd.s32 $0x80, s1;
	v6 =	vadd.f32 v16, v6;
	v9 =	vadd.f32 v20, v9;
	v16 =	vmin.f32 v26, $2.047500000e+03  }
0x1b6: {  	s3 =	sadd.s32 $0x20, s3;
	s4 =	sand.u32 $0x1000, s1;
	s5 =	sand.u32 $0xC00, s29;
	v17 =	vadd.f32 v22, v17;
	v18 =	vadd.f32 v25, v18;
	v2 =	vtrunc.f32 v2  }
0x1b7: {  	s4 =	sor.u32 s5, s4;
	s5 =	sand.u32 $0x380, s3;
	v15 =	vadd.f32 v15, v19;
	v5 =	vtrunc.f32 v5;
	v16 =	vadd.f32 v16, v21  }
0x1b8: {  	vm0 =	vgt.f32 v4, $0.0e+00;
	s4 =	sor.u32 s5, s4;
	v4 =	vtrunc.f32 v6;
	v6 =	vtrunc.f32 v9  }
0x1b9: {  	vm1 =	vgt.f32 v7, $0.0e+00;
	v7 =	vtrunc.f32 v17;
	v17 =	vtrunc.f32 v18;
	v9 =	vld [tilespmem:s4+$0x4000]  }
0x1ba: {  	vm2 =	vgt.f32 v8, $0.0e+00;
	v8 =	vtrunc.f32 v15;
	v15 =	vtrunc.f32 v16;
	v18 =	vld [tilespmem:s4+$0x0]  }
0x1bb: {  	vm4 =	vgt.f32 v10, $0.0e+00;
	v19 =	vcvt.f32.s32 v2;
	v20 =	vcvt.f32.s32 v5;
	v16 =	vld [tilespmem:s4+$0x4010]  }
0x1bc: {  	vm5 =	vgt.f32 v12, $0.0e+00;
	v21 =	vcvt.f32.s32 v4;
	v22 =	vcvt.f32.s32 v6;
	v10 =	vld [tilespmem:s4+$0x10]  }
0x1bd: {  	vm3 =	vgt.f32 v14, $0.0e+00;
	v23 =	vcvt.f32.s32 v7;
	v24 =	vcvt.f32.s32 v17;
	v12 =	vld [tilespmem:s4+$0x4020]  }
0x1be: {  	v25 =	vcvt.f32.s32 v8;
	v2 =	vmul.f32 $2.048000000e+03, v9;
	v3 =	vadd.f32 v9, v3;
	v4 =	vld [tilespmem:s4+$0x20]  }
0x1bf: {  	v26 =	vcvt.f32.s32 v15;
	v7 =	vadd.f32 $1.000000000e+00, v18;
	v6 =	vadd.f32 v18, v18;
	v8 =	vld [tilespmem:s4+$0x4030]  }
0x1c0: {  	vm6 =	vgt.f32 v11, $0.0e+00;
	v5 =	vmul.f32 $2.048000000e+03, v16;
	v3 =	vadd.f32 v16, v3;
	v14 =	vld [tilespmem:s4+$0x30]  }
0x1c1: {  	v9 =	vmul.f32 v9, v6;
	v11 =	vadd.f32 $1.000000000e+00, v10;
	v10 =	vadd.f32 v10, v10;
	v17 =	vld [tilespmem:s4+$0x4040]  }
0x1c2: {  	vm7 =	vgt.f32 v13, $0.0e+00;
	v6 =	vmul.f32 $2.048000000e+03, v12;
	v3 =	vadd.f32 v12, v3;
	v15 =	vld [tilespmem:s4+$0x40]  }
0x1c3: {  	v10 =	vmul.f32 v16, v10;
	v13 =	vadd.f32 $1.000000000e+00, v4;
	v16 =	vadd.f32 v4, v4;
	v18 =	vld [tilespmem:s4+$0x4050]  }
0x1c4: {  	v4 =	vsub.f32 v7, v9;
	v9 =	vmul.f32 $2.048000000e+03, v8;
	v3 =	vadd.f32 v8, v3;
	v27 =	vld [tilespmem:s4+$0x50]  }
0x1c5: {  	v12 =	vmul.f32 v12, v16;
	v28 =	vadd.f32 $1.000000000e+00, v14;
	v14 =	vadd.f32 v14, v14;
	v29 =	vld [tilespmem:s4+$0x4060]  }
0x1c6: {  	v30 =	vmul.f32 $2.560000000e+02, v4;
	v7 =	vsub.f32 v11, v10;
	v3 =	vadd.f32 v17, v3;
	v11 =	vld [tilespmem:s4+$0x60]  }
0x1c7: {  	v10 =	vmul.f32 v8, v14;
	v14 =	vadd.f32 $1.000000000e+00, v15;
	v16 =	vadd.f32 v15, v15;
	v31 =	vld [tilespmem:s4+$0x4070]  }
0x1c8: {  	v15 =	vmul.f32 $2.560000000e+02, v7;
	v8 =	vsub.f32 v13, v12;
	v3 =	vadd.f32 v18, v3;
	v13 =	vld [tilespmem:s4+$0x70]  }
0x1c9: {  	v12 =	vmul.f32 v17, v16;
	v32 =	vadd.f32 $1.000000000e+00, v27;
	v27 =	vadd.f32 v27, v27;
	[tilespmem:v19+s26+$0x0] =	vst.idx.add.f32.msk vm0, v1  }
0x1ca: {  	v16 =	vmul.f32 $2.560000000e+02, v8;
	v10 =	vsub.f32 v28, v10;
	v3 =	vadd.f32 v29, v3;
	[tilespmem:v20+s26+$0x0] =	vst.idx.add.f32.msk vm1, v1  }
0x1cb: {  	v19 =	vmul.f32 v18, v27;
	v27 =	vadd.f32 $1.000000000e+00, v11;
	v11 =	vadd.f32 v11, v11;
	[tilespmem:v21+s26+$0x0] =	vst.idx.add.f32.msk vm2, v1  }
0x1cc: {  	v20 =	vmul.f32 $2.560000000e+02, v10;
	v12 =	vsub.f32 v14, v12;
	v3 =	vadd.f32 v31, v3;
	[tilespmem:v22+s26+$0x0] =	vst.idx.add.f32.msk vm4, v1  }
.Ltmp5:
0x1cd: {  	v11 =	vmul.f32 v29, v11;
	v21 =	vadd.f32 $1.000000000e+00, v13;
	v13 =	vadd.f32 v13, v13;
	[tilespmem:v23+s26+$0x0] =	vst.idx.add.f32.msk vm5, v1;
	(pc) =	sbr.rel @p0 .LBB2_12-.Ltmp5, $4  }
0x1ce: {  	v17 =	vmul.f32 $2.048000000e+03, v17;
	v22 =	vmul.f32 $2.560000000e+02, v12;
	v14 =	vsub.f32 v32, v19;
	[tilespmem:v24+s26+$0x0] =	vst.idx.add.f32.msk vm3, v1  }
0x1cf: {  	v18 =	vmul.f32 $2.048000000e+03, v18;
	v11 =	vsub.f32 v27, v11;
	v13 =	vmul.f32 v31, v13;
	[tilespmem:v25+s26+$0x0] =	vst.idx.add.f32.msk vm6, v1  }
0x1d0: {  	v23 =	vmin.f32 v30, $2.047500000e+03;
	v19 =	vmul.f32 $2.048000000e+03, v29;
	v25 =	vmul.f32 $2.560000000e+02, v14;
	[tilespmem:v26+s26+$0x0] =	vst.idx.add.f32.msk vm7, v1  }
0x1d1: {  	v24 =	vmul.f32 $2.560000000e+02, v11;
	v13 =	vsub.f32 v21, v13;
	v21 =	vmul.f32 $2.048000000e+03, v31  }
0x1d2: {  	v15 =	vmin.f32 v15, $2.047500000e+03;
	v16 =	vmin.f32 v16, $2.047500000e+03  }
0x1d3: {  	v20 =	vmin.f32 v20, $2.047500000e+03;
	v22 =	vmin.f32 v22, $2.047500000e+03;
	v25 =	vmin.f32 v25, $2.047500000e+03  }
0x1d4: {  	v2 =	vadd.f32 v23, v2;
	vm0 =	vgt.f32 v4, $0.0e+00;
	vm1 =	vgt.f32 v7, $0.0e+00  }
0x1d5: {  	vm2 =	vgt.f32 v8, $0.0e+00;
	vm3 =	vgt.f32 v10, $0.0e+00;
	vm4 =	vgt.f32 v12, $0.0e+00  }
0x1d6: {  	v26 =	vmul.f32 $2.560000000e+02, v13;
	v5 =	vadd.f32 v15, v5;
	v15 =	vmin.f32 v24, $2.047500000e+03  }
0x1d7: {  	v6 =	vadd.f32 v16, v6;
	v9 =	vadd.f32 v20, v9;
	v2 =	vtrunc.f32 v2  }
0x1d8: {  	v17 =	vadd.f32 v22, v17;
	v5 =	vtrunc.f32 v5;
	v2 =	vcvt.f32.s32 v2  }
0x1d9: {  	v18 =	vadd.f32 v25, v18;
	v4 =	vtrunc.f32 v6;
	v5 =	vcvt.f32.s32 v5  }
0x1da: {  	v15 =	vadd.f32 v15, v19;
	v6 =	vtrunc.f32 v9;
	v4 =	vcvt.f32.s32 v4  }
0x1db: {  	v16 =	vmin.f32 v26, $2.047500000e+03;
	v7 =	vtrunc.f32 v17;
	v6 =	vcvt.f32.s32 v6  }
0x1dc: {  	v8 =	vtrunc.f32 v18;
	v16 =	vadd.f32 v16, v21;
	v7 =	vcvt.f32.s32 v7  }
0x1dd: {  	vm5 =	vgt.f32 v14, $0.0e+00;
	v9 =	vtrunc.f32 v15;
	v8 =	vcvt.f32.s32 v8  }
0x1de: {  	vm6 =	vgt.f32 v11, $0.0e+00;
	v9 =	vcvt.f32.s32 v9;
	v10 =	vtrunc.f32 v16;
	[tilespmem:v2+s26+$0x0] =	vst.idx.add.f32.msk vm0, v1  }
0x1df: {  	vm15 =	vgt.f32 v13, $0.0e+00;
	v2 =	vcvt.f32.s32 v10;
	[tilespmem:v5+s26+$0x0] =	vst.idx.add.f32.msk vm1, v1  }
0x1e0: {  	[tilespmem:v4+s26+$0x0] =	vst.idx.add.f32.msk vm2, v1  }
0x1e1: {  	[tilespmem:v6+s26+$0x0] =	vst.idx.add.f32.msk vm3, v1  }
0x1e2: {  	[tilespmem:v7+s26+$0x0] =	vst.idx.add.f32.msk vm4, v1  }
0x1e3: {  	[tilespmem:v8+s26+$0x0] =	vst.idx.add.f32.msk vm5, v1  }
0x1e4: {  	[tilespmem:v9+s26+$0x0] =	vst.idx.add.f32.msk vm6, v1  }
0x1e5: {  	s29 =	simm.s32 $0x0;
	[tilespmem:v2+s26+$0x0] =	vst.idx.add.f32.msk vm15, v1  }
0x1e6: {  	[tilespmem:s29], [sflag:$0x1] =	stream.linear.gather [hbm4b:s15+s29], $0x2000, $0x38;
	[tilespmem:$0x9080] =	vst v63  }
0x1e7: {  	_ = 	snop  }
0x1e8: {  	[tilespmem:s22], [sflag:$0x1] =	stream.linear.gather [hbm4b:s16+s29], $0x2000, $0x38;
	[tilespmem:$0x9080] =	vst v63  }
0x1e9: {  	_ =	swait.ge [sflag:s28], $0x2000  }
0x1ea: {  	[sflag:s28] =	ssyncset.done $0x0  }
0x1eb: {  	[sflag:s28] =	ssyncadd.s32 $0xFFFFE000  }
0x1ec: {  	s1 =	sand.u32 $0x1000, s29;
	s3 =	sand.u32 $0xC00, s29;
	_ =	swait.ge [sflag:s28], $0x2000  }
0x1ed: {  	s5 =	sand.u32 $0x380, s29;
	s1 =	sor.u32 s3, s1;
	[sflag:s28] =	ssyncset.done $0x0  }
0x1ee: {  	s1 =	sor.u32 s5, s1;
	[sflag:s28] =	ssyncadd.s32 $0xFFFFE000  }
0x1ef: {  	v4 =	vld [tilespmem:s1+$0x6000]  }
0x1f0: {  	v5 =	vld [tilespmem:s1+$0x2000]  }
0x1f1: {  	v7 =	vld [tilespmem:s1+$0x6010]  }
0x1f2: {  	v6 =	vld [tilespmem:s1+$0x2010]  }
0x1f3: {  	v8 =	vld [tilespmem:s1+$0x6020]  }
0x1f4: {  	v9 =	vld [tilespmem:s1+$0x2020]  }
0x1f5: {  	v20 =	vld [tilespmem:s1+$0x2060]  }
0x1f6: {  	v22 =	vld [tilespmem:s1+$0x2070]  }
0x1f7: {  	v3 =	vadd.f32 v4, v3;
	v10 =	vadd.f32 v5, v5  }
0x1f8: {  	v13 =	vld [tilespmem:s1+$0x2030];
	v2 =	vmul.f32 $2.048000000e+03, v4;
	v12 =	vadd.f32 $1.000000000e+00, v5;
	v15 =	vadd.f32 $1.000000000e+00, v6  }
0x1f9: {  	v11 =	vld [tilespmem:s1+$0x6030];
	v5 =	vmul.f32 $2.048000000e+03, v7;
	v17 =	vadd.f32 v9, v9;
	v3 =	vadd.f32 v7, v3  }
0x1fa: {  	v16 =	vld [tilespmem:s1+$0x2040];
	v25 =	vadd.f32 $1.000000000e+00, v20;
	v4 =	vmul.f32 v4, v10;
	v10 =	vadd.f32 v6, v6  }
0x1fb: {  	v14 =	vld [tilespmem:s1+$0x6040];
	v27 =	vadd.f32 $1.000000000e+00, v22;
	v6 =	vmul.f32 $2.048000000e+03, v8;
	v3 =	vadd.f32 v8, v3  }
0x1fc: {  	v7 =	vmul.f32 v7, v10;
	v10 =	vadd.f32 $1.000000000e+00, v9;
	v4 =	vsub.f32 v12, v4  }
0x1fd: {  	v12 =	vld [tilespmem:s1+$0x2050];
	v8 =	vmul.f32 v8, v17;
	v17 =	vadd.f32 $1.000000000e+00, v13;
	v13 =	vadd.f32 v13, v13  }
0x1fe: {  	v18 =	vld [tilespmem:s1+$0x6050];
	v9 =	vmul.f32 $2.048000000e+03, v11;
	v3 =	vadd.f32 v11, v3;
	v7 =	vsub.f32 v15, v7  }
0x1ff: {  	v19 =	vld [tilespmem:s1+$0x6060];
	v11 =	vmul.f32 v11, v13;
	v13 =	vadd.f32 $1.000000000e+00, v16;
	v16 =	vadd.f32 v16, v16  }
0x200: {  	v21 =	vmul.f32 $2.560000000e+02, v4;
	v8 =	vsub.f32 v10, v8;
	v3 =	vadd.f32 v14, v3  }
0x201: {  	v15 =	vmul.f32 $2.560000000e+02, v7;
	v10 =	vsub.f32 v17, v11;
	v17 =	vadd.f32 v20, v20  }
0x202: {  	v26 =	vld [tilespmem:s1+$0x6070];
	v23 =	vmul.f32 v14, v16;
	v24 =	vadd.f32 $1.000000000e+00, v12;
	v12 =	vadd.f32 v12, v12  }
0x203: {  	v16 =	vmul.f32 $2.560000000e+02, v8;
	v3 =	vadd.f32 v18, v3;
	v20 =	vmul.f32 $2.560000000e+02, v10  }
0x204: {  	v11 =	vmul.f32 v18, v12;
	v12 =	vsub.f32 v13, v23;
	v13 =	vmul.f32 v19, v17  }
0x205: {  	v23 =	vadd.f32 v22, v22;
	v17 =	vmul.f32 $2.048000000e+03, v14;
	v18 =	vmul.f32 $2.048000000e+03, v18  }
0x206: {  	v3 =	vadd.f32 v19, v3;
	v19 =	vmul.f32 $2.048000000e+03, v19;
	v22 =	vmul.f32 $2.560000000e+02, v12  }
0x207: {  	v14 =	vsub.f32 v24, v11;
	v11 =	vsub.f32 v25, v13;
	v13 =	vmul.f32 v26, v23  }
0x208: {  	v23 =	vmin.f32 v21, $2.047500000e+03;
	v21 =	vmul.f32 $2.048000000e+03, v26;
	v3 =	vadd.f32 v26, v3  }
0x209: {  	s30 =	simm.s32 $0x0;
	s3 =	simm.s32 $0x0;
	s1 =	simm.s32 $0x0;
	v25 =	vmul.f32 $2.560000000e+02, v14;
	v24 =	vmul.f32 $2.560000000e+02, v11;
	v13 =	vsub.f32 v27, v13  }
.LBB2_14:
0x20a: {  	s30 =	sadd.s32 $0x8, s30;
	v15 =	vmin.f32 v15, $2.047500000e+03;
	v16 =	vmin.f32 v16, $2.047500000e+03;
	v20 =	vmin.f32 v20, $2.047500000e+03  }
0x20b: {  	v22 =	vmin.f32 v22, $2.047500000e+03;
	v25 =	vmin.f32 v25, $2.047500000e+03;
	p0 =	slt.u32 s30, $0x1F8;
	v26 =	vmul.f32 $2.560000000e+02, v13  }
0x20c: {  	v2 =	vadd.f32 v23, v2;
	v5 =	vadd.f32 v15, v5;
	v15 =	vmin.f32 v24, $2.047500000e+03  }
0x20d: {  	s29 =	sadd.s32 $0x400, s29;
	s1 =	sadd.s32 $0x80, s1;
	v6 =	vadd.f32 v16, v6;
	v9 =	vadd.f32 v20, v9;
	v16 =	vmin.f32 v26, $2.047500000e+03  }
0x20e: {  	s3 =	sadd.s32 $0x20, s3;
	s4 =	sand.u32 $0x1000, s1;
	s5 =	sand.u32 $0xC00, s29;
	v17 =	vadd.f32 v22, v17;
	v18 =	vadd.f32 v25, v18;
	v2 =	vtrunc.f32 v2  }
0x20f: {  	s4 =	sor.u32 s5, s4;
	s5 =	sand.u32 $0x380, s3;
	v15 =	vadd.f32 v15, v19;
	v5 =	vtrunc.f32 v5;
	v16 =	vadd.f32 v16, v21  }
0x210: {  	vm0 =	vgt.f32 v4, $0.0e+00;
	s4 =	sor.u32 s5, s4;
	v4 =	vtrunc.f32 v6;
	v6 =	vtrunc.f32 v9  }
0x211: {  	vm1 =	vgt.f32 v7, $0.0e+00;
	v7 =	vtrunc.f32 v17;
	v17 =	vtrunc.f32 v18;
	v9 =	vld [tilespmem:s4+$0x6000]  }
0x212: {  	vm2 =	vgt.f32 v8, $0.0e+00;
	v8 =	vtrunc.f32 v15;
	v15 =	vtrunc.f32 v16;
	v18 =	vld [tilespmem:s4+$0x2000]  }
0x213: {  	vm4 =	vgt.f32 v10, $0.0e+00;
	v19 =	vcvt.f32.s32 v2;
	v20 =	vcvt.f32.s32 v5;
	v16 =	vld [tilespmem:s4+$0x6010]  }
0x214: {  	vm5 =	vgt.f32 v12, $0.0e+00;
	v21 =	vcvt.f32.s32 v4;
	v22 =	vcvt.f32.s32 v6;
	v10 =	vld [tilespmem:s4+$0x2010]  }
0x215: {  	vm3 =	vgt.f32 v14, $0.0e+00;
	v23 =	vcvt.f32.s32 v7;
	v24 =	vcvt.f32.s32 v17;
	v12 =	vld [tilespmem:s4+$0x6020]  }
0x216: {  	v25 =	vcvt.f32.s32 v8;
	v2 =	vmul.f32 $2.048000000e+03, v9;
	v3 =	vadd.f32 v9, v3;
	v4 =	vld [tilespmem:s4+$0x2020]  }
0x217: {  	v26 =	vcvt.f32.s32 v15;
	v7 =	vadd.f32 $1.000000000e+00, v18;
	v6 =	vadd.f32 v18, v18;
	v8 =	vld [tilespmem:s4+$0x6030]  }
0x218: {  	vm6 =	vgt.f32 v11, $0.0e+00;
	v5 =	vmul.f32 $2.048000000e+03, v16;
	v3 =	vadd.f32 v16, v3;
	v14 =	vld [tilespmem:s4+$0x2030]  }
0x219: {  	v9 =	vmul.f32 v9, v6;
	v11 =	vadd.f32 $1.000000000e+00, v10;
	v10 =	vadd.f32 v10, v10;
	v17 =	vld [tilespmem:s4+$0x6040]  }
0x21a: {  	vm7 =	vgt.f32 v13, $0.0e+00;
	v6 =	vmul.f32 $2.048000000e+03, v12;
	v3 =	vadd.f32 v12, v3;
	v15 =	vld [tilespmem:s4+$0x2040]  }
0x21b: {  	v10 =	vmul.f32 v16, v10;
	v13 =	vadd.f32 $1.000000000e+00, v4;
	v16 =	vadd.f32 v4, v4;
	v18 =	vld [tilespmem:s4+$0x6050]  }
0x21c: {  	v4 =	vsub.f32 v7, v9;
	v9 =	vmul.f32 $2.048000000e+03, v8;
	v3 =	vadd.f32 v8, v3;
	v27 =	vld [tilespmem:s4+$0x2050]  }
0x21d: {  	v12 =	vmul.f32 v12, v16;
	v28 =	vadd.f32 $1.000000000e+00, v14;
	v14 =	vadd.f32 v14, v14;
	v29 =	vld [tilespmem:s4+$0x6060]  }
0x21e: {  	v30 =	vmul.f32 $2.560000000e+02, v4;
	v7 =	vsub.f32 v11, v10;
	v3 =	vadd.f32 v17, v3;
	v11 =	vld [tilespmem:s4+$0x2060]  }
0x21f: {  	v10 =	vmul.f32 v8, v14;
	v14 =	vadd.f32 $1.000000000e+00, v15;
	v16 =	vadd.f32 v15, v15;
	v31 =	vld [tilespmem:s4+$0x6070]  }
0x220: {  	v15 =	vmul.f32 $2.560000000e+02, v7;
	v8 =	vsub.f32 v13, v12;
	v3 =	vadd.f32 v18, v3;
	v13 =	vld [tilespmem:s4+$0x2070]  }
0x221: {  	v12 =	vmul.f32 v17, v16;
	v32 =	vadd.f32 $1.000000000e+00, v27;
	v27 =	vadd.f32 v27, v27;
	[tilespmem:v19+s26+$0x0] =	vst.idx.add.f32.msk vm0, v1  }
0x222: {  	v16 =	vmul.f32 $2.560000000e+02, v8;
	v10 =	vsub.f32 v28, v10;
	v3 =	vadd.f32 v29, v3;
	[tilespmem:v20+s26+$0x0] =	vst.idx.add.f32.msk vm1, v1  }
0x223: {  	v19 =	vmul.f32 v18, v27;
	v27 =	vadd.f32 $1.000000000e+00, v11;
	v11 =	vadd.f32 v11, v11;
	[tilespmem:v21+s26+$0x0] =	vst.idx.add.f32.msk vm2, v1  }
0x224: {  	v20 =	vmul.f32 $2.560000000e+02, v10;
	v12 =	vsub.f32 v14, v12;
	v3 =	vadd.f32 v31, v3;
	[tilespmem:v22+s26+$0x0] =	vst.idx.add.f32.msk vm4, v1  }
.Ltmp6:
0x225: {  	v11 =	vmul.f32 v29, v11;
	v21 =	vadd.f32 $1.000000000e+00, v13;
	v13 =	vadd.f32 v13, v13;
	[tilespmem:v23+s26+$0x0] =	vst.idx.add.f32.msk vm5, v1;
	(pc) =	sbr.rel @p0 .LBB2_14-.Ltmp6, $4  }
0x226: {  	v17 =	vmul.f32 $2.048000000e+03, v17;
	v22 =	vmul.f32 $2.560000000e+02, v12;
	v14 =	vsub.f32 v32, v19;
	[tilespmem:v24+s26+$0x0] =	vst.idx.add.f32.msk vm3, v1  }
0x227: {  	v18 =	vmul.f32 $2.048000000e+03, v18;
	v11 =	vsub.f32 v27, v11;
	v13 =	vmul.f32 v31, v13;
	[tilespmem:v25+s26+$0x0] =	vst.idx.add.f32.msk vm6, v1  }
0x228: {  	v23 =	vmin.f32 v30, $2.047500000e+03;
	v19 =	vmul.f32 $2.048000000e+03, v29;
	v25 =	vmul.f32 $2.560000000e+02, v14;
	[tilespmem:v26+s26+$0x0] =	vst.idx.add.f32.msk vm7, v1  }
0x229: {  	v24 =	vmul.f32 $2.560000000e+02, v11;
	v13 =	vsub.f32 v21, v13;
	v21 =	vmul.f32 $2.048000000e+03, v31  }
0x22a: {  	v15 =	vmin.f32 v15, $2.047500000e+03;
	v16 =	vmin.f32 v16, $2.047500000e+03  }
0x22b: {  	v20 =	vmin.f32 v20, $2.047500000e+03;
	v22 =	vmin.f32 v22, $2.047500000e+03;
	v25 =	vmin.f32 v25, $2.047500000e+03  }
0x22c: {  	v2 =	vadd.f32 v23, v2;
	vm0 =	vgt.f32 v4, $0.0e+00;
	vm1 =	vgt.f32 v7, $0.0e+00  }
0x22d: {  	vm2 =	vgt.f32 v8, $0.0e+00;
	vm3 =	vgt.f32 v10, $0.0e+00;
	vm4 =	vgt.f32 v12, $0.0e+00  }
0x22e: {  	v26 =	vmul.f32 $2.560000000e+02, v13;
	v5 =	vadd.f32 v15, v5;
	v15 =	vmin.f32 v24, $2.047500000e+03  }
0x22f: {  	v6 =	vadd.f32 v16, v6;
	v9 =	vadd.f32 v20, v9;
	v2 =	vtrunc.f32 v2  }
0x230: {  	v17 =	vadd.f32 v22, v17;
	v5 =	vtrunc.f32 v5;
	v2 =	vcvt.f32.s32 v2  }
0x231: {  	v18 =	vadd.f32 v25, v18;
	v4 =	vtrunc.f32 v6;
	v5 =	vcvt.f32.s32 v5  }
0x232: {  	v15 =	vadd.f32 v15, v19;
	v6 =	vtrunc.f32 v9;
	v4 =	vcvt.f32.s32 v4  }
0x233: {  	v16 =	vmin.f32 v26, $2.047500000e+03;
	v7 =	vtrunc.f32 v17;
	v6 =	vcvt.f32.s32 v6  }
0x234: {  	v8 =	vtrunc.f32 v18;
	v16 =	vadd.f32 v16, v21;
	v7 =	vcvt.f32.s32 v7  }
0x235: {  	vm5 =	vgt.f32 v14, $0.0e+00;
	v9 =	vtrunc.f32 v15;
	v8 =	vcvt.f32.s32 v8  }
0x236: {  	vm6 =	vgt.f32 v11, $0.0e+00;
	v9 =	vcvt.f32.s32 v9;
	v10 =	vtrunc.f32 v16;
	[tilespmem:v2+s26+$0x0] =	vst.idx.add.f32.msk vm0, v1  }
0x237: {  	vm15 =	vgt.f32 v13, $0.0e+00;
	v2 =	vcvt.f32.s32 v10;
	[tilespmem:v5+s26+$0x0] =	vst.idx.add.f32.msk vm1, v1  }
0x238: {  	[tilespmem:v4+s26+$0x0] =	vst.idx.add.f32.msk vm2, v1  }
0x239: {  	[tilespmem:v6+s26+$0x0] =	vst.idx.add.f32.msk vm3, v1  }
0x23a: {  	[tilespmem:v7+s26+$0x0] =	vst.idx.add.f32.msk vm4, v1  }
0x23b: {  	[tilespmem:v8+s26+$0x0] =	vst.idx.add.f32.msk vm5, v1  }
0x23c: {  	[tilespmem:v9+s26+$0x0] =	vst.idx.add.f32.msk vm6, v1  }
0x23d: {  	s29 =	simm.s32 $0x0;
	[tilespmem:v2+s26+$0x0] =	vst.idx.add.f32.msk vm15, v1  }
0x23e: {  	[tilespmem:s23], [sflag:$0x2] =	stream.linear.gather [hbm4b:s17+s29], $0x2000, $0x38;
	[tilespmem:$0x9080] =	vst v63  }
0x23f: {  	_ = 	snop  }
0x240: {  	[tilespmem:s24], [sflag:$0x2] =	stream.linear.gather [hbm4b:s18+s29], $0x2000, $0x38;
	[tilespmem:$0x9080] =	vst v63  }
0x241: {  	_ =	swait.ge [sflag:s25], $0x2000  }
0x242: {  	[sflag:s25] =	ssyncset.done $0x0  }
0x243: {  	[sflag:s25] =	ssyncadd.s32 $0xFFFFE000  }
0x244: {  	s1 =	sand.u32 $0x1000, s29;
	s3 =	sand.u32 $0xC00, s29;
	_ =	swait.ge [sflag:s25], $0x2000  }
0x245: {  	s5 =	sand.u32 $0x380, s29;
	s1 =	sor.u32 s3, s1;
	[sflag:s25] =	ssyncset.done $0x0  }
0x246: {  	s1 =	sor.u32 s5, s1;
	[sflag:s25] =	ssyncadd.s32 $0xFFFFE000  }
0x247: {  	v4 =	vld [tilespmem:s1+$0x4000]  }
0x248: {  	v5 =	vld [tilespmem:s1+$0x0]  }
0x249: {  	v7 =	vld [tilespmem:s1+$0x4010]  }
0x24a: {  	v6 =	vld [tilespmem:s1+$0x10]  }
0x24b: {  	v8 =	vld [tilespmem:s1+$0x4020]  }
0x24c: {  	v9 =	vld [tilespmem:s1+$0x20]  }
0x24d: {  	v20 =	vld [tilespmem:s1+$0x60]  }
0x24e: {  	v22 =	vld [tilespmem:s1+$0x70]  }
0x24f: {  	v3 =	vadd.f32 v4, v3;
	v10 =	vadd.f32 v5, v5  }
0x250: {  	v13 =	vld [tilespmem:s1+$0x30];
	v2 =	vmul.f32 $2.048000000e+03, v4;
	v12 =	vadd.f32 $1.000000000e+00, v5;
	v15 =	vadd.f32 $1.000000000e+00, v6  }
0x251: {  	v11 =	vld [tilespmem:s1+$0x4030];
	v5 =	vmul.f32 $2.048000000e+03, v7;
	v17 =	vadd.f32 v9, v9;
	v3 =	vadd.f32 v7, v3  }
0x252: {  	v16 =	vld [tilespmem:s1+$0x40];
	v25 =	vadd.f32 $1.000000000e+00, v20;
	v4 =	vmul.f32 v4, v10;
	v10 =	vadd.f32 v6, v6  }
0x253: {  	v14 =	vld [tilespmem:s1+$0x4040];
	v27 =	vadd.f32 $1.000000000e+00, v22;
	v6 =	vmul.f32 $2.048000000e+03, v8;
	v3 =	vadd.f32 v8, v3  }
0x254: {  	v7 =	vmul.f32 v7, v10;
	v10 =	vadd.f32 $1.000000000e+00, v9;
	v4 =	vsub.f32 v12, v4  }
0x255: {  	v12 =	vld [tilespmem:s1+$0x50];
	v8 =	vmul.f32 v8, v17;
	v17 =	vadd.f32 $1.000000000e+00, v13;
	v13 =	vadd.f32 v13, v13  }
0x256: {  	v18 =	vld [tilespmem:s1+$0x4050];
	v9 =	vmul.f32 $2.048000000e+03, v11;
	v3 =	vadd.f32 v11, v3;
	v7 =	vsub.f32 v15, v7  }
0x257: {  	v19 =	vld [tilespmem:s1+$0x4060];
	v11 =	vmul.f32 v11, v13;
	v13 =	vadd.f32 $1.000000000e+00, v16;
	v16 =	vadd.f32 v16, v16  }
0x258: {  	v21 =	vmul.f32 $2.560000000e+02, v4;
	v8 =	vsub.f32 v10, v8;
	v3 =	vadd.f32 v14, v3  }
0x259: {  	v15 =	vmul.f32 $2.560000000e+02, v7;
	v10 =	vsub.f32 v17, v11;
	v17 =	vadd.f32 v20, v20  }
0x25a: {  	v26 =	vld [tilespmem:s1+$0x4070];
	v23 =	vmul.f32 v14, v16;
	v24 =	vadd.f32 $1.000000000e+00, v12;
	v12 =	vadd.f32 v12, v12  }
0x25b: {  	v16 =	vmul.f32 $2.560000000e+02, v8;
	v3 =	vadd.f32 v18, v3;
	v20 =	vmul.f32 $2.560000000e+02, v10  }
0x25c: {  	v11 =	vmul.f32 v18, v12;
	v12 =	vsub.f32 v13, v23;
	v13 =	vmul.f32 v19, v17  }
0x25d: {  	v23 =	vadd.f32 v22, v22;
	v17 =	vmul.f32 $2.048000000e+03, v14;
	v18 =	vmul.f32 $2.048000000e+03, v18  }
0x25e: {  	v3 =	vadd.f32 v19, v3;
	v19 =	vmul.f32 $2.048000000e+03, v19;
	v22 =	vmul.f32 $2.560000000e+02, v12  }
0x25f: {  	v14 =	vsub.f32 v24, v11;
	v11 =	vsub.f32 v25, v13;
	v13 =	vmul.f32 v26, v23  }
0x260: {  	v23 =	vmin.f32 v21, $2.047500000e+03;
	v21 =	vmul.f32 $2.048000000e+03, v26;
	v3 =	vadd.f32 v26, v3  }
0x261: {  	s30 =	simm.s32 $0x0;
	s3 =	simm.s32 $0x0;
	s1 =	simm.s32 $0x0;
	v25 =	vmul.f32 $2.560000000e+02, v14;
	v24 =	vmul.f32 $2.560000000e+02, v11;
	v13 =	vsub.f32 v27, v13  }
.LBB2_16:
0x262: {  	s30 =	sadd.s32 $0x8, s30;
	v15 =	vmin.f32 v15, $2.047500000e+03;
	v16 =	vmin.f32 v16, $2.047500000e+03;
	v20 =	vmin.f32 v20, $2.047500000e+03  }
0x263: {  	v22 =	vmin.f32 v22, $2.047500000e+03;
	v25 =	vmin.f32 v25, $2.047500000e+03;
	p0 =	slt.u32 s30, $0x1F8;
	v26 =	vmul.f32 $2.560000000e+02, v13  }
0x264: {  	v2 =	vadd.f32 v23, v2;
	v5 =	vadd.f32 v15, v5;
	v15 =	vmin.f32 v24, $2.047500000e+03  }
0x265: {  	s29 =	sadd.s32 $0x400, s29;
	s1 =	sadd.s32 $0x80, s1;
	v6 =	vadd.f32 v16, v6;
	v9 =	vadd.f32 v20, v9;
	v16 =	vmin.f32 v26, $2.047500000e+03  }
0x266: {  	s3 =	sadd.s32 $0x20, s3;
	s4 =	sand.u32 $0x1000, s1;
	s5 =	sand.u32 $0xC00, s29;
	v17 =	vadd.f32 v22, v17;
	v18 =	vadd.f32 v25, v18;
	v2 =	vtrunc.f32 v2  }
0x267: {  	s4 =	sor.u32 s5, s4;
	s5 =	sand.u32 $0x380, s3;
	v15 =	vadd.f32 v15, v19;
	v5 =	vtrunc.f32 v5;
	v16 =	vadd.f32 v16, v21  }
0x268: {  	vm0 =	vgt.f32 v4, $0.0e+00;
	s4 =	sor.u32 s5, s4;
	v4 =	vtrunc.f32 v6;
	v6 =	vtrunc.f32 v9  }
0x269: {  	vm1 =	vgt.f32 v7, $0.0e+00;
	v7 =	vtrunc.f32 v17;
	v17 =	vtrunc.f32 v18;
	v9 =	vld [tilespmem:s4+$0x4000]  }
0x26a: {  	vm2 =	vgt.f32 v8, $0.0e+00;
	v8 =	vtrunc.f32 v15;
	v15 =	vtrunc.f32 v16;
	v18 =	vld [tilespmem:s4+$0x0]  }
0x26b: {  	vm4 =	vgt.f32 v10, $0.0e+00;
	v19 =	vcvt.f32.s32 v2;
	v20 =	vcvt.f32.s32 v5;
	v16 =	vld [tilespmem:s4+$0x4010]  }
0x26c: {  	vm5 =	vgt.f32 v12, $0.0e+00;
	v21 =	vcvt.f32.s32 v4;
	v22 =	vcvt.f32.s32 v6;
	v10 =	vld [tilespmem:s4+$0x10]  }
0x26d: {  	vm3 =	vgt.f32 v14, $0.0e+00;
	v23 =	vcvt.f32.s32 v7;
	v24 =	vcvt.f32.s32 v17;
	v12 =	vld [tilespmem:s4+$0x4020]  }
0x26e: {  	v25 =	vcvt.f32.s32 v8;
	v2 =	vmul.f32 $2.048000000e+03, v9;
	v3 =	vadd.f32 v9, v3;
	v4 =	vld [tilespmem:s4+$0x20]  }
0x26f: {  	v26 =	vcvt.f32.s32 v15;
	v7 =	vadd.f32 $1.000000000e+00, v18;
	v6 =	vadd.f32 v18, v18;
	v8 =	vld [tilespmem:s4+$0x4030]  }
0x270: {  	vm6 =	vgt.f32 v11, $0.0e+00;
	v5 =	vmul.f32 $2.048000000e+03, v16;
	v3 =	vadd.f32 v16, v3;
	v14 =	vld [tilespmem:s4+$0x30]  }
0x271: {  	v9 =	vmul.f32 v9, v6;
	v11 =	vadd.f32 $1.000000000e+00, v10;
	v10 =	vadd.f32 v10, v10;
	v17 =	vld [tilespmem:s4+$0x4040]  }
0x272: {  	vm7 =	vgt.f32 v13, $0.0e+00;
	v6 =	vmul.f32 $2.048000000e+03, v12;
	v3 =	vadd.f32 v12, v3;
	v15 =	vld [tilespmem:s4+$0x40]  }
0x273: {  	v10 =	vmul.f32 v16, v10;
	v13 =	vadd.f32 $1.000000000e+00, v4;
	v16 =	vadd.f32 v4, v4;
	v18 =	vld [tilespmem:s4+$0x4050]  }
0x274: {  	v4 =	vsub.f32 v7, v9;
	v9 =	vmul.f32 $2.048000000e+03, v8;
	v3 =	vadd.f32 v8, v3;
	v27 =	vld [tilespmem:s4+$0x50]  }
0x275: {  	v12 =	vmul.f32 v12, v16;
	v28 =	vadd.f32 $1.000000000e+00, v14;
	v14 =	vadd.f32 v14, v14;
	v29 =	vld [tilespmem:s4+$0x4060]  }
0x276: {  	v30 =	vmul.f32 $2.560000000e+02, v4;
	v7 =	vsub.f32 v11, v10;
	v3 =	vadd.f32 v17, v3;
	v11 =	vld [tilespmem:s4+$0x60]  }
0x277: {  	v10 =	vmul.f32 v8, v14;
	v14 =	vadd.f32 $1.000000000e+00, v15;
	v16 =	vadd.f32 v15, v15;
	v31 =	vld [tilespmem:s4+$0x4070]  }
0x278: {  	v15 =	vmul.f32 $2.560000000e+02, v7;
	v8 =	vsub.f32 v13, v12;
	v3 =	vadd.f32 v18, v3;
	v13 =	vld [tilespmem:s4+$0x70]  }
0x279: {  	v12 =	vmul.f32 v17, v16;
	v32 =	vadd.f32 $1.000000000e+00, v27;
	v27 =	vadd.f32 v27, v27;
	[tilespmem:v19+s26+$0x0] =	vst.idx.add.f32.msk vm0, v1  }
0x27a: {  	v16 =	vmul.f32 $2.560000000e+02, v8;
	v10 =	vsub.f32 v28, v10;
	v3 =	vadd.f32 v29, v3;
	[tilespmem:v20+s26+$0x0] =	vst.idx.add.f32.msk vm1, v1  }
0x27b: {  	v19 =	vmul.f32 v18, v27;
	v27 =	vadd.f32 $1.000000000e+00, v11;
	v11 =	vadd.f32 v11, v11;
	[tilespmem:v21+s26+$0x0] =	vst.idx.add.f32.msk vm2, v1  }
0x27c: {  	v20 =	vmul.f32 $2.560000000e+02, v10;
	v12 =	vsub.f32 v14, v12;
	v3 =	vadd.f32 v31, v3;
	[tilespmem:v22+s26+$0x0] =	vst.idx.add.f32.msk vm4, v1  }
.Ltmp7:
0x27d: {  	v11 =	vmul.f32 v29, v11;
	v21 =	vadd.f32 $1.000000000e+00, v13;
	v13 =	vadd.f32 v13, v13;
	[tilespmem:v23+s26+$0x0] =	vst.idx.add.f32.msk vm5, v1;
	(pc) =	sbr.rel @p0 .LBB2_16-.Ltmp7, $4  }
0x27e: {  	v17 =	vmul.f32 $2.048000000e+03, v17;
	v22 =	vmul.f32 $2.560000000e+02, v12;
	v14 =	vsub.f32 v32, v19;
	[tilespmem:v24+s26+$0x0] =	vst.idx.add.f32.msk vm3, v1  }
0x27f: {  	v18 =	vmul.f32 $2.048000000e+03, v18;
	v11 =	vsub.f32 v27, v11;
	v13 =	vmul.f32 v31, v13;
	[tilespmem:v25+s26+$0x0] =	vst.idx.add.f32.msk vm6, v1  }
0x280: {  	v23 =	vmin.f32 v30, $2.047500000e+03;
	v19 =	vmul.f32 $2.048000000e+03, v29;
	v25 =	vmul.f32 $2.560000000e+02, v14;
	[tilespmem:v26+s26+$0x0] =	vst.idx.add.f32.msk vm7, v1  }
0x281: {  	v24 =	vmul.f32 $2.560000000e+02, v11;
	v13 =	vsub.f32 v21, v13;
	v21 =	vmul.f32 $2.048000000e+03, v31  }
0x282: {  	v15 =	vmin.f32 v15, $2.047500000e+03;
	v16 =	vmin.f32 v16, $2.047500000e+03  }
0x283: {  	v20 =	vmin.f32 v20, $2.047500000e+03;
	v22 =	vmin.f32 v22, $2.047500000e+03;
	v25 =	vmin.f32 v25, $2.047500000e+03  }
0x284: {  	v2 =	vadd.f32 v23, v2;
	vm0 =	vgt.f32 v4, $0.0e+00;
	vm1 =	vgt.f32 v7, $0.0e+00  }
0x285: {  	vm2 =	vgt.f32 v8, $0.0e+00;
	vm3 =	vgt.f32 v10, $0.0e+00;
	vm4 =	vgt.f32 v12, $0.0e+00  }
0x286: {  	v26 =	vmul.f32 $2.560000000e+02, v13;
	v5 =	vadd.f32 v15, v5;
	v15 =	vmin.f32 v24, $2.047500000e+03  }
0x287: {  	v6 =	vadd.f32 v16, v6;
	v9 =	vadd.f32 v20, v9;
	v2 =	vtrunc.f32 v2  }
0x288: {  	v17 =	vadd.f32 v22, v17;
	v5 =	vtrunc.f32 v5;
	v2 =	vcvt.f32.s32 v2  }
0x289: {  	v18 =	vadd.f32 v25, v18;
	v4 =	vtrunc.f32 v6;
	v5 =	vcvt.f32.s32 v5  }
0x28a: {  	v15 =	vadd.f32 v15, v19;
	v6 =	vtrunc.f32 v9;
	v4 =	vcvt.f32.s32 v4  }
0x28b: {  	v16 =	vmin.f32 v26, $2.047500000e+03;
	v7 =	vtrunc.f32 v17;
	v6 =	vcvt.f32.s32 v6  }
0x28c: {  	v8 =	vtrunc.f32 v18;
	v16 =	vadd.f32 v16, v21;
	v7 =	vcvt.f32.s32 v7  }
0x28d: {  	vm5 =	vgt.f32 v14, $0.0e+00;
	v9 =	vtrunc.f32 v15;
	v8 =	vcvt.f32.s32 v8  }
0x28e: {  	vm6 =	vgt.f32 v11, $0.0e+00;
	v9 =	vcvt.f32.s32 v9;
	v10 =	vtrunc.f32 v16;
	[tilespmem:v2+s26+$0x0] =	vst.idx.add.f32.msk vm0, v1  }
0x28f: {  	vm15 =	vgt.f32 v13, $0.0e+00;
	v2 =	vcvt.f32.s32 v10;
	[tilespmem:v5+s26+$0x0] =	vst.idx.add.f32.msk vm1, v1  }
0x290: {  	[tilespmem:v4+s26+$0x0] =	vst.idx.add.f32.msk vm2, v1  }
0x291: {  	[tilespmem:v6+s26+$0x0] =	vst.idx.add.f32.msk vm3, v1  }
0x292: {  	[tilespmem:v7+s26+$0x0] =	vst.idx.add.f32.msk vm4, v1  }
0x293: {  	[tilespmem:v8+s26+$0x0] =	vst.idx.add.f32.msk vm5, v1  }
0x294: {  	[tilespmem:v9+s26+$0x0] =	vst.idx.add.f32.msk vm6, v1  }
0x295: {  	[tilespmem:v2+s26+$0x0] =	vst.idx.add.f32.msk vm15, v1  }
0x296: {  	_ =	swait.ge [sflag:s28], $0x2000  }
0x297: {  	[sflag:s28] =	ssyncset.done $0x0  }
0x298: {  	s29 =	simm.s32 $0x0;
	[sflag:s28] =	ssyncadd.s32 $0xFFFFE000  }
0x299: {  	s1 =	sand.u32 $0x1000, s29;
	s3 =	sand.u32 $0xC00, s29;
	_ =	swait.ge [sflag:s28], $0x2000  }
0x29a: {  	s5 =	sand.u32 $0x380, s29;
	s1 =	sor.u32 s3, s1;
	[sflag:s28] =	ssyncset.done $0x0  }
0x29b: {  	s1 =	sor.u32 s5, s1;
	[sflag:s28] =	ssyncadd.s32 $0xFFFFE000  }
0x29c: {  	v5 =	vld [tilespmem:s1+$0x6000]  }
0x29d: {  	v4 =	vld [tilespmem:s1+$0x2000]  }
0x29e: {  	v6 =	vld [tilespmem:s1+$0x6010]  }
0x29f: {  	v7 =	vld [tilespmem:s1+$0x2010]  }
0x2a0: {  	v9 =	vld [tilespmem:s1+$0x2020]  }
0x2a1: {  	v20 =	vld [tilespmem:s1+$0x2060];
	_ =	sdelay $0x1  }
0x2a2: {  	v8 =	vld [tilespmem:s1+$0x6020];
	v3 =	vadd.f32 v5, v3;
	v10 =	vadd.f32 v4, v4  }
0x2a3: {  	v13 =	vld [tilespmem:s1+$0x2030];
	v2 =	vmul.f32 $2.048000000e+03, v5;
	v12 =	vadd.f32 $1.000000000e+00, v4;
	v14 =	vadd.f32 v7, v7  }
0x2a4: {  	v11 =	vld [tilespmem:s1+$0x6030];
	v4 =	vmul.f32 $2.048000000e+03, v6;
	v7 =	vadd.f32 $1.000000000e+00, v7;
	v18 =	vadd.f32 v9, v9  }
0x2a5: {  	v17 =	vld [tilespmem:s1+$0x6040];
	v25 =	vadd.f32 $1.000000000e+00, v20;
	v3 =	vadd.f32 v6, v3;
	v10 =	vmul.f32 v5, v10  }
0x2a6: {  	v16 =	vld [tilespmem:s1+$0x2040];
	v22 =	vadd.f32 v20, v20;
	v6 =	vmul.f32 v6, v14;
	v14 =	vadd.f32 $1.000000000e+00, v9  }
0x2a7: {  	v5 =	vmul.f32 $2.048000000e+03, v8;
	v15 =	vadd.f32 v8, v3;
	v3 =	vsub.f32 v12, v10;
	v12 =	vld [tilespmem:s1+$0x2050]  }
0x2a8: {  	v19 =	vld [tilespmem:s1+$0x6050];
	v8 =	vmul.f32 v8, v18;
	v18 =	vadd.f32 $1.000000000e+00, v13;
	v6 =	vsub.f32 v7, v6  }
0x2a9: {  	v21 =	vld [tilespmem:s1+$0x6060];
	v9 =	vmul.f32 $2.048000000e+03, v11;
	v13 =	vadd.f32 v13, v13;
	v10 =	vadd.f32 v11, v15  }
0x2aa: {  	v23 =	vmul.f32 $2.560000000e+02, v3;
	v15 =	vmul.f32 $2.560000000e+02, v6;
	v8 =	vsub.f32 v14, v8;
	v14 =	vld [tilespmem:s1+$0x2070]  }
0x2ab: {  	v7 =	vadd.f32 v17, v10;
	v10 =	vmul.f32 v11, v13;
	v11 =	vadd.f32 $1.000000000e+00, v16  }
0x2ac: {  	v13 =	vadd.f32 v16, v16;
	v16 =	vmul.f32 $2.560000000e+02, v8;
	v24 =	vadd.f32 $1.000000000e+00, v12  }
0x2ad: {  	v26 =	vld [tilespmem:s1+$0x6070];
	v23 =	vmin.f32 v23, $2.047500000e+03;
	v12 =	vadd.f32 v12, v12;
	v7 =	vadd.f32 v19, v7  }
0x2ae: {  	v13 =	vmul.f32 v17, v13;
	v10 =	vsub.f32 v18, v10;
	v17 =	vmul.f32 $2.048000000e+03, v17  }
0x2af: {  	v18 =	vmul.f32 v19, v12;
	v27 =	vadd.f32 v14, v14;
	v7 =	vadd.f32 v21, v7  }
0x2b0: {  	v20 =	vmul.f32 $2.560000000e+02, v10;
	v12 =	vsub.f32 v11, v13;
	v11 =	vmul.f32 v21, v22  }
0x2b1: {  	v13 =	vadd.f32 $1.000000000e+00, v14;
	v14 =	vsub.f32 v24, v18;
	v18 =	vmul.f32 $2.048000000e+03, v19  }
0x2b2: {  	v27 =	vmul.f32 v26, v27;
	v19 =	vmul.f32 $2.048000000e+03, v21;
	v11 =	vsub.f32 v25, v11  }
0x2b3: {  	v21 =	vmul.f32 $2.048000000e+03, v26;
	v7 =	vadd.f32 v26, v7;
	v22 =	vmul.f32 $2.560000000e+02, v12  }
0x2b4: {  	s30 =	simm.s32 $0x0;
	s3 =	simm.s32 $0x0;
	s1 =	simm.s32 $0x0;
	v25 =	vmul.f32 $2.560000000e+02, v14;
	v13 =	vsub.f32 v13, v27;
	v24 =	vmul.f32 $2.560000000e+02, v11  }
.LBB2_18:
0x2b5: {  	s30 =	sadd.s32 $0x8, s30;
	v15 =	vmin.f32 v15, $2.047500000e+03;
	v16 =	vmin.f32 v16, $2.047500000e+03;
	v20 =	vmin.f32 v20, $2.047500000e+03  }
0x2b6: {  	v22 =	vmin.f32 v22, $2.047500000e+03;
	v25 =	vmin.f32 v25, $2.047500000e+03;
	p0 =	slt.u32 s30, $0x1F8;
	v26 =	vmul.f32 $2.560000000e+02, v13  }
0x2b7: {  	v2 =	vadd.f32 v23, v2;
	v4 =	vadd.f32 v15, v4;
	v15 =	vmin.f32 v24, $2.047500000e+03  }
0x2b8: {  	s29 =	sadd.s32 $0x400, s29;
	s1 =	sadd.s32 $0x80, s1;
	v5 =	vadd.f32 v16, v5;
	v9 =	vadd.f32 v20, v9;
	v16 =	vmin.f32 v26, $2.047500000e+03  }
0x2b9: {  	s3 =	sadd.s32 $0x20, s3;
	s4 =	sand.u32 $0x1000, s1;
	s5 =	sand.u32 $0xC00, s29;
	v17 =	vadd.f32 v22, v17;
	v18 =	vadd.f32 v25, v18;
	v2 =	vtrunc.f32 v2  }
0x2ba: {  	s4 =	sor.u32 s5, s4;
	s5 =	sand.u32 $0x380, s3;
	v15 =	vadd.f32 v15, v19;
	v4 =	vtrunc.f32 v4;
	v16 =	vadd.f32 v16, v21  }
0x2bb: {  	vm0 =	vgt.f32 v3, $0.0e+00;
	s4 =	sor.u32 s5, s4;
	v3 =	vtrunc.f32 v5;
	v5 =	vtrunc.f32 v9  }
0x2bc: {  	vm1 =	vgt.f32 v6, $0.0e+00;
	v6 =	vtrunc.f32 v17;
	v17 =	vtrunc.f32 v18;
	v9 =	vld [tilespmem:s4+$0x6000]  }
0x2bd: {  	vm2 =	vgt.f32 v8, $0.0e+00;
	v8 =	vtrunc.f32 v15;
	v15 =	vtrunc.f32 v16;
	v18 =	vld [tilespmem:s4+$0x2000]  }
0x2be: {  	vm4 =	vgt.f32 v10, $0.0e+00;
	v19 =	vcvt.f32.s32 v2;
	v20 =	vcvt.f32.s32 v4;
	v16 =	vld [tilespmem:s4+$0x6010]  }
0x2bf: {  	vm5 =	vgt.f32 v12, $0.0e+00;
	v21 =	vcvt.f32.s32 v3;
	v22 =	vcvt.f32.s32 v5;
	v10 =	vld [tilespmem:s4+$0x2010]  }
0x2c0: {  	vm3 =	vgt.f32 v14, $0.0e+00;
	v23 =	vcvt.f32.s32 v6;
	v24 =	vcvt.f32.s32 v17;
	v12 =	vld [tilespmem:s4+$0x6020]  }
0x2c1: {  	v25 =	vcvt.f32.s32 v8;
	v2 =	vmul.f32 $2.048000000e+03, v9;
	v3 =	vadd.f32 v9, v7;
	v6 =	vld [tilespmem:s4+$0x2020]  }
0x2c2: {  	v26 =	vcvt.f32.s32 v15;
	v7 =	vadd.f32 $1.000000000e+00, v18;
	v5 =	vadd.f32 v18, v18;
	v8 =	vld [tilespmem:s4+$0x6030]  }
0x2c3: {  	vm6 =	vgt.f32 v11, $0.0e+00;
	v4 =	vmul.f32 $2.048000000e+03, v16;
	v3 =	vadd.f32 v16, v3;
	v14 =	vld [tilespmem:s4+$0x2030]  }
0x2c4: {  	v9 =	vmul.f32 v9, v5;
	v11 =	vadd.f32 $1.000000000e+00, v10;
	v10 =	vadd.f32 v10, v10;
	v17 =	vld [tilespmem:s4+$0x6040]  }
0x2c5: {  	vm7 =	vgt.f32 v13, $0.0e+00;
	v5 =	vmul.f32 $2.048000000e+03, v12;
	v15 =	vadd.f32 v12, v3;
	v18 =	vld [tilespmem:s4+$0x2040]  }
0x2c6: {  	v10 =	vmul.f32 v16, v10;
	v13 =	vadd.f32 $1.000000000e+00, v6;
	v6 =	vadd.f32 v6, v6;
	v27 =	vld [tilespmem:s4+$0x6050]  }
0x2c7: {  	v3 =	vsub.f32 v7, v9;
	v9 =	vmul.f32 $2.048000000e+03, v8;
	v7 =	vadd.f32 v8, v15;
	v16 =	vld [tilespmem:s4+$0x2050]  }
0x2c8: {  	v12 =	vmul.f32 v12, v6;
	v28 =	vadd.f32 $1.000000000e+00, v14;
	v14 =	vadd.f32 v14, v14;
	v29 =	vld [tilespmem:s4+$0x6060]  }
0x2c9: {  	v30 =	vmul.f32 $2.560000000e+02, v3;
	v6 =	vsub.f32 v11, v10;
	v7 =	vadd.f32 v17, v7;
	v11 =	vld [tilespmem:s4+$0x2060]  }
0x2ca: {  	v10 =	vmul.f32 v8, v14;
	v14 =	vadd.f32 $1.000000000e+00, v18;
	v18 =	vadd.f32 v18, v18;
	v31 =	vld [tilespmem:s4+$0x6070]  }
0x2cb: {  	v15 =	vmul.f32 $2.560000000e+02, v6;
	v8 =	vsub.f32 v13, v12;
	v7 =	vadd.f32 v27, v7;
	v13 =	vld [tilespmem:s4+$0x2070]  }
0x2cc: {  	v12 =	vmul.f32 v17, v18;
	v18 =	vadd.f32 $1.000000000e+00, v16;
	v32 =	vadd.f32 v16, v16;
	[tilespmem:v19+s26+$0x0] =	vst.idx.add.f32.msk vm0, v1  }
0x2cd: {  	v16 =	vmul.f32 $2.560000000e+02, v8;
	v10 =	vsub.f32 v28, v10;
	v7 =	vadd.f32 v29, v7;
	[tilespmem:v20+s26+$0x0] =	vst.idx.add.f32.msk vm1, v1  }
0x2ce: {  	v19 =	vmul.f32 v27, v32;
	v28 =	vadd.f32 $1.000000000e+00, v11;
	v11 =	vadd.f32 v11, v11;
	[tilespmem:v21+s26+$0x0] =	vst.idx.add.f32.msk vm2, v1  }
0x2cf: {  	v20 =	vmul.f32 $2.560000000e+02, v10;
	v12 =	vsub.f32 v14, v12;
	v7 =	vadd.f32 v31, v7;
	[tilespmem:v22+s26+$0x0] =	vst.idx.add.f32.msk vm4, v1  }
.Ltmp8:
0x2d0: {  	v11 =	vmul.f32 v29, v11;
	v21 =	vadd.f32 $1.000000000e+00, v13;
	v13 =	vadd.f32 v13, v13;
	[tilespmem:v23+s26+$0x0] =	vst.idx.add.f32.msk vm5, v1;
	(pc) =	sbr.rel @p0 .LBB2_18-.Ltmp8, $4  }
0x2d1: {  	v17 =	vmul.f32 $2.048000000e+03, v17;
	v22 =	vmul.f32 $2.560000000e+02, v12;
	v14 =	vsub.f32 v18, v19;
	[tilespmem:v24+s26+$0x0] =	vst.idx.add.f32.msk vm3, v1  }
0x2d2: {  	v18 =	vmul.f32 $2.048000000e+03, v27;
	v11 =	vsub.f32 v28, v11;
	v13 =	vmul.f32 v31, v13;
	[tilespmem:v25+s26+$0x0] =	vst.idx.add.f32.msk vm6, v1  }
0x2d3: {  	v23 =	vmin.f32 v30, $2.047500000e+03;
	v19 =	vmul.f32 $2.048000000e+03, v29;
	v25 =	vmul.f32 $2.560000000e+02, v14;
	[tilespmem:v26+s26+$0x0] =	vst.idx.add.f32.msk vm7, v1  }
0x2d4: {  	v24 =	vmul.f32 $2.560000000e+02, v11;
	v13 =	vsub.f32 v21, v13;
	v21 =	vmul.f32 $2.048000000e+03, v31  }
0x2d5: {  	v15 =	vmin.f32 v15, $2.047500000e+03;
	v16 =	vmin.f32 v16, $2.047500000e+03  }
0x2d6: {  	v20 =	vmin.f32 v20, $2.047500000e+03;
	v22 =	vmin.f32 v22, $2.047500000e+03;
	v25 =	vmin.f32 v25, $2.047500000e+03  }
0x2d7: {  	v2 =	vadd.f32 v23, v2;
	vm0 =	vgt.f32 v3, $0.0e+00;
	vm1 =	vgt.f32 v6, $0.0e+00  }
0x2d8: {  	vm2 =	vgt.f32 v8, $0.0e+00;
	vm3 =	vgt.f32 v10, $0.0e+00;
	vm4 =	vgt.f32 v12, $0.0e+00  }
0x2d9: {  	v26 =	vmul.f32 $2.560000000e+02, v13;
	v4 =	vadd.f32 v15, v4;
	v57 =	vmin.f32 v24, $2.047500000e+03  }
0x2da: {  	v5 =	vadd.f32 v16, v5;
	v9 =	vadd.f32 v20, v9;
	v2 =	vtrunc.f32 v2  }
0x2db: {  	v17 =	vadd.f32 v22, v17;
	v4 =	vtrunc.f32 v4;
	v2 =	vcvt.f32.s32 v2  }
0x2dc: {  	v18 =	vadd.f32 v25, v18;
	v3 =	vtrunc.f32 v5;
	v4 =	vcvt.f32.s32 v4  }
0x2dd: {  	v15 =	vadd.f32 v57, v19;
	v59 =	vtrunc.f32 v9;
	v3 =	vcvt.f32.s32 v3  }
0x2de: {  	v58 =	vmin.f32 v26, $2.047500000e+03;
	v60 =	vtrunc.f32 v17;
	v5 =	vcvt.f32.s32 v59  }
0x2df: {  	v61 =	vtrunc.f32 v18;
	v16 =	vadd.f32 v58, v21;
	v6 =	vcvt.f32.s32 v60  }
0x2e0: {  	vm5 =	vgt.f32 v14, $0.0e+00;
	v62 =	vtrunc.f32 v15;
	v8 =	vcvt.f32.s32 v61  }
0x2e1: {  	vm6 =	vgt.f32 v11, $0.0e+00;
	v9 =	vcvt.f32.s32 v62;
	v63 =	vtrunc.f32 v16;
	[tilespmem:v2+s26+$0x0] =	vst.idx.add.f32.msk vm0, v1  }
0x2e2: {  	vm15 =	vgt.f32 v13, $0.0e+00;
	v2 =	vcvt.f32.s32 v63;
	[tilespmem:v4+s26+$0x0] =	vst.idx.add.f32.msk vm1, v1  }
0x2e3: {  	[tilespmem:v3+s26+$0x0] =	vst.idx.add.f32.msk vm2, v1  }
0x2e4: {  	[tilespmem:v5+s26+$0x0] =	vst.idx.add.f32.msk vm3, v1  }
0x2e5: {  	[tilespmem:v6+s26+$0x0] =	vst.idx.add.f32.msk vm4, v1  }
0x2e6: {  	[tilespmem:v8+s26+$0x0] =	vst.idx.add.f32.msk vm5, v1  }
0x2e7: {  	[tilespmem:v9+s26+$0x0] =	vst.idx.add.f32.msk vm6, v1  }
0x2e8: {  	[tilespmem:v2+s26+$0x0] =	vst.idx.add.f32.msk vm15, v1  }
0x2e9: {  	s1 =	simm.s32 $0x80;
	s3 =	simm.s32 $0x400;
	[tilespmem:$0x9000] =	vst v7  }
0x2ea: {  	[hbm4b:s19+s1] =	stream.strided.scatter [tilespmem:s26], [sflag:$0x3], $0x1000, s3, s1, $0x38;
	[tilespmem:$0x9080] =	vst v63  }
0x2eb: {  	s0 =	sadd.s32 $0x1, s0;
	_ =	swait.ge [sflag:s31], $0x1000  }
0x2ec: {  	p0 =	sne.s32 s0, s21;
	[sflag:s31] =	ssyncset.done $0x0  }
.Ltmp9:
0x2ed: {  	s30 =	simm.s32 $0x9000;
	[sflag:s31] =	ssyncadd.s32 $0xFFFFF000;
	(pc) =	sbr.rel @p0 .LBB2_1-.Ltmp9, $4  }
0x2ee: {  	[hbm4b:s20+s2] =	stream.linear.scatter [tilespmem:s30], [sflag:$0x3], $0x80, $0x38;
	[tilespmem:$0x9080] =	vst v63  }
0x2ef: {  	_ =	swait.ge [sflag:s31], $0x80  }
0x2f0: {  	[sflag:s31] =	ssyncset.done $0x0  }
0x2f1: {  	[sflag:s31] =	ssyncadd.s32 $0xFFFFFF80  }
0x2f2: {  	_ =	sfence.sel $0x180000  }
0x2f3: {  	[bflag:$0x0] =	sbarrier.arrive $0xFFFF  }
0x2f4: {  	_ =	strace $0x90000047  }
0x2f5: {  	s0 =	stileid.u32;
	[bflag:$0x2] =	sbarrier.arrive $0xFFFF  }
0x2f6: {  	p0 =	sne.s32 s0, $0x0;
	s0 =	rddreg [dreg:$0x4]  }
0x2f7: {  	s0 =	sadd.s32 @!p0 $0x100000, s0  }
0x2f8: {  	[sflag:s0] =	ssyncadd.tile.s32 @!p0 $0x1;
	_ =	shalt  }
.Lfunc_end2:
_tile_overlayer_lowered:
.L_overlay_start_2:
0x2f9: {  	(tag) =	ssettag $0x2  }
0x2fa: {  	s0 =	rddreg [dreg:$0x0];
	s2 =	stileid.u32  }
0x2fb: {  	s1 =	rddreg [dreg:$0x1];
	p0 =	sne.s32 s2, $0x0  }
0x2fc: {  	s3 =	rddreg [dreg:$0x2];
	[bflag:$0x3] =	sbarrier.arrive $0xFFFF;
	s2 =	simm.s32 @!p0 $0x1C03  }
0x2fd: {  	[timem:s3], [sflag:s2] =	dma.local @!p0 [hbm:s0], s1  }
0x2fe: {  	s0 =	simm.s32 @!p0 $0x3  }
0x2ff: {  	_ =	swait.ge @!p0 [sflag:s0], s1  }
0x300: {  	s1 =	ssub.s32 @!p0 $0x0, s1;
	[sflag:s0] =	ssyncset.done @!p0 $0x0  }
0x301: {  	[sflag:s0] =	ssyncadd.s32 @!p0 s1  }
0x302: {  	[bflag:$0x3] =	sbarrier.arrive $0xFFFF  }
0x303: {  	_ =	shalt  }

</sc_bundles>
